<compile_context>
chip_gen: v7x
topology: tpu7x:2x2x1
jax: 0.10.2.dev20260603
libtpu: 0.0.44.dev20260713+nightly
codegen_flags: <defaults>
</compile_context>

<pallas_src>
import functools

import jax
import jax.numpy as jnp
from jax import lax
from jax.experimental import pallas as pl
from jax.experimental.pallas import tpu as pltpu
from jax.experimental.pallas import tpu_sc as plsc

N = 10000
E = 320000
F_IN = 128
D_IN = 64
H = 128

NC = 2
NS = 16
NW = NC * NS
NPAD = 10240
RPT = NPAD // NS
C2 = 128
NCHG = E // C2
NCHP = NCHG + 4
NCH2 = 80
HNCH = NCH2 // 2

_MESH = plsc.VectorSubcoreMesh(
    core_axis_name="c", subcore_axis_name="s", num_cores=NC, num_subcores=NS
)



@functools.partial(
    pl.kernel,
    out_type=jax.ShapeDtypeStruct((NC, 2, NPAD), jnp.float32),
    mesh=_MESH,
    scratch_types=[
        pltpu.VMEM((NCH2, C2), jnp.int32),
        pltpu.VMEM((NCH2, C2), jnp.int32),
        pltpu.VMEM((C2,), jnp.float32),
        pltpu.VMEM_SHARED((NPAD,), jnp.float32),
        pltpu.VMEM_SHARED((NPAD,), jnp.float32),
        pltpu.SemaphoreType.DMA,
    ],
)
def _sc_degrees(src_hbm, dst_hbm, zvec_hbm, out_hbm, sidx, didx, ones, acc_in, acc_out, sem):
    c = lax.axis_index("c")
    s = lax.axis_index("s")
    w = c * NS + s
    start = w * NCH2
    nch = jnp.minimum(NCHG - start, NCH2)
    off = pl.multiple_of(jnp.minimum(start, NCHP - NCH2), 8)
    jb = start - off
    cps = [
        pltpu.async_copy(src_hbm.at[pl.ds(off, NCH2)], sidx, sem),
        pltpu.async_copy(dst_hbm.at[pl.ds(off, NCH2)], didx, sem),
        pltpu.async_copy(zvec_hbm, acc_in.at[pl.ds(s * RPT, RPT)], sem),
        pltpu.async_copy(zvec_hbm, acc_out.at[pl.ds(s * RPT, RPT)], sem),
    ]
    for i in range(C2 // 16):
        ones[pl.ds(i * 16, 16)] = jnp.ones((16,), jnp.float32)
    for cp in cps:
        cp.wait()
    plsc.subcore_barrier()

    def body(j, carry):
        pltpu.async_copy(ones, acc_in.at[didx.at[j]], sem, add=True)
        pltpu.async_copy(ones, acc_out.at[sidx.at[j]], sem, add=True)
        return carry

    def drain(j, carry):
        pltpu.make_async_copy(ones, acc_in.at[didx.at[j]], sem).wait()
        pltpu.make_async_copy(ones, acc_out.at[sidx.at[j]], sem).wait()
        return carry

    lax.fori_loop(jb, jb + nch, body, 0)
    lax.fori_loop(jb, jb + nch, drain, 0)
    plsc.subcore_barrier()
    pltpu.sync_copy(acc_in.at[pl.ds(s * RPT, RPT)], out_hbm.at[c, 0, pl.ds(s * RPT, RPT)])
    pltpu.sync_copy(acc_out.at[pl.ds(s * RPT, RPT)], out_hbm.at[c, 1, pl.ds(s * RPT, RPT)])


@functools.partial(
    pl.kernel,
    out_type=jax.ShapeDtypeStruct((NC, NPAD, H), jnp.float32),
    mesh=_MESH,
    scratch_types=[
        pltpu.VMEM((HNCH, C2), jnp.int32),
        pltpu.VMEM((HNCH, C2), jnp.int32),
        pltpu.VMEM((C2, H), jnp.float32),
        pltpu.VMEM((C2, H), jnp.float32),
        pltpu.VMEM_SHARED((NPAD, H), jnp.float32),
        pltpu.SemaphoreType.DMA,
        pltpu.SemaphoreType.DMA,
    ],
)
def _sc_conv(xn_hbm, src_hbm, dst_hbm, zrows_hbm, out_hbm, sidx, didx,
             rows0, rows1, acc, gsem0, gsem1):
    c = lax.axis_index("c")
    s = lax.axis_index("s")
    w = c * NS + s
    zcp = pltpu.async_copy(zrows_hbm, acc.at[pl.ds(s * RPT, RPT)], gsem1)
    nch = jnp.minimum(NCHG - w * NCH2, NCH2)

    for half in range(2):
        start = w * NCH2 + half * HNCH
        cnt = jnp.clip(nch - half * HNCH, 0, HNCH)
        off = pl.multiple_of(jnp.minimum(start, NCHP - HNCH), 8)
        jb = start - off
        npairs = cnt // 2

        scp = pltpu.async_copy(src_hbm.at[pl.ds(off, HNCH)], sidx, gsem0)
        dcp = pltpu.async_copy(dst_hbm.at[pl.ds(off, HNCH)], didx, gsem1)
        scp.wait()
        dcp.wait()
        if half == 0:
            zcp.wait()
            plsc.subcore_barrier()

        @pl.when(npairs > 0)
        def _half():
            pltpu.async_copy(xn_hbm.at[sidx.at[jb]], rows0, gsem0)

            def body(k, carry):
                j0 = jb + 2 * k
                pltpu.async_copy(xn_hbm.at[sidx.at[j0 + 1]], rows1, gsem1)
                pltpu.make_async_copy(xn_hbm.at[sidx.at[j0]], rows0, gsem0).wait()
                pltpu.sync_copy(rows0, acc.at[didx.at[j0]], add=True)

                @pl.when(k < npairs - 1)
                def _():
                    pltpu.async_copy(xn_hbm.at[sidx.at[j0 + 2]], rows0, gsem0)

                pltpu.make_async_copy(xn_hbm.at[sidx.at[j0 + 1]], rows1, gsem1).wait()
                pltpu.sync_copy(rows1, acc.at[didx.at[j0 + 1]], add=True)
                return carry

            lax.fori_loop(0, npairs, body, 0)

    plsc.subcore_barrier()
    pltpu.sync_copy(acc.at[pl.ds(s * RPT, RPT)], out_hbm.at[c, pl.ds(s * RPT, RPT)])



_R = 400
_PREC = lax.Precision.DEFAULT


def _norms_from_deg(d):
    deg_in = d[:, 0:1] + d[:, 2:3]
    deg_out = d[:, 1:2] + d[:, 3:4]
    norm_dst = lax.rsqrt(jnp.maximum(deg_in, 1.0))
    norm_src = lax.rsqrt(jnp.maximum(deg_out, 1.0))
    return norm_src, norm_dst


def _project_body(f_ref, nt_ref, deg_ref, wp_ref, bp_ref, wd_ref, bd_ref, out_ref):
    f = f_ref[...]
    hp = jnp.dot(f, wp_ref[...], preferred_element_type=jnp.float32, precision=_PREC)
    hd = jnp.dot(f[:, :D_IN], wd_ref[...], preferred_element_type=jnp.float32, precision=_PREC)
    h = jnp.where(nt_ref[...] == 0, hp + bp_ref[...], hd + bd_ref[...])
    norm_src, _ = _norms_from_deg(deg_ref[...])
    out_ref[...] = h * norm_src


def _tc_project(features, nt2, degT, Wp, bp, Wd, bd):
    grid = (N // _R,)
    return pl.pallas_call(
        _project_body,
        grid=grid,
        in_specs=[
            pl.BlockSpec((_R, F_IN), lambda i: (i, 0)),
            pl.BlockSpec((_R, 1), lambda i: (i, 0)),
            pl.BlockSpec((_R, 4), lambda i: (i, 0)),
            pl.BlockSpec((F_IN, H), lambda i: (0, 0)),
            pl.BlockSpec((1, H), lambda i: (0, 0)),
            pl.BlockSpec((D_IN, H), lambda i: (0, 0)),
            pl.BlockSpec((1, H), lambda i: (0, 0)),
        ],
        out_specs=pl.BlockSpec((_R, H), lambda i: (i, 0)),
        out_shape=jax.ShapeDtypeStruct((N, H), jnp.float32),
    )(features, nt2, degT, Wp, bp, Wd, bd)


def _make_post_body(relu, scale_src):
    def body(agg_ref, deg_ref, w_ref, b_ref, out_ref):
        a = agg_ref[...]
        norm_src, norm_dst = _norms_from_deg(deg_ref[...])
        agg = (a[0] + a[1]) * norm_dst
        y = jnp.dot(agg, w_ref[...], preferred_element_type=jnp.float32, precision=_PREC)
        y = y + b_ref[...]
        if relu:
            y = jnp.maximum(y, 0.0)
        if scale_src:
            y = y * norm_src
        out_ref[...] = y
    return body


def _tc_post(aggp, degT, W, b, relu, scale_src):
    grid = (N // _R,)
    return pl.pallas_call(
        _make_post_body(relu, scale_src),
        grid=grid,
        in_specs=[
            pl.BlockSpec((NC, _R, H), lambda i: (0, i, 0)),
            pl.BlockSpec((_R, 4), lambda i: (i, 0)),
            pl.BlockSpec((H, H), lambda i: (0, 0)),
            pl.BlockSpec((1, H), lambda i: (0, 0)),
        ],
        out_specs=pl.BlockSpec((_R, H), lambda i: (i, 0)),
        out_shape=jax.ShapeDtypeStruct((N, H), jnp.float32),
    )(aggp, degT, W, b)



def kernel(features, edge_index, node_type, W_person, b_person, W_disease,
           b_disease, W1, b1, W2, b2):
    epad = jnp.zeros(((NCHP - NCHG) * C2,), jnp.int32)
    srcp = jnp.concatenate([edge_index[0], epad]).reshape(NCHP, C2)
    dstp = jnp.concatenate([edge_index[1], epad]).reshape(NCHP, C2)
    zvec = jnp.zeros((RPT,), jnp.float32)
    zrows = jnp.zeros((RPT, H), jnp.float32)

    degp = _sc_degrees(srcp, dstp, zvec)
    degT = jnp.moveaxis(degp[:, :, :N], 2, 0).reshape(N, NC * 2)

    nt2 = node_type.reshape(N, 1)
    xn1 = _tc_project(features, nt2, degT, W_person, b_person.reshape(1, H),
                      W_disease, b_disease.reshape(1, H))

    aggp1 = _sc_conv(xn1, srcp, dstp, zrows)
    xn2 = _tc_post(aggp1, degT, W1, b1.reshape(1, H), relu=True, scale_src=True)

    aggp2 = _sc_conv(xn2, srcp, dstp, zrows)
    z = _tc_post(aggp2, degT, W2, b2.reshape(1, H), relu=False, scale_src=False)
    return z

# --- scband reference (transcript-rebuilt; emitter-appended) ---
"""Pipeline reference for scband-hetero-projection-gnn-85495618994897 (READ-ONLY COPY).

The authoritative reference and input builder live on the scoring server;
editing this copy changes nothing except your own understanding.
"""

import jax, jax.numpy as jnp
import numpy as np

N = 10000
E = 320000
F_IN = 128
D_IN = 64
H = 128


def setup_inputs(seed: int = 0) -> dict:
    key = jax.random.key(seed)
    ks = jax.random.split(key, 12)
    features = jax.random.normal(ks[0], (N, F_IN), dtype=jnp.float32)
    edge_index = jax.random.randint(ks[1], (2, E), 0, N, dtype=jnp.int32)
    node_type = jax.random.randint(ks[2], (N,), 0, 2, dtype=jnp.int32)
    W_person = jax.random.normal(ks[3], (F_IN, H), dtype=jnp.float32) * 0.05
    b_person = jnp.zeros((H,), dtype=jnp.float32)
    W_disease = jax.random.normal(ks[4], (D_IN, H), dtype=jnp.float32) * 0.05
    b_disease = jnp.zeros((H,), dtype=jnp.float32)
    W1 = jax.random.normal(ks[5], (H, H), dtype=jnp.float32) * 0.05
    b1 = jnp.zeros((H,), dtype=jnp.float32)
    W2 = jax.random.normal(ks[6], (H, H), dtype=jnp.float32) * 0.05
    b2 = jnp.zeros((H,), dtype=jnp.float32)
    return {
        "features": features,
        "edge_index": edge_index,
        "node_type": node_type,
        "W_person": W_person,
        "b_person": b_person,
        "W_disease": W_disease,
        "b_disease": b_disease,
        "W1": W1,
        "b1": b1,
        "W2": W2,
        "b2": b2,
    }


def reference(features, edge_index, node_type, W_person, b_person, W_disease, b_disease, W1, b1, W2, b2):
    # Per-type projection into common hidden_dim.
    # person (type 0) uses all F_IN dims; disease (type 1) uses first D_IN dims,
    # matching features[mask, :original_dim] in the torch module.
    mask_p = (node_type == 0)
    proj_p = features @ W_person + b_person
    proj_d = features[:, :D_IN] @ W_disease + b_disease
    h = jnp.where(mask_p[:, None], proj_p, proj_d)

    src = edge_index[0]
    dst = edge_index[1]
    deg_in = jnp.zeros((N,), jnp.float32).at[dst].add(1.0)
    deg_out = jnp.zeros((N,), jnp.float32).at[src].add(1.0)
    norm_dst = 1.0 / jnp.sqrt(jnp.clip(deg_in, 1.0))
    norm_src = 1.0 / jnp.sqrt(jnp.clip(deg_out, 1.0))

    def gcn_conv(x, W, b):
        # symmetric-normalized graph convolution: D^{-1/2} A D^{-1/2} X W + b
        msg = (x * norm_src[:, None])[src]
        agg = jax.ops.segment_sum(msg, dst, num_segments=N)
        agg = agg * norm_dst[:, None]
        return agg @ W + b

    h1 = jax.nn.relu(gcn_conv(h, W1, b1))
    z = gcn_conv(h1, W2, b2)
    return z

if __name__ == "__main__":
    import jax
    _d = setup_inputs()
    print(jax.jit(kernel)(*tuple(_d.values())))

</pallas_src>

<mosaic_0001>
#map = affine_map<(d0, d1) -> (0, 0)>
#map1 = affine_map<(d0, d1) -> (0)>
#map2 = affine_map<(d0, d1) -> (0, 0, 0)>
module attributes {stable_mosaic.version = 14 : i64} {
  func.func @_sc_degrees(%arg0: i32, %arg1: i32, %arg2: memref<2504x128xi32, #tpu.memory_space<hbm>>, %arg3: memref<2504x128xi32, #tpu.memory_space<hbm>>, %arg4: memref<640xf32, #tpu.memory_space<hbm>>, %arg5: memref<2x2x10240xf32, #tpu.memory_space<hbm>>, %arg6: memref<80x128xi32, #tpu.memory_space<vmem>>, %arg7: memref<80x128xi32, #tpu.memory_space<vmem>>, %arg8: memref<128xf32, #tpu.memory_space<vmem>>, %arg9: memref<10240xf32, #tpu.memory_space<vmem_shared>>, %arg10: memref<10240xf32, #tpu.memory_space<vmem_shared>>, %arg11: memref<!tpu.dma_semaphore, #tpu.memory_space<semaphore_mem>>) attributes {dimension_semantics = [#tpu.dimension_semantics<core_parallel>, #tpu.dimension_semantics<subcore_parallel>], iteration_bounds = array<i64: 2, 16>, scalar_prefetch = 0 : i64, scratch_operands = 6 : i64, tpu.core_type = #tpu.core_type<sc_vector_subcore>, window_params = [{transform_indices = #map}, {transform_indices = #map}, {transform_indices = #map1}, {transform_indices = #map2}]} {
    %mul3A = arith.constant 16 : i32
    %mul3A_0 = arith.muli %arg0, %mul3A : i32
    %add3A = arith.addi %mul3A_0, %arg1 : i32
    %mul3A_1 = arith.constant 80 : i32
    %mul3A_2 = arith.muli %add3A, %mul3A_1 : i32
    %sub3A = arith.constant 2500 : i32
    %sub3A_3 = arith.subi %sub3A, %mul3A_2 : i32
    %min3A = arith.constant 80 : i32
    %min3A_4 = arith.minsi %sub3A_3, %min3A : i32
    %min3A_5 = arith.constant 2424 : i32
    %min3A_6 = arith.minsi %mul3A_2, %min3A_5 : i32
    %multiple_of3A = tpu.assume_multiple %min3A_6, 8 : i32
    %sub3A_7 = arith.subi %mul3A_2, %multiple_of3A : i32
    %dma_start3A = arith.constant 0 : i32
    %dma_start3A_8 = tpu.memref_slice %arg2[%multiple_of3A, %dma_start3A] : memref<2504x128xi32, #tpu.memory_space<hbm>> -> memref<80x128xi32, #tpu.memory_space<hbm>>
    %dma_start3A_9 = arith.constant 0 : i32
    %dma_start3A_10 = tpu.memref_slice %arg2[%multiple_of3A, %dma_start3A_9] : memref<2504x128xi32, #tpu.memory_space<hbm>> -> memref<80x128xi32, #tpu.memory_space<hbm>>
    tpu.enqueue_dma source(%dma_start3A_10 : memref<80x128xi32, #tpu.memory_space<hbm>>) target(%arg6 : memref<80x128xi32, #tpu.memory_space<vmem>>) target_semaphore(%arg11 : memref<!tpu.dma_semaphore, #tpu.memory_space<semaphore_mem>>)
    %dma_start3A_11 = arith.constant 0 : i32
    %dma_start3A_12 = tpu.memref_slice %arg3[%multiple_of3A, %dma_start3A_11] : memref<2504x128xi32, #tpu.memory_space<hbm>> -> memref<80x128xi32, #tpu.memory_space<hbm>>
    %dma_start3A_13 = arith.constant 0 : i32
    %dma_start3A_14 = tpu.memref_slice %arg3[%multiple_of3A, %dma_start3A_13] : memref<2504x128xi32, #tpu.memory_space<hbm>> -> memref<80x128xi32, #tpu.memory_space<hbm>>
    tpu.enqueue_dma source(%dma_start3A_14 : memref<80x128xi32, #tpu.memory_space<hbm>>) target(%arg7 : memref<80x128xi32, #tpu.memory_space<vmem>>) target_semaphore(%arg11 : memref<!tpu.dma_semaphore, #tpu.memory_space<semaphore_mem>>)
    %mul3A_15 = arith.constant 640 : i32
    %mul3A_16 = arith.muli %arg1, %mul3A_15 : i32
    %dma_start3A_17 = tpu.memref_slice %arg9[%mul3A_16] : memref<10240xf32, #tpu.memory_space<vmem_shared>> -> memref<640xf32, #tpu.memory_space<vmem_shared>>
    tpu.enqueue_dma source(%arg4 : memref<640xf32, #tpu.memory_space<hbm>>) target(%dma_start3A_17 : memref<640xf32, #tpu.memory_space<vmem_shared>>) target_semaphore(%arg11 : memref<!tpu.dma_semaphore, #tpu.memory_space<semaphore_mem>>)
    %mul3A_18 = arith.constant 640 : i32
    %mul3A_19 = arith.muli %arg1, %mul3A_18 : i32
    %dma_start3A_20 = tpu.memref_slice %arg10[%mul3A_19] : memref<10240xf32, #tpu.memory_space<vmem_shared>> -> memref<640xf32, #tpu.memory_space<vmem_shared>>
    tpu.enqueue_dma source(%arg4 : memref<640xf32, #tpu.memory_space<hbm>>) target(%dma_start3A_20 : memref<640xf32, #tpu.memory_space<vmem_shared>>) target_semaphore(%arg11 : memref<!tpu.dma_semaphore, #tpu.memory_space<semaphore_mem>>)
    %broadcast_in_dim3A = arith.constant 1.000000e+00 : f32
    %broadcast_in_dim3A_21 = vector.broadcast %broadcast_in_dim3A : f32 to vector<16xf32>
    %swap3A = arith.constant 0 : index
    %swap3A_22 = tpu.vector_load %arg8[%swap3A] {strides = array<i32>} : memref<128xf32, #tpu.memory_space<vmem>>, vector<16xf32>,
    %swap3A_23 = vector.shape_cast %swap3A_22 : vector<16xf32> to vector<16xf32>
    %swap3A_24 = vector.shape_cast %broadcast_in_dim3A_21 : vector<16xf32> to vector<16xf32>
    tpu.vector_store %arg8[%swap3A], %swap3A_24 {strides = array<i32>} : memref<128xf32, #tpu.memory_space<vmem>>, vector<16xf32>,
    %broadcast_in_dim3A_25 = arith.constant 1.000000e+00 : f32
    %broadcast_in_dim3A_26 = vector.broadcast %broadcast_in_dim3A_25 : f32 to vector<16xf32>
    %swap3A_27 = arith.constant 16 : index
    %swap3A_28 = tpu.vector_load %arg8[%swap3A_27] {strides = array<i32>} : memref<128xf32, #tpu.memory_space<vmem>>, vector<16xf32>,
    %swap3A_29 = vector.shape_cast %swap3A_28 : vector<16xf32> to vector<16xf32>
    %swap3A_30 = vector.shape_cast %broadcast_in_dim3A_26 : vector<16xf32> to vector<16xf32>
    tpu.vector_store %arg8[%swap3A_27], %swap3A_30 {strides = array<i32>} : memref<128xf32, #tpu.memory_space<vmem>>, vector<16xf32>,
    %broadcast_in_dim3A_31 = arith.constant 1.000000e+00 : f32
    %broadcast_in_dim3A_32 = vector.broadcast %broadcast_in_dim3A_31 : f32 to vector<16xf32>
    %swap3A_33 = arith.constant 32 : index
    %swap3A_34 = tpu.vector_load %arg8[%swap3A_33] {strides = array<i32>} : memref<128xf32, #tpu.memory_space<vmem>>, vector<16xf32>,
    %swap3A_35 = vector.shape_cast %swap3A_34 : vector<16xf32> to vector<16xf32>
    %swap3A_36 = vector.shape_cast %broadcast_in_dim3A_32 : vector<16xf32> to vector<16xf32>
    tpu.vector_store %arg8[%swap3A_33], %swap3A_36 {strides = array<i32>} : memref<128xf32, #tpu.memory_space<vmem>>, vector<16xf32>,
    %broadcast_in_dim3A_37 = arith.constant 1.000000e+00 : f32
    %broadcast_in_dim3A_38 = vector.broadcast %broadcast_in_dim3A_37 : f32 to vector<16xf32>
    %swap3A_39 = arith.constant 48 : index
    %swap3A_40 = tpu.vector_load %arg8[%swap3A_39] {strides = array<i32>} : memref<128xf32, #tpu.memory_space<vmem>>, vector<16xf32>,
    %swap3A_41 = vector.shape_cast %swap3A_40 : vector<16xf32> to vector<16xf32>
    %swap3A_42 = vector.shape_cast %broadcast_in_dim3A_38 : vector<16xf32> to vector<16xf32>
    tpu.vector_store %arg8[%swap3A_39], %swap3A_42 {strides = array<i32>} : memref<128xf32, #tpu.memory_space<vmem>>, vector<16xf32>,
    %broadcast_in_dim3A_43 = arith.constant 1.000000e+00 : f32
    %broadcast_in_dim3A_44 = vector.broadcast %broadcast_in_dim3A_43 : f32 to vector<16xf32>
    %swap3A_45 = arith.constant 64 : index
    %swap3A_46 = tpu.vector_load %arg8[%swap3A_45] {strides = array<i32>} : memref<128xf32, #tpu.memory_space<vmem>>, vector<16xf32>,
    %swap3A_47 = vector.shape_cast %swap3A_46 : vector<16xf32> to vector<16xf32>
    %swap3A_48 = vector.shape_cast %broadcast_in_dim3A_44 : vector<16xf32> to vector<16xf32>
    tpu.vector_store %arg8[%swap3A_45], %swap3A_48 {strides = array<i32>} : memref<128xf32, #tpu.memory_space<vmem>>, vector<16xf32>,
    %broadcast_in_dim3A_49 = arith.constant 1.000000e+00 : f32
    %broadcast_in_dim3A_50 = vector.broadcast %broadcast_in_dim3A_49 : f32 to vector<16xf32>
    %swap3A_51 = arith.constant 80 : index
    %swap3A_52 = tpu.vector_load %arg8[%swap3A_51] {strides = array<i32>} : memref<128xf32, #tpu.memory_space<vmem>>, vector<16xf32>,
    %swap3A_53 = vector.shape_cast %swap3A_52 : vector<16xf32> to vector<16xf32>
    %swap3A_54 = vector.shape_cast %broadcast_in_dim3A_50 : vector<16xf32> to vector<16xf32>
    tpu.vector_store %arg8[%swap3A_51], %swap3A_54 {strides = array<i32>} : memref<128xf32, #tpu.memory_space<vmem>>, vector<16xf32>,
    %broadcast_in_dim3A_55 = arith.constant 1.000000e+00 : f32
    %broadcast_in_dim3A_56 = vector.broadcast %broadcast_in_dim3A_55 : f32 to vector<16xf32>
    %swap3A_57 = arith.constant 96 : index
    %swap3A_58 = tpu.vector_load %arg8[%swap3A_57] {strides = array<i32>} : memref<128xf32, #tpu.memory_space<vmem>>, vector<16xf32>,
    %swap3A_59 = vector.shape_cast %swap3A_58 : vector<16xf32> to vector<16xf32>
    %swap3A_60 = vector.shape_cast %broadcast_in_dim3A_56 : vector<16xf32> to vector<16xf32>
    tpu.vector_store %arg8[%swap3A_57], %swap3A_60 {strides = array<i32>} : memref<128xf32, #tpu.memory_space<vmem>>, vector<16xf32>,
    %broadcast_in_dim3A_61 = arith.constant 1.000000e+00 : f32
    %broadcast_in_dim3A_62 = vector.broadcast %broadcast_in_dim3A_61 : f32 to vector<16xf32>
    %swap3A_63 = arith.constant 112 : index
    %swap3A_64 = tpu.vector_load %arg8[%swap3A_63] {strides = array<i32>} : memref<128xf32, #tpu.memory_space<vmem>>, vector<16xf32>,
    %swap3A_65 = vector.shape_cast %swap3A_64 : vector<16xf32> to vector<16xf32>
    %swap3A_66 = vector.shape_cast %broadcast_in_dim3A_62 : vector<16xf32> to vector<16xf32>
    tpu.vector_store %arg8[%swap3A_63], %swap3A_66 {strides = array<i32>} : memref<128xf32, #tpu.memory_space<vmem>>, vector<16xf32>,
    %dma_wait3A = arith.constant 0 : i32
    %dma_wait3A_67 = tpu.memref_slice %arg2[%multiple_of3A, %dma_wait3A] : memref<2504x128xi32, #tpu.memory_space<hbm>> -> memref<80x128xi32, #tpu.memory_space<hbm>>
    %dma_wait3A_68 = arith.constant 0 : i32
    %dma_wait3A_69 = tpu.memref_slice %arg2[%multiple_of3A, %dma_wait3A_68] : memref<2504x128xi32, #tpu.memory_space<hbm>> -> memref<80x128xi32, #tpu.memory_space<hbm>>
    tpu.wait_dma2 semaphore(%arg11 : memref<!tpu.dma_semaphore, #tpu.memory_space<semaphore_mem>>) src(%dma_wait3A_69 : memref<80x128xi32, #tpu.memory_space<hbm>>) dst(%arg6 : memref<80x128xi32, #tpu.memory_space<vmem>>)
    %dma_wait3A_70 = arith.constant 0 : i32
    %dma_wait3A_71 = tpu.memref_slice %arg3[%multiple_of3A, %dma_wait3A_70] : memref<2504x128xi32, #tpu.memory_space<hbm>> -> memref<80x128xi32, #tpu.memory_space<hbm>>
    %dma_wait3A_72 = arith.constant 0 : i32
    %dma_wait3A_73 = tpu.memref_slice %arg3[%multiple_of3A, %dma_wait3A_72] : memref<2504x128xi32, #tpu.memory_space<hbm>> -> memref<80x128xi32, #tpu.memory_space<hbm>>
    tpu.wait_dma2 semaphore(%arg11 : memref<!tpu.dma_semaphore, #tpu.memory_space<semaphore_mem>>) src(%dma_wait3A_73 : memref<80x128xi32, #tpu.memory_space<hbm>>) dst(%arg7 : memref<80x128xi32, #tpu.memory_space<vmem>>)
    %dma_wait3A_74 = tpu.memref_slice %arg9[%mul3A_16] : memref<10240xf32, #tpu.memory_space<vmem_shared>> -> memref<640xf32, #tpu.memory_space<vmem_shared>>
    tpu.wait_dma2 semaphore(%arg11 : memref<!tpu.dma_semaphore, #tpu.memory_space<semaphore_mem>>) src(%arg4 : memref<640xf32, #tpu.memory_space<hbm>>) dst(%dma_wait3A_74 : memref<640xf32, #tpu.memory_space<vmem_shared>>)
    %dma_wait3A_75 = tpu.memref_slice %arg10[%mul3A_19] : memref<10240xf32, #tpu.memory_space<vmem_shared>> -> memref<640xf32, #tpu.memory_space<vmem_shared>>
    tpu.wait_dma2 semaphore(%arg11 : memref<!tpu.dma_semaphore, #tpu.memory_space<semaphore_mem>>) src(%arg4 : memref<640xf32, #tpu.memory_space<hbm>>) dst(%dma_wait3A_75 : memref<640xf32, #tpu.memory_space<vmem_shared>>)
    %barrier3A = arith.constant 0 : index
    tpu.barrier barrier_id(%barrier3A)
    %add3A_76 = arith.addi %sub3A_7, %min3A_4 : i32
    %while3A = arith.constant 0 : i32
    %while3A_77 = arith.subi %add3A_76, %sub3A_7 : i32
    %while3A_78 = arith.addi %sub3A_7, %while3A_77 : i32
    %while3A_79 = arith.constant 1 : i32
    %while3A_80 = arith.divsi %while3A_77, %while3A_79 : i32
    %while3A_81 = arith.muli %while3A_80, %while3A_79 : i32
    %while3A_82 = arith.addi %sub3A_7, %while3A_81 : i32
    %while3A_83 = arith.constant 1 : i32
    scf.for %while3A_105 = %sub3A_7 to %while3A_82 step %while3A_83  : i32 {
      %dma_start3A_106 = arith.constant 0 : i32
      %dma_start3A_107 = tpu.memref_slice %arg7[%while3A_105, %dma_start3A_106] : memref<80x128xi32, #tpu.memory_space<vmem>> -> memref<1x128xi32, #tpu.memory_space<vmem>>
      %dma_start3A_108 = tpu.memref_squeeze %dma_start3A_107 : memref<1x128xi32, #tpu.memory_space<vmem>> -> memref<128xi32, #tpu.memory_space<vmem>>
      %dma_start3A_109 = arith.constant 0 : i32
      %dma_start3A_110 = tpu.memref_slice %arg9[%dma_start3A_109] : memref<10240xf32, #tpu.memory_space<vmem_shared>> -> memref<10240xf32, #tpu.memory_space<vmem_shared>>
      tpu.enqueue_indirect_dma source(%arg8 : memref<128xf32, #tpu.memory_space<vmem>>) target(%dma_start3A_110 : memref<10240xf32, #tpu.memory_space<vmem_shared>>) offsets(%dma_start3A_108 : memref<128xi32, #tpu.memory_space<vmem>>) semaphore(%arg11 : memref<!tpu.dma_semaphore, #tpu.memory_space<semaphore_mem>>) {add = true}
      %dma_start3A_111 = arith.constant 0 : i32
      %dma_start3A_112 = tpu.memref_slice %arg6[%while3A_105, %dma_start3A_111] : memref<80x128xi32, #tpu.memory_space<vmem>> -> memref<1x128xi32, #tpu.memory_space<vmem>>
      %dma_start3A_113 = tpu.memref_squeeze %dma_start3A_112 : memref<1x128xi32, #tpu.memory_space<vmem>> -> memref<128xi32, #tpu.memory_space<vmem>>
      %dma_start3A_114 = arith.constant 0 : i32
      %dma_start3A_115 = tpu.memref_slice %arg10[%dma_start3A_114] : memref<10240xf32, #tpu.memory_space<vmem_shared>> -> memref<10240xf32, #tpu.memory_space<vmem_shared>>
      tpu.enqueue_indirect_dma source(%arg8 : memref<128xf32, #tpu.memory_space<vmem>>) target(%dma_start3A_115 : memref<10240xf32, #tpu.memory_space<vmem_shared>>) offsets(%dma_start3A_113 : memref<128xi32, #tpu.memory_space<vmem>>) semaphore(%arg11 : memref<!tpu.dma_semaphore, #tpu.memory_space<semaphore_mem>>) {add = true}
    }
    %while3A_84 = arith.constant 1 : i32
    scf.for %while3A_105 = %while3A_82 to %while3A_78 step %while3A_84  : i32 {
      %dma_start3A_106 = arith.constant 0 : i32
      %dma_start3A_107 = tpu.memref_slice %arg7[%while3A_105, %dma_start3A_106] : memref<80x128xi32, #tpu.memory_space<vmem>> -> memref<1x128xi32, #tpu.memory_space<vmem>>
      %dma_start3A_108 = tpu.memref_squeeze %dma_start3A_107 : memref<1x128xi32, #tpu.memory_space<vmem>> -> memref<128xi32, #tpu.memory_space<vmem>>
      %dma_start3A_109 = arith.constant 0 : i32
      %dma_start3A_110 = tpu.memref_slice %arg9[%dma_start3A_109] : memref<10240xf32, #tpu.memory_space<vmem_shared>> -> memref<10240xf32, #tpu.memory_space<vmem_shared>>
      tpu.enqueue_indirect_dma source(%arg8 : memref<128xf32, #tpu.memory_space<vmem>>) target(%dma_start3A_110 : memref<10240xf32, #tpu.memory_space<vmem_shared>>) offsets(%dma_start3A_108 : memref<128xi32, #tpu.memory_space<vmem>>) semaphore(%arg11 : memref<!tpu.dma_semaphore, #tpu.memory_space<semaphore_mem>>) {add = true}
      %dma_start3A_111 = arith.constant 0 : i32
      %dma_start3A_112 = tpu.memref_slice %arg6[%while3A_105, %dma_start3A_111] : memref<80x128xi32, #tpu.memory_space<vmem>> -> memref<1x128xi32, #tpu.memory_space<vmem>>
      %dma_start3A_113 = tpu.memref_squeeze %dma_start3A_112 : memref<1x128xi32, #tpu.memory_space<vmem>> -> memref<128xi32, #tpu.memory_space<vmem>>
      %dma_start3A_114 = arith.constant 0 : i32
      %dma_start3A_115 = tpu.memref_slice %arg10[%dma_start3A_114] : memref<10240xf32, #tpu.memory_space<vmem_shared>> -> memref<10240xf32, #tpu.memory_space<vmem_shared>>
      tpu.enqueue_indirect_dma source(%arg8 : memref<128xf32, #tpu.memory_space<vmem>>) target(%dma_start3A_115 : memref<10240xf32, #tpu.memory_space<vmem_shared>>) offsets(%dma_start3A_113 : memref<128xi32, #tpu.memory_space<vmem>>) semaphore(%arg11 : memref<!tpu.dma_semaphore, #tpu.memory_space<semaphore_mem>>) {add = true}
    }
    %add3A_85 = arith.addi %sub3A_7, %min3A_4 : i32
    %while3A_86 = arith.constant 0 : i32
    %while3A_87 = arith.subi %add3A_85, %sub3A_7 : i32
    %while3A_88 = arith.addi %sub3A_7, %while3A_87 : i32
    %while3A_89 = arith.constant 1 : i32
    %while3A_90 = arith.divsi %while3A_87, %while3A_89 : i32
    %while3A_91 = arith.muli %while3A_90, %while3A_89 : i32
    %while3A_92 = arith.addi %sub3A_7, %while3A_91 : i32
    %while3A_93 = arith.constant 1 : i32
    scf.for %while3A_105 = %sub3A_7 to %while3A_92 step %while3A_93  : i32 {
      %dma_wait3A_106 = arith.constant 0 : i32
      %dma_wait3A_107 = tpu.memref_slice %arg7[%while3A_105, %dma_wait3A_106] : memref<80x128xi32, #tpu.memory_space<vmem>> -> memref<1x128xi32, #tpu.memory_space<vmem>>
      %dma_wait3A_108 = tpu.memref_squeeze %dma_wait3A_107 : memref<1x128xi32, #tpu.memory_space<vmem>> -> memref<128xi32, #tpu.memory_space<vmem>>
      %dma_wait3A_109 = arith.constant 0 : i32
      %dma_wait3A_110 = tpu.memref_slice %arg9[%dma_wait3A_109] : memref<10240xf32, #tpu.memory_space<vmem_shared>> -> memref<10240xf32, #tpu.memory_space<vmem_shared>>
      tpu.wait_indirect_dma semaphore(%arg11 : memref<!tpu.dma_semaphore, #tpu.memory_space<semaphore_mem>>) src(%arg8 : memref<128xf32, #tpu.memory_space<vmem>>) dst(%dma_wait3A_110 : memref<10240xf32, #tpu.memory_space<vmem_shared>>)
      %dma_wait3A_111 = arith.constant 0 : i32
      %dma_wait3A_112 = tpu.memref_slice %arg6[%while3A_105, %dma_wait3A_111] : memref<80x128xi32, #tpu.memory_space<vmem>> -> memref<1x128xi32, #tpu.memory_space<vmem>>
      %dma_wait3A_113 = tpu.memref_squeeze %dma_wait3A_112 : memref<1x128xi32, #tpu.memory_space<vmem>> -> memref<128xi32, #tpu.memory_space<vmem>>
      %dma_wait3A_114 = arith.constant 0 : i32
      %dma_wait3A_115 = tpu.memref_slice %arg10[%dma_wait3A_114] : memref<10240xf32, #tpu.memory_space<vmem_shared>> -> memref<10240xf32, #tpu.memory_space<vmem_shared>>
      tpu.wait_indirect_dma semaphore(%arg11 : memref<!tpu.dma_semaphore, #tpu.memory_space<semaphore_mem>>) src(%arg8 : memref<128xf32, #tpu.memory_space<vmem>>) dst(%dma_wait3A_115 : memref<10240xf32, #tpu.memory_space<vmem_shared>>)
    }
    %while3A_94 = arith.constant 1 : i32
    scf.for %while3A_105 = %while3A_92 to %while3A_88 step %while3A_94  : i32 {
      %dma_wait3A_106 = arith.constant 0 : i32
      %dma_wait3A_107 = tpu.memref_slice %arg7[%while3A_105, %dma_wait3A_106] : memref<80x128xi32, #tpu.memory_space<vmem>> -> memref<1x128xi32, #tpu.memory_space<vmem>>
      %dma_wait3A_108 = tpu.memref_squeeze %dma_wait3A_107 : memref<1x128xi32, #tpu.memory_space<vmem>> -> memref<128xi32, #tpu.memory_space<vmem>>
      %dma_wait3A_109 = arith.constant 0 : i32
      %dma_wait3A_110 = tpu.memref_slice %arg9[%dma_wait3A_109] : memref<10240xf32, #tpu.memory_space<vmem_shared>> -> memref<10240xf32, #tpu.memory_space<vmem_shared>>
      tpu.wait_indirect_dma semaphore(%arg11 : memref<!tpu.dma_semaphore, #tpu.memory_space<semaphore_mem>>) src(%arg8 : memref<128xf32, #tpu.memory_space<vmem>>) dst(%dma_wait3A_110 : memref<10240xf32, #tpu.memory_space<vmem_shared>>)
      %dma_wait3A_111 = arith.constant 0 : i32
      %dma_wait3A_112 = tpu.memref_slice %arg6[%while3A_105, %dma_wait3A_111] : memref<80x128xi32, #tpu.memory_space<vmem>> -> memref<1x128xi32, #tpu.memory_space<vmem>>
      %dma_wait3A_113 = tpu.memref_squeeze %dma_wait3A_112 : memref<1x128xi32, #tpu.memory_space<vmem>> -> memref<128xi32, #tpu.memory_space<vmem>>
      %dma_wait3A_114 = arith.constant 0 : i32
      %dma_wait3A_115 = tpu.memref_slice %arg10[%dma_wait3A_114] : memref<10240xf32, #tpu.memory_space<vmem_shared>> -> memref<10240xf32, #tpu.memory_space<vmem_shared>>
      tpu.wait_indirect_dma semaphore(%arg11 : memref<!tpu.dma_semaphore, #tpu.memory_space<semaphore_mem>>) src(%arg8 : memref<128xf32, #tpu.memory_space<vmem>>) dst(%dma_wait3A_115 : memref<10240xf32, #tpu.memory_space<vmem_shared>>)
    }
    %barrier3A_95 = arith.constant 0 : index
    tpu.barrier barrier_id(%barrier3A_95)
    %mul3A_96 = arith.constant 640 : i32
    %mul3A_97 = arith.muli %arg1, %mul3A_96 : i32
    %mul3A_98 = arith.constant 640 : i32
    %mul3A_99 = arith.muli %arg1, %mul3A_98 : i32
    %run_scoped3A = arith.constant 0 : i32
    "tpu.region"() ({
      %run_scoped3A_105 = tpu.sem_alloc : memref<!tpu.dma_semaphore, #tpu.memory_space<semaphore_mem>>
      %dma_start3A_106 = tpu.memref_slice %arg5[%arg0, %run_scoped3A, %mul3A_99] : memref<2x2x10240xf32, #tpu.memory_space<hbm>> -> memref<1x1x640xf32, #tpu.memory_space<hbm>>
      %dma_start3A_107 = tpu.memref_squeeze %dma_start3A_106 : memref<1x1x640xf32, #tpu.memory_space<hbm>> -> memref<640xf32, #tpu.memory_space<hbm>>
      %dma_start3A_108 = tpu.memref_slice %arg9[%mul3A_97] : memref<10240xf32, #tpu.memory_space<vmem_shared>> -> memref<640xf32, #tpu.memory_space<vmem_shared>>
      tpu.enqueue_dma source(%dma_start3A_108 : memref<640xf32, #tpu.memory_space<vmem_shared>>) target(%dma_start3A_107 : memref<640xf32, #tpu.memory_space<hbm>>) target_semaphore(%run_scoped3A_105 : memref<!tpu.dma_semaphore, #tpu.memory_space<semaphore_mem>>)
      %dma_wait3A_109 = tpu.memref_slice %arg5[%arg0, %run_scoped3A, %mul3A_99] : memref<2x2x10240xf32, #tpu.memory_space<hbm>> -> memref<1x1x640xf32, #tpu.memory_space<hbm>>
      %dma_wait3A_110 = tpu.memref_squeeze %dma_wait3A_109 : memref<1x1x640xf32, #tpu.memory_space<hbm>> -> memref<640xf32, #tpu.memory_space<hbm>>
      %dma_wait3A_111 = tpu.memref_slice %arg9[%mul3A_97] : memref<10240xf32, #tpu.memory_space<vmem_shared>> -> memref<640xf32, #tpu.memory_space<vmem_shared>>
      tpu.wait_dma2 semaphore(%run_scoped3A_105 : memref<!tpu.dma_semaphore, #tpu.memory_space<semaphore_mem>>) src(%dma_wait3A_111 : memref<640xf32, #tpu.memory_space<vmem_shared>>) dst(%dma_wait3A_110 : memref<640xf32, #tpu.memory_space<hbm>>)
      tpu.yield
    }) : () -> ()
    %mul3A_100 = arith.constant 640 : i32
    %mul3A_101 = arith.muli %arg1, %mul3A_100 : i32
    %mul3A_102 = arith.constant 640 : i32
    %mul3A_103 = arith.muli %arg1, %mul3A_102 : i32
    %run_scoped3A_104 = arith.constant 1 : i32
    "tpu.region"() ({
      %run_scoped3A_105 = tpu.sem_alloc : memref<!tpu.dma_semaphore, #tpu.memory_space<semaphore_mem>>
      %dma_start3A_106 = tpu.memref_slice %arg5[%arg0, %run_scoped3A_104, %mul3A_103] : memref<2x2x10240xf32, #tpu.memory_space<hbm>> -> memref<1x1x640xf32, #tpu.memory_space<hbm>>
      %dma_start3A_107 = tpu.memref_squeeze %dma_start3A_106 : memref<1x1x640xf32, #tpu.memory_space<hbm>> -> memref<640xf32, #tpu.memory_space<hbm>>
      %dma_start3A_108 = tpu.memref_slice %arg10[%mul3A_101] : memref<10240xf32, #tpu.memory_space<vmem_shared>> -> memref<640xf32, #tpu.memory_space<vmem_shared>>
      tpu.enqueue_dma source(%dma_start3A_108 : memref<640xf32, #tpu.memory_space<vmem_shared>>) target(%dma_start3A_107 : memref<640xf32, #tpu.memory_space<hbm>>) target_semaphore(%run_scoped3A_105 : memref<!tpu.dma_semaphore, #tpu.memory_space<semaphore_mem>>)
      %dma_wait3A_109 = tpu.memref_slice %arg5[%arg0, %run_scoped3A_104, %mul3A_103] : memref<2x2x10240xf32, #tpu.memory_space<hbm>> -> memref<1x1x640xf32, #tpu.memory_space<hbm>>
      %dma_wait3A_110 = tpu.memref_squeeze %dma_wait3A_109 : memref<1x1x640xf32, #tpu.memory_space<hbm>> -> memref<640xf32, #tpu.memory_space<hbm>>
      %dma_wait3A_111 = tpu.memref_slice %arg10[%mul3A_101] : memref<10240xf32, #tpu.memory_space<vmem_shared>> -> memref<640xf32, #tpu.memory_space<vmem_shared>>
      tpu.wait_dma2 semaphore(%run_scoped3A_105 : memref<!tpu.dma_semaphore, #tpu.memory_space<semaphore_mem>>) src(%dma_wait3A_111 : memref<640xf32, #tpu.memory_space<vmem_shared>>) dst(%dma_wait3A_110 : memref<640xf32, #tpu.memory_space<hbm>>)
      tpu.yield
    }) : () -> ()
    return
  }
}

#map = affine_map<(d0, d1) -> (0, 0)>
#map1 = affine_map<(d0, d1) -> (0, 0, 0)>
module attributes {stable_mosaic.version = 14 : i64} {
  func.func @_sc_conv(%arg0: i32, %arg1: i32, %arg2: memref<10000x128xf32, #tpu.memory_space<hbm>>, %arg3: memref<2504x128xi32, #tpu.memory_space<hbm>>, %arg4: memref<2504x128xi32, #tpu.memory_space<hbm>>, %arg5: memref<640x128xf32, #tpu.memory_space<hbm>>, %arg6: memref<2x10240x128xf32, #tpu.memory_space<hbm>>, %arg7: memref<40x128xi32, #tpu.memory_space<vmem>>, %arg8: memref<40x128xi32, #tpu.memory_space<vmem>>, %arg9: memref<128x128xf32, #tpu.memory_space<vmem>>, %arg10: memref<128x128xf32, #tpu.memory_space<vmem>>, %arg11: memref<10240x128xf32, #tpu.memory_space<vmem_shared>>, %arg12: memref<!tpu.dma_semaphore, #tpu.memory_space<semaphore_mem>>, %arg13: memref<!tpu.dma_semaphore, #tpu.memory_space<semaphore_mem>>) attributes {dimension_semantics = [#tpu.dimension_semantics<core_parallel>, #tpu.dimension_semantics<subcore_parallel>], iteration_bounds = array<i64: 2, 16>, scalar_prefetch = 0 : i64, scratch_operands = 7 : i64, tpu.core_type = #tpu.core_type<sc_vector_subcore>, window_params = [{transform_indices = #map}, {transform_indices = #map}, {transform_indices = #map}, {transform_indices = #map}, {transform_indices = #map1}]} {
    %mul3A = arith.constant 16 : i32
    %mul3A_0 = arith.muli %arg0, %mul3A : i32
    %add3A = arith.addi %mul3A_0, %arg1 : i32
    %mul3A_1 = arith.constant 640 : i32
    %mul3A_2 = arith.muli %arg1, %mul3A_1 : i32
    %dma_start3A = arith.constant 0 : i32
    %dma_start3A_3 = tpu.memref_slice %arg11[%mul3A_2, %dma_start3A] : memref<10240x128xf32, #tpu.memory_space<vmem_shared>> -> memref<640x128xf32, #tpu.memory_space<vmem_shared>>
    tpu.enqueue_dma source(%arg5 : memref<640x128xf32, #tpu.memory_space<hbm>>) target(%dma_start3A_3 : memref<640x128xf32, #tpu.memory_space<vmem_shared>>) target_semaphore(%arg13 : memref<!tpu.dma_semaphore, #tpu.memory_space<semaphore_mem>>)
    %mul3A_4 = arith.constant 80 : i32
    %mul3A_5 = arith.muli %add3A, %mul3A_4 : i32
    %sub3A = arith.constant 2500 : i32
    %sub3A_6 = arith.subi %sub3A, %mul3A_5 : i32
    %min3A = arith.constant 80 : i32
    %min3A_7 = arith.minsi %sub3A_6, %min3A : i32
    %mul3A_8 = arith.constant 80 : i32
    %mul3A_9 = arith.muli %add3A, %mul3A_8 : i32
    %add3A_10 = arith.constant 0 : i32
    %add3A_11 = arith.addi %mul3A_9, %add3A_10 : i32
    %sub3A_12 = arith.constant 0 : i32
    %sub3A_13 = arith.subi %min3A_7, %sub3A_12 : i32
    %jit3A = arith.constant 0 : i32
    %jit3A_14 = arith.constant 40 : i32
    %max3A = arith.maxsi %jit3A, %sub3A_13 : i32
    %min3A_15 = arith.minsi %jit3A_14, %max3A : i32
    %min3A_16 = arith.constant 2464 : i32
    %min3A_17 = arith.minsi %add3A_11, %min3A_16 : i32
    %multiple_of3A = tpu.assume_multiple %min3A_17, 8 : i32
    %sub3A_18 = arith.subi %add3A_11, %multiple_of3A : i32
    %jit3A_19 = arith.constant 2 : i32
    %div3A = arith.divsi %min3A_15, %jit3A_19 : i32
    %sign3A = arith.constant 0 : i32
    %sign3A_20 = arith.cmpi sgt, %min3A_15, %sign3A : i32
    %sign3A_21 = arith.extui %sign3A_20 : i1 to i32
    %sign3A_22 = arith.constant 0 : i32
    %sign3A_23 = arith.cmpi slt, %min3A_15, %sign3A_22 : i32
    %sign3A_24 = arith.extui %sign3A_23 : i1 to i32
    %sign3A_25 = arith.subi %sign3A_21, %sign3A_24 : i32
    %sign3A_26 = arith.constant 0 : i32
    %sign3A_27 = arith.cmpi sgt, %jit3A_19, %sign3A_26 : i32
    %sign3A_28 = arith.extui %sign3A_27 : i1 to i32
    %sign3A_29 = arith.constant 0 : i32
    %sign3A_30 = arith.cmpi slt, %jit3A_19, %sign3A_29 : i32
    %sign3A_31 = arith.extui %sign3A_30 : i1 to i32
    %sign3A_32 = arith.subi %sign3A_28, %sign3A_31 : i32
    %ne3A = arith.cmpi ne, %sign3A_25, %sign3A_32 : i32
    %rem3A = arith.remsi %min3A_15, %jit3A_19 : i32
    %ne3A_33 = arith.constant 0 : i32
    %ne3A_34 = arith.cmpi ne, %rem3A, %ne3A_33 : i32
    %and3A = arith.andi %ne3A, %ne3A_34 : i1
    %sub3A_35 = arith.constant 1 : i32
    %sub3A_36 = arith.subi %div3A, %sub3A_35 : i32
    %select_n3A = arith.select %and3A, %sub3A_36, %div3A : i32
    %dma_start3A_37 = arith.constant 0 : i32
    %dma_start3A_38 = tpu.memref_slice %arg3[%multiple_of3A, %dma_start3A_37] : memref<2504x128xi32, #tpu.memory_space<hbm>> -> memref<40x128xi32, #tpu.memory_space<hbm>>
    %dma_start3A_39 = arith.constant 0 : i32
    %dma_start3A_40 = tpu.memref_slice %arg3[%multiple_of3A, %dma_start3A_39] : memref<2504x128xi32, #tpu.memory_space<hbm>> -> memref<40x128xi32, #tpu.memory_space<hbm>>
    tpu.enqueue_dma source(%dma_start3A_40 : memref<40x128xi32, #tpu.memory_space<hbm>>) target(%arg7 : memref<40x128xi32, #tpu.memory_space<vmem>>) target_semaphore(%arg12 : memref<!tpu.dma_semaphore, #tpu.memory_space<semaphore_mem>>)
    %dma_start3A_41 = arith.constant 0 : i32
    %dma_start3A_42 = tpu.memref_slice %arg4[%multiple_of3A, %dma_start3A_41] : memref<2504x128xi32, #tpu.memory_space<hbm>> -> memref<40x128xi32, #tpu.memory_space<hbm>>
    %dma_start3A_43 = arith.constant 0 : i32
    %dma_start3A_44 = tpu.memref_slice %arg4[%multiple_of3A, %dma_start3A_43] : memref<2504x128xi32, #tpu.memory_space<hbm>> -> memref<40x128xi32, #tpu.memory_space<hbm>>
    tpu.enqueue_dma source(%dma_start3A_44 : memref<40x128xi32, #tpu.memory_space<hbm>>) target(%arg8 : memref<40x128xi32, #tpu.memory_space<vmem>>) target_semaphore(%arg13 : memref<!tpu.dma_semaphore, #tpu.memory_space<semaphore_mem>>)
    %dma_wait3A = arith.constant 0 : i32
    %dma_wait3A_45 = tpu.memref_slice %arg3[%multiple_of3A, %dma_wait3A] : memref<2504x128xi32, #tpu.memory_space<hbm>> -> memref<40x128xi32, #tpu.memory_space<hbm>>
    %dma_wait3A_46 = arith.constant 0 : i32
    %dma_wait3A_47 = tpu.memref_slice %arg3[%multiple_of3A, %dma_wait3A_46] : memref<2504x128xi32, #tpu.memory_space<hbm>> -> memref<40x128xi32, #tpu.memory_space<hbm>>
    tpu.wait_dma2 semaphore(%arg12 : memref<!tpu.dma_semaphore, #tpu.memory_space<semaphore_mem>>) src(%dma_wait3A_47 : memref<40x128xi32, #tpu.memory_space<hbm>>) dst(%arg7 : memref<40x128xi32, #tpu.memory_space<vmem>>)
    %dma_wait3A_48 = arith.constant 0 : i32
    %dma_wait3A_49 = tpu.memref_slice %arg4[%multiple_of3A, %dma_wait3A_48] : memref<2504x128xi32, #tpu.memory_space<hbm>> -> memref<40x128xi32, #tpu.memory_space<hbm>>
    %dma_wait3A_50 = arith.constant 0 : i32
    %dma_wait3A_51 = tpu.memref_slice %arg4[%multiple_of3A, %dma_wait3A_50] : memref<2504x128xi32, #tpu.memory_space<hbm>> -> memref<40x128xi32, #tpu.memory_space<hbm>>
    tpu.wait_dma2 semaphore(%arg13 : memref<!tpu.dma_semaphore, #tpu.memory_space<semaphore_mem>>) src(%dma_wait3A_51 : memref<40x128xi32, #tpu.memory_space<hbm>>) dst(%arg8 : memref<40x128xi32, #tpu.memory_space<vmem>>)
    %dma_wait3A_52 = arith.constant 0 : i32
    %dma_wait3A_53 = tpu.memref_slice %arg11[%mul3A_2, %dma_wait3A_52] : memref<10240x128xf32, #tpu.memory_space<vmem_shared>> -> memref<640x128xf32, #tpu.memory_space<vmem_shared>>
    tpu.wait_dma2 semaphore(%arg13 : memref<!tpu.dma_semaphore, #tpu.memory_space<semaphore_mem>>) src(%arg5 : memref<640x128xf32, #tpu.memory_space<hbm>>) dst(%dma_wait3A_53 : memref<640x128xf32, #tpu.memory_space<vmem_shared>>)
    %barrier3A = arith.constant 0 : index
    tpu.barrier barrier_id(%barrier3A)
    %gt3A = arith.constant 0 : i32
    %gt3A_54 = arith.cmpi sgt, %select_n3A, %gt3A : i32
    %convert_element_type3A = arith.extui %gt3A_54 : i1 to i32
    %cond3A = arith.constant 0 : i32
    %cond3A_55 = arith.cmpi ne, %convert_element_type3A, %cond3A : i32
    scf.if %cond3A_55 {
      %dma_start3A_120 = arith.constant 0 : i32
      %dma_start3A_121 = tpu.memref_slice %arg7[%sub3A_18, %dma_start3A_120] : memref<40x128xi32, #tpu.memory_space<vmem>> -> memref<1x128xi32, #tpu.memory_space<vmem>>
      %dma_start3A_122 = tpu.memref_squeeze %dma_start3A_121 : memref<1x128xi32, #tpu.memory_space<vmem>> -> memref<128xi32, #tpu.memory_space<vmem>>
      %dma_start3A_123 = arith.constant 0 : i32
      %dma_start3A_124 = arith.constant 0 : i32
      %dma_start3A_125 = tpu.memref_slice %arg2[%dma_start3A_123, %dma_start3A_124] : memref<10000x128xf32, #tpu.memory_space<hbm>> -> memref<10000x128xf32, #tpu.memory_space<hbm>>
      tpu.enqueue_indirect_dma source(%dma_start3A_125 : memref<10000x128xf32, #tpu.memory_space<hbm>>) target(%arg9 : memref<128x128xf32, #tpu.memory_space<vmem>>) offsets(%dma_start3A_122 : memref<128xi32, #tpu.memory_space<vmem>>) semaphore(%arg12 : memref<!tpu.dma_semaphore, #tpu.memory_space<semaphore_mem>>)
      %while3A = arith.constant 0 : i32
      %while3A_126 = arith.constant 0 : i32
      %while3A_127 = arith.subi %select_n3A, %while3A_126 : i32
      %while3A_128 = arith.addi %while3A_126, %while3A_127 : i32
      %while3A_129 = arith.constant 1 : i32
      %while3A_130 = arith.divsi %while3A_127, %while3A_129 : i32
      %while3A_131 = arith.muli %while3A_130, %while3A_129 : i32
      %while3A_132 = arith.addi %while3A_126, %while3A_131 : i32
      %while3A_133 = arith.constant 1 : i32
      scf.for %while3A_135 = %while3A_126 to %while3A_132 step %while3A_133  : i32 {
        %mul3A_136 = arith.constant 2 : i32
        %mul3A_137 = arith.muli %mul3A_136, %while3A_135 : i32
        %add3A_138 = arith.addi %sub3A_18, %mul3A_137 : i32
        %add3A_139 = arith.constant 1 : i32
        %add3A_140 = arith.addi %add3A_138, %add3A_139 : i32
        %dma_start3A_141 = arith.constant 0 : i32
        %dma_start3A_142 = tpu.memref_slice %arg7[%add3A_140, %dma_start3A_141] : memref<40x128xi32, #tpu.memory_space<vmem>> -> memref<1x128xi32, #tpu.memory_space<vmem>>
        %dma_start3A_143 = tpu.memref_squeeze %dma_start3A_142 : memref<1x128xi32, #tpu.memory_space<vmem>> -> memref<128xi32, #tpu.memory_space<vmem>>
        %dma_start3A_144 = arith.constant 0 : i32
        %dma_start3A_145 = arith.constant 0 : i32
        %dma_start3A_146 = tpu.memref_slice %arg2[%dma_start3A_144, %dma_start3A_145] : memref<10000x128xf32, #tpu.memory_space<hbm>> -> memref<10000x128xf32, #tpu.memory_space<hbm>>
        tpu.enqueue_indirect_dma source(%dma_start3A_146 : memref<10000x128xf32, #tpu.memory_space<hbm>>) target(%arg10 : memref<128x128xf32, #tpu.memory_space<vmem>>) offsets(%dma_start3A_143 : memref<128xi32, #tpu.memory_space<vmem>>) semaphore(%arg13 : memref<!tpu.dma_semaphore, #tpu.memory_space<semaphore_mem>>)
        %dma_wait3A_147 = arith.constant 0 : i32
        %dma_wait3A_148 = tpu.memref_slice %arg7[%add3A_138, %dma_wait3A_147] : memref<40x128xi32, #tpu.memory_space<vmem>> -> memref<1x128xi32, #tpu.memory_space<vmem>>
        %dma_wait3A_149 = tpu.memref_squeeze %dma_wait3A_148 : memref<1x128xi32, #tpu.memory_space<vmem>> -> memref<128xi32, #tpu.memory_space<vmem>>
        %dma_wait3A_150 = arith.constant 0 : i32
        %dma_wait3A_151 = arith.constant 0 : i32
        %dma_wait3A_152 = tpu.memref_slice %arg2[%dma_wait3A_150, %dma_wait3A_151] : memref<10000x128xf32, #tpu.memory_space<hbm>> -> memref<10000x128xf32, #tpu.memory_space<hbm>>
        tpu.wait_indirect_dma semaphore(%arg12 : memref<!tpu.dma_semaphore, #tpu.memory_space<semaphore_mem>>) src(%dma_wait3A_152 : memref<10000x128xf32, #tpu.memory_space<hbm>>) dst(%arg9 : memref<128x128xf32, #tpu.memory_space<vmem>>)
        "tpu.region"() ({
          %run_scoped3A = tpu.sem_alloc : memref<!tpu.dma_semaphore, #tpu.memory_space<semaphore_mem>>
          %dma_start3A_168 = arith.constant 0 : i32
          %dma_start3A_169 = tpu.memref_slice %arg8[%add3A_138, %dma_start3A_168] : memref<40x128xi32, #tpu.memory_space<vmem>> -> memref<1x128xi32, #tpu.memory_space<vmem>>
          %dma_start3A_170 = tpu.memref_squeeze %dma_start3A_169 : memref<1x128xi32, #tpu.memory_space<vmem>> -> memref<128xi32, #tpu.memory_space<vmem>>
          %dma_start3A_171 = arith.constant 0 : i32
          %dma_start3A_172 = arith.constant 0 : i32
          %dma_start3A_173 = tpu.memref_slice %arg11[%dma_start3A_171, %dma_start3A_172] : memref<10240x128xf32, #tpu.memory_space<vmem_shared>> -> memref<10240x128xf32, #tpu.memory_space<vmem_shared>>
          tpu.enqueue_indirect_dma source(%arg9 : memref<128x128xf32, #tpu.memory_space<vmem>>) target(%dma_start3A_173 : memref<10240x128xf32, #tpu.memory_space<vmem_shared>>) offsets(%dma_start3A_170 : memref<128xi32, #tpu.memory_space<vmem>>) semaphore(%run_scoped3A : memref<!tpu.dma_semaphore, #tpu.memory_space<semaphore_mem>>) {add = true}
          %dma_wait3A_174 = arith.constant 0 : i32
          %dma_wait3A_175 = tpu.memref_slice %arg8[%add3A_138, %dma_wait3A_174] : memref<40x128xi32, #tpu.memory_space<vmem>> -> memref<1x128xi32, #tpu.memory_space<vmem>>
          %dma_wait3A_176 = tpu.memref_squeeze %dma_wait3A_175 : memref<1x128xi32, #tpu.memory_space<vmem>> -> memref<128xi32, #tpu.memory_space<vmem>>
          %dma_wait3A_177 = arith.constant 0 : i32
          %dma_wait3A_178 = arith.constant 0 : i32
          %dma_wait3A_179 = tpu.memref_slice %arg11[%dma_wait3A_177, %dma_wait3A_178] : memref<10240x128xf32, #tpu.memory_space<vmem_shared>> -> memref<10240x128xf32, #tpu.memory_space<vmem_shared>>
          tpu.wait_indirect_dma semaphore(%run_scoped3A : memref<!tpu.dma_semaphore, #tpu.memory_space<semaphore_mem>>) src(%arg9 : memref<128x128xf32, #tpu.memory_space<vmem>>) dst(%dma_wait3A_179 : memref<10240x128xf32, #tpu.memory_space<vmem_shared>>)
          tpu.yield
        }) : () -> ()
        %sub3A_153 = arith.constant 1 : i32
        %sub3A_154 = arith.subi %select_n3A, %sub3A_153 : i32
        %lt3A = arith.cmpi slt, %while3A_135, %sub3A_154 : i32
        %convert_element_type3A_155 = arith.extui %lt3A : i1 to i32
        %cond3A_156 = arith.constant 0 : i32
        %cond3A_157 = arith.cmpi ne, %convert_element_type3A_155, %cond3A_156 : i32
        scf.if %cond3A_157 {
          %add3A_168 = arith.constant 2 : i32
          %add3A_169 = arith.addi %add3A_138, %add3A_168 : i32
          %dma_start3A_170 = arith.constant 0 : i32
          %dma_start3A_171 = tpu.memref_slice %arg7[%add3A_169, %dma_start3A_170] : memref<40x128xi32, #tpu.memory_space<vmem>> -> memref<1x128xi32, #tpu.memory_space<vmem>>
          %dma_start3A_172 = tpu.memref_squeeze %dma_start3A_171 : memref<1x128xi32, #tpu.memory_space<vmem>> -> memref<128xi32, #tpu.memory_space<vmem>>
          %dma_start3A_173 = arith.constant 0 : i32
          %dma_start3A_174 = arith.constant 0 : i32
          %dma_start3A_175 = tpu.memref_slice %arg2[%dma_start3A_173, %dma_start3A_174] : memref<10000x128xf32, #tpu.memory_space<hbm>> -> memref<10000x128xf32, #tpu.memory_space<hbm>>
          tpu.enqueue_indirect_dma source(%dma_start3A_175 : memref<10000x128xf32, #tpu.memory_space<hbm>>) target(%arg9 : memref<128x128xf32, #tpu.memory_space<vmem>>) offsets(%dma_start3A_172 : memref<128xi32, #tpu.memory_space<vmem>>) semaphore(%arg12 : memref<!tpu.dma_semaphore, #tpu.memory_space<semaphore_mem>>)
        } else {
        }
        %add3A_158 = arith.constant 1 : i32
        %add3A_159 = arith.addi %add3A_138, %add3A_158 : i32
        %dma_wait3A_160 = arith.constant 0 : i32
        %dma_wait3A_161 = tpu.memref_slice %arg7[%add3A_159, %dma_wait3A_160] : memref<40x128xi32, #tpu.memory_space<vmem>> -> memref<1x128xi32, #tpu.memory_space<vmem>>
        %dma_wait3A_162 = tpu.memref_squeeze %dma_wait3A_161 : memref<1x128xi32, #tpu.memory_space<vmem>> -> memref<128xi32, #tpu.memory_space<vmem>>
        %dma_wait3A_163 = arith.constant 0 : i32
        %dma_wait3A_164 = arith.constant 0 : i32
        %dma_wait3A_165 = tpu.memref_slice %arg2[%dma_wait3A_163, %dma_wait3A_164] : memref<10000x128xf32, #tpu.memory_space<hbm>> -> memref<10000x128xf32, #tpu.memory_space<hbm>>
        tpu.wait_indirect_dma semaphore(%arg13 : memref<!tpu.dma_semaphore, #tpu.memory_space<semaphore_mem>>) src(%dma_wait3A_165 : memref<10000x128xf32, #tpu.memory_space<hbm>>) dst(%arg10 : memref<128x128xf32, #tpu.memory_space<vmem>>)
        %add3A_166 = arith.constant 1 : i32
        %add3A_167 = arith.addi %add3A_138, %add3A_166 : i32
        "tpu.region"() ({
          %run_scoped3A = tpu.sem_alloc : memref<!tpu.dma_semaphore, #tpu.memory_space<semaphore_mem>>
          %dma_start3A_168 = arith.constant 0 : i32
          %dma_start3A_169 = tpu.memref_slice %arg8[%add3A_167, %dma_start3A_168] : memref<40x128xi32, #tpu.memory_space<vmem>> -> memref<1x128xi32, #tpu.memory_space<vmem>>
          %dma_start3A_170 = tpu.memref_squeeze %dma_start3A_169 : memref<1x128xi32, #tpu.memory_space<vmem>> -> memref<128xi32, #tpu.memory_space<vmem>>
          %dma_start3A_171 = arith.constant 0 : i32
          %dma_start3A_172 = arith.constant 0 : i32
          %dma_start3A_173 = tpu.memref_slice %arg11[%dma_start3A_171, %dma_start3A_172] : memref<10240x128xf32, #tpu.memory_space<vmem_shared>> -> memref<10240x128xf32, #tpu.memory_space<vmem_shared>>
          tpu.enqueue_indirect_dma source(%arg10 : memref<128x128xf32, #tpu.memory_space<vmem>>) target(%dma_start3A_173 : memref<10240x128xf32, #tpu.memory_space<vmem_shared>>) offsets(%dma_start3A_170 : memref<128xi32, #tpu.memory_space<vmem>>) semaphore(%run_scoped3A : memref<!tpu.dma_semaphore, #tpu.memory_space<semaphore_mem>>) {add = true}
          %dma_wait3A_174 = arith.constant 0 : i32
          %dma_wait3A_175 = tpu.memref_slice %arg8[%add3A_167, %dma_wait3A_174] : memref<40x128xi32, #tpu.memory_space<vmem>> -> memref<1x128xi32, #tpu.memory_space<vmem>>
          %dma_wait3A_176 = tpu.memref_squeeze %dma_wait3A_175 : memref<1x128xi32, #tpu.memory_space<vmem>> -> memref<128xi32, #tpu.memory_space<vmem>>
          %dma_wait3A_177 = arith.constant 0 : i32
          %dma_wait3A_178 = arith.constant 0 : i32
          %dma_wait3A_179 = tpu.memref_slice %arg11[%dma_wait3A_177, %dma_wait3A_178] : memref<10240x128xf32, #tpu.memory_space<vmem_shared>> -> memref<10240x128xf32, #tpu.memory_space<vmem_shared>>
          tpu.wait_indirect_dma semaphore(%run_scoped3A : memref<!tpu.dma_semaphore, #tpu.memory_space<semaphore_mem>>) src(%arg10 : memref<128x128xf32, #tpu.memory_space<vmem>>) dst(%dma_wait3A_179 : memref<10240x128xf32, #tpu.memory_space<vmem_shared>>)
          tpu.yield
        }) : () -> ()
      }
      %while3A_134 = arith.constant 1 : i32
      scf.for %while3A_135 = %while3A_132 to %while3A_128 step %while3A_134  : i32 {
        %mul3A_136 = arith.constant 2 : i32
        %mul3A_137 = arith.muli %mul3A_136, %while3A_135 : i32
        %add3A_138 = arith.addi %sub3A_18, %mul3A_137 : i32
        %add3A_139 = arith.constant 1 : i32
        %add3A_140 = arith.addi %add3A_138, %add3A_139 : i32
        %dma_start3A_141 = arith.constant 0 : i32
        %dma_start3A_142 = tpu.memref_slice %arg7[%add3A_140, %dma_start3A_141] : memref<40x128xi32, #tpu.memory_space<vmem>> -> memref<1x128xi32, #tpu.memory_space<vmem>>
        %dma_start3A_143 = tpu.memref_squeeze %dma_start3A_142 : memref<1x128xi32, #tpu.memory_space<vmem>> -> memref<128xi32, #tpu.memory_space<vmem>>
        %dma_start3A_144 = arith.constant 0 : i32
        %dma_start3A_145 = arith.constant 0 : i32
        %dma_start3A_146 = tpu.memref_slice %arg2[%dma_start3A_144, %dma_start3A_145] : memref<10000x128xf32, #tpu.memory_space<hbm>> -> memref<10000x128xf32, #tpu.memory_space<hbm>>
        tpu.enqueue_indirect_dma source(%dma_start3A_146 : memref<10000x128xf32, #tpu.memory_space<hbm>>) target(%arg10 : memref<128x128xf32, #tpu.memory_space<vmem>>) offsets(%dma_start3A_143 : memref<128xi32, #tpu.memory_space<vmem>>) semaphore(%arg13 : memref<!tpu.dma_semaphore, #tpu.memory_space<semaphore_mem>>)
        %dma_wait3A_147 = arith.constant 0 : i32
        %dma_wait3A_148 = tpu.memref_slice %arg7[%add3A_138, %dma_wait3A_147] : memref<40x128xi32, #tpu.memory_space<vmem>> -> memref<1x128xi32, #tpu.memory_space<vmem>>
        %dma_wait3A_149 = tpu.memref_squeeze %dma_wait3A_148 : memref<1x128xi32, #tpu.memory_space<vmem>> -> memref<128xi32, #tpu.memory_space<vmem>>
        %dma_wait3A_150 = arith.constant 0 : i32
        %dma_wait3A_151 = arith.constant 0 : i32
        %dma_wait3A_152 = tpu.memref_slice %arg2[%dma_wait3A_150, %dma_wait3A_151] : memref<10000x128xf32, #tpu.memory_space<hbm>> -> memref<10000x128xf32, #tpu.memory_space<hbm>>
        tpu.wait_indirect_dma semaphore(%arg12 : memref<!tpu.dma_semaphore, #tpu.memory_space<semaphore_mem>>) src(%dma_wait3A_152 : memref<10000x128xf32, #tpu.memory_space<hbm>>) dst(%arg9 : memref<128x128xf32, #tpu.memory_space<vmem>>)
        "tpu.region"() ({
          %run_scoped3A = tpu.sem_alloc : memref<!tpu.dma_semaphore, #tpu.memory_space<semaphore_mem>>
          %dma_start3A_168 = arith.constant 0 : i32
          %dma_start3A_169 = tpu.memref_slice %arg8[%add3A_138, %dma_start3A_168] : memref<40x128xi32, #tpu.memory_space<vmem>> -> memref<1x128xi32, #tpu.memory_space<vmem>>
          %dma_start3A_170 = tpu.memref_squeeze %dma_start3A_169 : memref<1x128xi32, #tpu.memory_space<vmem>> -> memref<128xi32, #tpu.memory_space<vmem>>
          %dma_start3A_171 = arith.constant 0 : i32
          %dma_start3A_172 = arith.constant 0 : i32
          %dma_start3A_173 = tpu.memref_slice %arg11[%dma_start3A_171, %dma_start3A_172] : memref<10240x128xf32, #tpu.memory_space<vmem_shared>> -> memref<10240x128xf32, #tpu.memory_space<vmem_shared>>
          tpu.enqueue_indirect_dma source(%arg9 : memref<128x128xf32, #tpu.memory_space<vmem>>) target(%dma_start3A_173 : memref<10240x128xf32, #tpu.memory_space<vmem_shared>>) offsets(%dma_start3A_170 : memref<128xi32, #tpu.memory_space<vmem>>) semaphore(%run_scoped3A : memref<!tpu.dma_semaphore, #tpu.memory_space<semaphore_mem>>) {add = true}
          %dma_wait3A_174 = arith.constant 0 : i32
          %dma_wait3A_175 = tpu.memref_slice %arg8[%add3A_138, %dma_wait3A_174] : memref<40x128xi32, #tpu.memory_space<vmem>> -> memref<1x128xi32, #tpu.memory_space<vmem>>
          %dma_wait3A_176 = tpu.memref_squeeze %dma_wait3A_175 : memref<1x128xi32, #tpu.memory_space<vmem>> -> memref<128xi32, #tpu.memory_space<vmem>>
          %dma_wait3A_177 = arith.constant 0 : i32
          %dma_wait3A_178 = arith.constant 0 : i32
          %dma_wait3A_179 = tpu.memref_slice %arg11[%dma_wait3A_177, %dma_wait3A_178] : memref<10240x128xf32, #tpu.memory_space<vmem_shared>> -> memref<10240x128xf32, #tpu.memory_space<vmem_shared>>
          tpu.wait_indirect_dma semaphore(%run_scoped3A : memref<!tpu.dma_semaphore, #tpu.memory_space<semaphore_mem>>) src(%arg9 : memref<128x128xf32, #tpu.memory_space<vmem>>) dst(%dma_wait3A_179 : memref<10240x128xf32, #tpu.memory_space<vmem_shared>>)
          tpu.yield
        }) : () -> ()
        %sub3A_153 = arith.constant 1 : i32
        %sub3A_154 = arith.subi %select_n3A, %sub3A_153 : i32
        %lt3A = arith.cmpi slt, %while3A_135, %sub3A_154 : i32
        %convert_element_type3A_155 = arith.extui %lt3A : i1 to i32
        %cond3A_156 = arith.constant 0 : i32
        %cond3A_157 = arith.cmpi ne, %convert_element_type3A_155, %cond3A_156 : i32
        scf.if %cond3A_157 {
          %add3A_168 = arith.constant 2 : i32
          %add3A_169 = arith.addi %add3A_138, %add3A_168 : i32
          %dma_start3A_170 = arith.constant 0 : i32
          %dma_start3A_171 = tpu.memref_slice %arg7[%add3A_169, %dma_start3A_170] : memref<40x128xi32, #tpu.memory_space<vmem>> -> memref<1x128xi32, #tpu.memory_space<vmem>>
          %dma_start3A_172 = tpu.memref_squeeze %dma_start3A_171 : memref<1x128xi32, #tpu.memory_space<vmem>> -> memref<128xi32, #tpu.memory_space<vmem>>
          %dma_start3A_173 = arith.constant 0 : i32
          %dma_start3A_174 = arith.constant 0 : i32
          %dma_start3A_175 = tpu.memref_slice %arg2[%dma_start3A_173, %dma_start3A_174] : memref<10000x128xf32, #tpu.memory_space<hbm>> -> memref<10000x128xf32, #tpu.memory_space<hbm>>
          tpu.enqueue_indirect_dma source(%dma_start3A_175 : memref<10000x128xf32, #tpu.memory_space<hbm>>) target(%arg9 : memref<128x128xf32, #tpu.memory_space<vmem>>) offsets(%dma_start3A_172 : memref<128xi32, #tpu.memory_space<vmem>>) semaphore(%arg12 : memref<!tpu.dma_semaphore, #tpu.memory_space<semaphore_mem>>)
        } else {
        }
        %add3A_158 = arith.constant 1 : i32
        %add3A_159 = arith.addi %add3A_138, %add3A_158 : i32
        %dma_wait3A_160 = arith.constant 0 : i32
        %dma_wait3A_161 = tpu.memref_slice %arg7[%add3A_159, %dma_wait3A_160] : memref<40x128xi32, #tpu.memory_space<vmem>> -> memref<1x128xi32, #tpu.memory_space<vmem>>
        %dma_wait3A_162 = tpu.memref_squeeze %dma_wait3A_161 : memref<1x128xi32, #tpu.memory_space<vmem>> -> memref<128xi32, #tpu.memory_space<vmem>>
        %dma_wait3A_163 = arith.constant 0 : i32
        %dma_wait3A_164 = arith.constant 0 : i32
        %dma_wait3A_165 = tpu.memref_slice %arg2[%dma_wait3A_163, %dma_wait3A_164] : memref<10000x128xf32, #tpu.memory_space<hbm>> -> memref<10000x128xf32, #tpu.memory_space<hbm>>
        tpu.wait_indirect_dma semaphore(%arg13 : memref<!tpu.dma_semaphore, #tpu.memory_space<semaphore_mem>>) src(%dma_wait3A_165 : memref<10000x128xf32, #tpu.memory_space<hbm>>) dst(%arg10 : memref<128x128xf32, #tpu.memory_space<vmem>>)
        %add3A_166 = arith.constant 1 : i32
        %add3A_167 = arith.addi %add3A_138, %add3A_166 : i32
        "tpu.region"() ({
          %run_scoped3A = tpu.sem_alloc : memref<!tpu.dma_semaphore, #tpu.memory_space<semaphore_mem>>
          %dma_start3A_168 = arith.constant 0 : i32
          %dma_start3A_169 = tpu.memref_slice %arg8[%add3A_167, %dma_start3A_168] : memref<40x128xi32, #tpu.memory_space<vmem>> -> memref<1x128xi32, #tpu.memory_space<vmem>>
          %dma_start3A_170 = tpu.memref_squeeze %dma_start3A_169 : memref<1x128xi32, #tpu.memory_space<vmem>> -> memref<128xi32, #tpu.memory_space<vmem>>
          %dma_start3A_171 = arith.constant 0 : i32
          %dma_start3A_172 = arith.constant 0 : i32
          %dma_start3A_173 = tpu.memref_slice %arg11[%dma_start3A_171, %dma_start3A_172] : memref<10240x128xf32, #tpu.memory_space<vmem_shared>> -> memref<10240x128xf32, #tpu.memory_space<vmem_shared>>
          tpu.enqueue_indirect_dma source(%arg10 : memref<128x128xf32, #tpu.memory_space<vmem>>) target(%dma_start3A_173 : memref<10240x128xf32, #tpu.memory_space<vmem_shared>>) offsets(%dma_start3A_170 : memref<128xi32, #tpu.memory_space<vmem>>) semaphore(%run_scoped3A : memref<!tpu.dma_semaphore, #tpu.memory_space<semaphore_mem>>) {add = true}
          %dma_wait3A_174 = arith.constant 0 : i32
          %dma_wait3A_175 = tpu.memref_slice %arg8[%add3A_167, %dma_wait3A_174] : memref<40x128xi32, #tpu.memory_space<vmem>> -> memref<1x128xi32, #tpu.memory_space<vmem>>
          %dma_wait3A_176 = tpu.memref_squeeze %dma_wait3A_175 : memref<1x128xi32, #tpu.memory_space<vmem>> -> memref<128xi32, #tpu.memory_space<vmem>>
          %dma_wait3A_177 = arith.constant 0 : i32
          %dma_wait3A_178 = arith.constant 0 : i32
          %dma_wait3A_179 = tpu.memref_slice %arg11[%dma_wait3A_177, %dma_wait3A_178] : memref<10240x128xf32, #tpu.memory_space<vmem_shared>> -> memref<10240x128xf32, #tpu.memory_space<vmem_shared>>
          tpu.wait_indirect_dma semaphore(%run_scoped3A : memref<!tpu.dma_semaphore, #tpu.memory_space<semaphore_mem>>) src(%arg10 : memref<128x128xf32, #tpu.memory_space<vmem>>) dst(%dma_wait3A_179 : memref<10240x128xf32, #tpu.memory_space<vmem_shared>>)
          tpu.yield
        }) : () -> ()
      }
    } else {
    }
    %mul3A_56 = arith.constant 80 : i32
    %mul3A_57 = arith.muli %add3A, %mul3A_56 : i32
    %add3A_58 = arith.constant 40 : i32
    %add3A_59 = arith.addi %mul3A_57, %add3A_58 : i32
    %sub3A_60 = arith.constant 40 : i32
    %sub3A_61 = arith.subi %min3A_7, %sub3A_60 : i32
    %jit3A_62 = arith.constant 0 : i32
    %jit3A_63 = arith.constant 40 : i32
    %max3A_64 = arith.maxsi %jit3A_62, %sub3A_61 : i32
    %min3A_65 = arith.minsi %jit3A_63, %max3A_64 : i32
    %min3A_66 = arith.constant 2464 : i32
    %min3A_67 = arith.minsi %add3A_59, %min3A_66 : i32
    %multiple_of3A_68 = tpu.assume_multiple %min3A_67, 8 : i32
    %sub3A_69 = arith.subi %add3A_59, %multiple_of3A_68 : i32
    %jit3A_70 = arith.constant 2 : i32
    %div3A_71 = arith.divsi %min3A_65, %jit3A_70 : i32
    %sign3A_72 = arith.constant 0 : i32
    %sign3A_73 = arith.cmpi sgt, %min3A_65, %sign3A_72 : i32
    %sign3A_74 = arith.extui %sign3A_73 : i1 to i32
    %sign3A_75 = arith.constant 0 : i32
    %sign3A_76 = arith.cmpi slt, %min3A_65, %sign3A_75 : i32
    %sign3A_77 = arith.extui %sign3A_76 : i1 to i32
    %sign3A_78 = arith.subi %sign3A_74, %sign3A_77 : i32
    %sign3A_79 = arith.constant 0 : i32
    %sign3A_80 = arith.cmpi sgt, %jit3A_70, %sign3A_79 : i32
    %sign3A_81 = arith.extui %sign3A_80 : i1 to i32
    %sign3A_82 = arith.constant 0 : i32
    %sign3A_83 = arith.cmpi slt, %jit3A_70, %sign3A_82 : i32
    %sign3A_84 = arith.extui %sign3A_83 : i1 to i32
    %sign3A_85 = arith.subi %sign3A_81, %sign3A_84 : i32
    %ne3A_86 = arith.cmpi ne, %sign3A_78, %sign3A_85 : i32
    %rem3A_87 = arith.remsi %min3A_65, %jit3A_70 : i32
    %ne3A_88 = arith.constant 0 : i32
    %ne3A_89 = arith.cmpi ne, %rem3A_87, %ne3A_88 : i32
    %and3A_90 = arith.andi %ne3A_86, %ne3A_89 : i1
    %sub3A_91 = arith.constant 1 : i32
    %sub3A_92 = arith.subi %div3A_71, %sub3A_91 : i32
    %select_n3A_93 = arith.select %and3A_90, %sub3A_92, %div3A_71 : i32
    %dma_start3A_94 = arith.constant 0 : i32
    %dma_start3A_95 = tpu.memref_slice %arg3[%multiple_of3A_68, %dma_start3A_94] : memref<2504x128xi32, #tpu.memory_space<hbm>> -> memref<40x128xi32, #tpu.memory_space<hbm>>
    %dma_start3A_96 = arith.constant 0 : i32
    %dma_start3A_97 = tpu.memref_slice %arg3[%multiple_of3A_68, %dma_start3A_96] : memref<2504x128xi32, #tpu.memory_space<hbm>> -> memref<40x128xi32, #tpu.memory_space<hbm>>
    tpu.enqueue_dma source(%dma_start3A_97 : memref<40x128xi32, #tpu.memory_space<hbm>>) target(%arg7 : memref<40x128xi32, #tpu.memory_space<vmem>>) target_semaphore(%arg12 : memref<!tpu.dma_semaphore, #tpu.memory_space<semaphore_mem>>)
    %dma_start3A_98 = arith.constant 0 : i32
    %dma_start3A_99 = tpu.memref_slice %arg4[%multiple_of3A_68, %dma_start3A_98] : memref<2504x128xi32, #tpu.memory_space<hbm>> -> memref<40x128xi32, #tpu.memory_space<hbm>>
    %dma_start3A_100 = arith.constant 0 : i32
    %dma_start3A_101 = tpu.memref_slice %arg4[%multiple_of3A_68, %dma_start3A_100] : memref<2504x128xi32, #tpu.memory_space<hbm>> -> memref<40x128xi32, #tpu.memory_space<hbm>>
    tpu.enqueue_dma source(%dma_start3A_101 : memref<40x128xi32, #tpu.memory_space<hbm>>) target(%arg8 : memref<40x128xi32, #tpu.memory_space<vmem>>) target_semaphore(%arg13 : memref<!tpu.dma_semaphore, #tpu.memory_space<semaphore_mem>>)
    %dma_wait3A_102 = arith.constant 0 : i32
    %dma_wait3A_103 = tpu.memref_slice %arg3[%multiple_of3A_68, %dma_wait3A_102] : memref<2504x128xi32, #tpu.memory_space<hbm>> -> memref<40x128xi32, #tpu.memory_space<hbm>>
    %dma_wait3A_104 = arith.constant 0 : i32
    %dma_wait3A_105 = tpu.memref_slice %arg3[%multiple_of3A_68, %dma_wait3A_104] : memref<2504x128xi32, #tpu.memory_space<hbm>> -> memref<40x128xi32, #tpu.memory_space<hbm>>
    tpu.wait_dma2 semaphore(%arg12 : memref<!tpu.dma_semaphore, #tpu.memory_space<semaphore_mem>>) src(%dma_wait3A_105 : memref<40x128xi32, #tpu.memory_space<hbm>>) dst(%arg7 : memref<40x128xi32, #tpu.memory_space<vmem>>)
    %dma_wait3A_106 = arith.constant 0 : i32
    %dma_wait3A_107 = tpu.memref_slice %arg4[%multiple_of3A_68, %dma_wait3A_106] : memref<2504x128xi32, #tpu.memory_space<hbm>> -> memref<40x128xi32, #tpu.memory_space<hbm>>
    %dma_wait3A_108 = arith.constant 0 : i32
    %dma_wait3A_109 = tpu.memref_slice %arg4[%multiple_of3A_68, %dma_wait3A_108] : memref<2504x128xi32, #tpu.memory_space<hbm>> -> memref<40x128xi32, #tpu.memory_space<hbm>>
    tpu.wait_dma2 semaphore(%arg13 : memref<!tpu.dma_semaphore, #tpu.memory_space<semaphore_mem>>) src(%dma_wait3A_109 : memref<40x128xi32, #tpu.memory_space<hbm>>) dst(%arg8 : memref<40x128xi32, #tpu.memory_space<vmem>>)
    %gt3A_110 = arith.constant 0 : i32
    %gt3A_111 = arith.cmpi sgt, %select_n3A_93, %gt3A_110 : i32
    %convert_element_type3A_112 = arith.extui %gt3A_111 : i1 to i32
    %cond3A_113 = arith.constant 0 : i32
    %cond3A_114 = arith.cmpi ne, %convert_element_type3A_112, %cond3A_113 : i32
    scf.if %cond3A_114 {
      %dma_start3A_120 = arith.constant 0 : i32
      %dma_start3A_121 = tpu.memref_slice %arg7[%sub3A_69, %dma_start3A_120] : memref<40x128xi32, #tpu.memory_space<vmem>> -> memref<1x128xi32, #tpu.memory_space<vmem>>
      %dma_start3A_122 = tpu.memref_squeeze %dma_start3A_121 : memref<1x128xi32, #tpu.memory_space<vmem>> -> memref<128xi32, #tpu.memory_space<vmem>>
      %dma_start3A_123 = arith.constant 0 : i32
      %dma_start3A_124 = arith.constant 0 : i32
      %dma_start3A_125 = tpu.memref_slice %arg2[%dma_start3A_123, %dma_start3A_124] : memref<10000x128xf32, #tpu.memory_space<hbm>> -> memref<10000x128xf32, #tpu.memory_space<hbm>>
      tpu.enqueue_indirect_dma source(%dma_start3A_125 : memref<10000x128xf32, #tpu.memory_space<hbm>>) target(%arg9 : memref<128x128xf32, #tpu.memory_space<vmem>>) offsets(%dma_start3A_122 : memref<128xi32, #tpu.memory_space<vmem>>) semaphore(%arg12 : memref<!tpu.dma_semaphore, #tpu.memory_space<semaphore_mem>>)
      %while3A = arith.constant 0 : i32
      %while3A_126 = arith.constant 0 : i32
      %while3A_127 = arith.subi %select_n3A_93, %while3A_126 : i32
      %while3A_128 = arith.addi %while3A_126, %while3A_127 : i32
      %while3A_129 = arith.constant 1 : i32
      %while3A_130 = arith.divsi %while3A_127, %while3A_129 : i32
      %while3A_131 = arith.muli %while3A_130, %while3A_129 : i32
      %while3A_132 = arith.addi %while3A_126, %while3A_131 : i32
      %while3A_133 = arith.constant 1 : i32
      scf.for %while3A_135 = %while3A_126 to %while3A_132 step %while3A_133  : i32 {
        %mul3A_136 = arith.constant 2 : i32
        %mul3A_137 = arith.muli %mul3A_136, %while3A_135 : i32
        %add3A_138 = arith.addi %sub3A_69, %mul3A_137 : i32
        %add3A_139 = arith.constant 1 : i32
        %add3A_140 = arith.addi %add3A_138, %add3A_139 : i32
        %dma_start3A_141 = arith.constant 0 : i32
        %dma_start3A_142 = tpu.memref_slice %arg7[%add3A_140, %dma_start3A_141] : memref<40x128xi32, #tpu.memory_space<vmem>> -> memref<1x128xi32, #tpu.memory_space<vmem>>
        %dma_start3A_143 = tpu.memref_squeeze %dma_start3A_142 : memref<1x128xi32, #tpu.memory_space<vmem>> -> memref<128xi32, #tpu.memory_space<vmem>>
        %dma_start3A_144 = arith.constant 0 : i32
        %dma_start3A_145 = arith.constant 0 : i32
        %dma_start3A_146 = tpu.memref_slice %arg2[%dma_start3A_144, %dma_start3A_145] : memref<10000x128xf32, #tpu.memory_space<hbm>> -> memref<10000x128xf32, #tpu.memory_space<hbm>>
        tpu.enqueue_indirect_dma source(%dma_start3A_146 : memref<10000x128xf32, #tpu.memory_space<hbm>>) target(%arg10 : memref<128x128xf32, #tpu.memory_space<vmem>>) offsets(%dma_start3A_143 : memref<128xi32, #tpu.memory_space<vmem>>) semaphore(%arg13 : memref<!tpu.dma_semaphore, #tpu.memory_space<semaphore_mem>>)
        %dma_wait3A_147 = arith.constant 0 : i32
        %dma_wait3A_148 = tpu.memref_slice %arg7[%add3A_138, %dma_wait3A_147] : memref<40x128xi32, #tpu.memory_space<vmem>> -> memref<1x128xi32, #tpu.memory_space<vmem>>
        %dma_wait3A_149 = tpu.memref_squeeze %dma_wait3A_148 : memref<1x128xi32, #tpu.memory_space<vmem>> -> memref<128xi32, #tpu.memory_space<vmem>>
        %dma_wait3A_150 = arith.constant 0 : i32
        %dma_wait3A_151 = arith.constant 0 : i32
        %dma_wait3A_152 = tpu.memref_slice %arg2[%dma_wait3A_150, %dma_wait3A_151] : memref<10000x128xf32, #tpu.memory_space<hbm>> -> memref<10000x128xf32, #tpu.memory_space<hbm>>
        tpu.wait_indirect_dma semaphore(%arg12 : memref<!tpu.dma_semaphore, #tpu.memory_space<semaphore_mem>>) src(%dma_wait3A_152 : memref<10000x128xf32, #tpu.memory_space<hbm>>) dst(%arg9 : memref<128x128xf32, #tpu.memory_space<vmem>>)
        "tpu.region"() ({
          %run_scoped3A = tpu.sem_alloc : memref<!tpu.dma_semaphore, #tpu.memory_space<semaphore_mem>>
          %dma_start3A_168 = arith.constant 0 : i32
          %dma_start3A_169 = tpu.memref_slice %arg8[%add3A_138, %dma_start3A_168] : memref<40x128xi32, #tpu.memory_space<vmem>> -> memref<1x128xi32, #tpu.memory_space<vmem>>
          %dma_start3A_170 = tpu.memref_squeeze %dma_start3A_169 : memref<1x128xi32, #tpu.memory_space<vmem>> -> memref<128xi32, #tpu.memory_space<vmem>>
          %dma_start3A_171 = arith.constant 0 : i32
          %dma_start3A_172 = arith.constant 0 : i32
          %dma_start3A_173 = tpu.memref_slice %arg11[%dma_start3A_171, %dma_start3A_172] : memref<10240x128xf32, #tpu.memory_space<vmem_shared>> -> memref<10240x128xf32, #tpu.memory_space<vmem_shared>>
          tpu.enqueue_indirect_dma source(%arg9 : memref<128x128xf32, #tpu.memory_space<vmem>>) target(%dma_start3A_173 : memref<10240x128xf32, #tpu.memory_space<vmem_shared>>) offsets(%dma_start3A_170 : memref<128xi32, #tpu.memory_space<vmem>>) semaphore(%run_scoped3A : memref<!tpu.dma_semaphore, #tpu.memory_space<semaphore_mem>>) {add = true}
          %dma_wait3A_174 = arith.constant 0 : i32
          %dma_wait3A_175 = tpu.memref_slice %arg8[%add3A_138, %dma_wait3A_174] : memref<40x128xi32, #tpu.memory_space<vmem>> -> memref<1x128xi32, #tpu.memory_space<vmem>>
          %dma_wait3A_176 = tpu.memref_squeeze %dma_wait3A_175 : memref<1x128xi32, #tpu.memory_space<vmem>> -> memref<128xi32, #tpu.memory_space<vmem>>
          %dma_wait3A_177 = arith.constant 0 : i32
          %dma_wait3A_178 = arith.constant 0 : i32
          %dma_wait3A_179 = tpu.memref_slice %arg11[%dma_wait3A_177, %dma_wait3A_178] : memref<10240x128xf32, #tpu.memory_space<vmem_shared>> -> memref<10240x128xf32, #tpu.memory_space<vmem_shared>>
          tpu.wait_indirect_dma semaphore(%run_scoped3A : memref<!tpu.dma_semaphore, #tpu.memory_space<semaphore_mem>>) src(%arg9 : memref<128x128xf32, #tpu.memory_space<vmem>>) dst(%dma_wait3A_179 : memref<10240x128xf32, #tpu.memory_space<vmem_shared>>)
          tpu.yield
        }) : () -> ()
        %sub3A_153 = arith.constant 1 : i32
        %sub3A_154 = arith.subi %select_n3A_93, %sub3A_153 : i32
        %lt3A = arith.cmpi slt, %while3A_135, %sub3A_154 : i32
        %convert_element_type3A_155 = arith.extui %lt3A : i1 to i32
        %cond3A_156 = arith.constant 0 : i32
        %cond3A_157 = arith.cmpi ne, %convert_element_type3A_155, %cond3A_156 : i32
        scf.if %cond3A_157 {
          %add3A_168 = arith.constant 2 : i32
          %add3A_169 = arith.addi %add3A_138, %add3A_168 : i32
          %dma_start3A_170 = arith.constant 0 : i32
          %dma_start3A_171 = tpu.memref_slice %arg7[%add3A_169, %dma_start3A_170] : memref<40x128xi32, #tpu.memory_space<vmem>> -> memref<1x128xi32, #tpu.memory_space<vmem>>
          %dma_start3A_172 = tpu.memref_squeeze %dma_start3A_171 : memref<1x128xi32, #tpu.memory_space<vmem>> -> memref<128xi32, #tpu.memory_space<vmem>>
          %dma_start3A_173 = arith.constant 0 : i32
          %dma_start3A_174 = arith.constant 0 : i32
          %dma_start3A_175 = tpu.memref_slice %arg2[%dma_start3A_173, %dma_start3A_174] : memref<10000x128xf32, #tpu.memory_space<hbm>> -> memref<10000x128xf32, #tpu.memory_space<hbm>>
          tpu.enqueue_indirect_dma source(%dma_start3A_175 : memref<10000x128xf32, #tpu.memory_space<hbm>>) target(%arg9 : memref<128x128xf32, #tpu.memory_space<vmem>>) offsets(%dma_start3A_172 : memref<128xi32, #tpu.memory_space<vmem>>) semaphore(%arg12 : memref<!tpu.dma_semaphore, #tpu.memory_space<semaphore_mem>>)
        } else {
        }
        %add3A_158 = arith.constant 1 : i32
        %add3A_159 = arith.addi %add3A_138, %add3A_158 : i32
        %dma_wait3A_160 = arith.constant 0 : i32
        %dma_wait3A_161 = tpu.memref_slice %arg7[%add3A_159, %dma_wait3A_160] : memref<40x128xi32, #tpu.memory_space<vmem>> -> memref<1x128xi32, #tpu.memory_space<vmem>>
        %dma_wait3A_162 = tpu.memref_squeeze %dma_wait3A_161 : memref<1x128xi32, #tpu.memory_space<vmem>> -> memref<128xi32, #tpu.memory_space<vmem>>
        %dma_wait3A_163 = arith.constant 0 : i32
        %dma_wait3A_164 = arith.constant 0 : i32
        %dma_wait3A_165 = tpu.memref_slice %arg2[%dma_wait3A_163, %dma_wait3A_164] : memref<10000x128xf32, #tpu.memory_space<hbm>> -> memref<10000x128xf32, #tpu.memory_space<hbm>>
        tpu.wait_indirect_dma semaphore(%arg13 : memref<!tpu.dma_semaphore, #tpu.memory_space<semaphore_mem>>) src(%dma_wait3A_165 : memref<10000x128xf32, #tpu.memory_space<hbm>>) dst(%arg10 : memref<128x128xf32, #tpu.memory_space<vmem>>)
        %add3A_166 = arith.constant 1 : i32
        %add3A_167 = arith.addi %add3A_138, %add3A_166 : i32
        "tpu.region"() ({
          %run_scoped3A = tpu.sem_alloc : memref<!tpu.dma_semaphore, #tpu.memory_space<semaphore_mem>>
          %dma_start3A_168 = arith.constant 0 : i32
          %dma_start3A_169 = tpu.memref_slice %arg8[%add3A_167, %dma_start3A_168] : memref<40x128xi32, #tpu.memory_space<vmem>> -> memref<1x128xi32, #tpu.memory_space<vmem>>
          %dma_start3A_170 = tpu.memref_squeeze %dma_start3A_169 : memref<1x128xi32, #tpu.memory_space<vmem>> -> memref<128xi32, #tpu.memory_space<vmem>>
          %dma_start3A_171 = arith.constant 0 : i32
          %dma_start3A_172 = arith.constant 0 : i32
          %dma_start3A_173 = tpu.memref_slice %arg11[%dma_start3A_171, %dma_start3A_172] : memref<10240x128xf32, #tpu.memory_space<vmem_shared>> -> memref<10240x128xf32, #tpu.memory_space<vmem_shared>>
          tpu.enqueue_indirect_dma source(%arg10 : memref<128x128xf32, #tpu.memory_space<vmem>>) target(%dma_start3A_173 : memref<10240x128xf32, #tpu.memory_space<vmem_shared>>) offsets(%dma_start3A_170 : memref<128xi32, #tpu.memory_space<vmem>>) semaphore(%run_scoped3A : memref<!tpu.dma_semaphore, #tpu.memory_space<semaphore_mem>>) {add = true}
          %dma_wait3A_174 = arith.constant 0 : i32
          %dma_wait3A_175 = tpu.memref_slice %arg8[%add3A_167, %dma_wait3A_174] : memref<40x128xi32, #tpu.memory_space<vmem>> -> memref<1x128xi32, #tpu.memory_space<vmem>>
          %dma_wait3A_176 = tpu.memref_squeeze %dma_wait3A_175 : memref<1x128xi32, #tpu.memory_space<vmem>> -> memref<128xi32, #tpu.memory_space<vmem>>
          %dma_wait3A_177 = arith.constant 0 : i32
          %dma_wait3A_178 = arith.constant 0 : i32
          %dma_wait3A_179 = tpu.memref_slice %arg11[%dma_wait3A_177, %dma_wait3A_178] : memref<10240x128xf32, #tpu.memory_space<vmem_shared>> -> memref<10240x128xf32, #tpu.memory_space<vmem_shared>>
          tpu.wait_indirect_dma semaphore(%run_scoped3A : memref<!tpu.dma_semaphore, #tpu.memory_space<semaphore_mem>>) src(%arg10 : memref<128x128xf32, #tpu.memory_space<vmem>>) dst(%dma_wait3A_179 : memref<10240x128xf32, #tpu.memory_space<vmem_shared>>)
          tpu.yield
        }) : () -> ()
      }
      %while3A_134 = arith.constant 1 : i32
      scf.for %while3A_135 = %while3A_132 to %while3A_128 step %while3A_134  : i32 {
        %mul3A_136 = arith.constant 2 : i32
        %mul3A_137 = arith.muli %mul3A_136, %while3A_135 : i32
        %add3A_138 = arith.addi %sub3A_69, %mul3A_137 : i32
        %add3A_139 = arith.constant 1 : i32
        %add3A_140 = arith.addi %add3A_138, %add3A_139 : i32
        %dma_start3A_141 = arith.constant 0 : i32
        %dma_start3A_142 = tpu.memref_slice %arg7[%add3A_140, %dma_start3A_141] : memref<40x128xi32, #tpu.memory_space<vmem>> -> memref<1x128xi32, #tpu.memory_space<vmem>>
        %dma_start3A_143 = tpu.memref_squeeze %dma_start3A_142 : memref<1x128xi32, #tpu.memory_space<vmem>> -> memref<128xi32, #tpu.memory_space<vmem>>
        %dma_start3A_144 = arith.constant 0 : i32
        %dma_start3A_145 = arith.constant 0 : i32
        %dma_start3A_146 = tpu.memref_slice %arg2[%dma_start3A_144, %dma_start3A_145] : memref<10000x128xf32, #tpu.memory_space<hbm>> -> memref<10000x128xf32, #tpu.memory_space<hbm>>
        tpu.enqueue_indirect_dma source(%dma_start3A_146 : memref<10000x128xf32, #tpu.memory_space<hbm>>) target(%arg10 : memref<128x128xf32, #tpu.memory_space<vmem>>) offsets(%dma_start3A_143 : memref<128xi32, #tpu.memory_space<vmem>>) semaphore(%arg13 : memref<!tpu.dma_semaphore, #tpu.memory_space<semaphore_mem>>)
        %dma_wait3A_147 = arith.constant 0 : i32
        %dma_wait3A_148 = tpu.memref_slice %arg7[%add3A_138, %dma_wait3A_147] : memref<40x128xi32, #tpu.memory_space<vmem>> -> memref<1x128xi32, #tpu.memory_space<vmem>>
        %dma_wait3A_149 = tpu.memref_squeeze %dma_wait3A_148 : memref<1x128xi32, #tpu.memory_space<vmem>> -> memref<128xi32, #tpu.memory_space<vmem>>
        %dma_wait3A_150 = arith.constant 0 : i32
        %dma_wait3A_151 = arith.constant 0 : i32
        %dma_wait3A_152 = tpu.memref_slice %arg2[%dma_wait3A_150, %dma_wait3A_151] : memref<10000x128xf32, #tpu.memory_space<hbm>> -> memref<10000x128xf32, #tpu.memory_space<hbm>>
        tpu.wait_indirect_dma semaphore(%arg12 : memref<!tpu.dma_semaphore, #tpu.memory_space<semaphore_mem>>) src(%dma_wait3A_152 : memref<10000x128xf32, #tpu.memory_space<hbm>>) dst(%arg9 : memref<128x128xf32, #tpu.memory_space<vmem>>)
        "tpu.region"() ({
          %run_scoped3A = tpu.sem_alloc : memref<!tpu.dma_semaphore, #tpu.memory_space<semaphore_mem>>
          %dma_start3A_168 = arith.constant 0 : i32
          %dma_start3A_169 = tpu.memref_slice %arg8[%add3A_138, %dma_start3A_168] : memref<40x128xi32, #tpu.memory_space<vmem>> -> memref<1x128xi32, #tpu.memory_space<vmem>>
          %dma_start3A_170 = tpu.memref_squeeze %dma_start3A_169 : memref<1x128xi32, #tpu.memory_space<vmem>> -> memref<128xi32, #tpu.memory_space<vmem>>
          %dma_start3A_171 = arith.constant 0 : i32
          %dma_start3A_172 = arith.constant 0 : i32
          %dma_start3A_173 = tpu.memref_slice %arg11[%dma_start3A_171, %dma_start3A_172] : memref<10240x128xf32, #tpu.memory_space<vmem_shared>> -> memref<10240x128xf32, #tpu.memory_space<vmem_shared>>
          tpu.enqueue_indirect_dma source(%arg9 : memref<128x128xf32, #tpu.memory_space<vmem>>) target(%dma_start3A_173 : memref<10240x128xf32, #tpu.memory_space<vmem_shared>>) offsets(%dma_start3A_170 : memref<128xi32, #tpu.memory_space<vmem>>) semaphore(%run_scoped3A : memref<!tpu.dma_semaphore, #tpu.memory_space<semaphore_mem>>) {add = true}
          %dma_wait3A_174 = arith.constant 0 : i32
          %dma_wait3A_175 = tpu.memref_slice %arg8[%add3A_138, %dma_wait3A_174] : memref<40x128xi32, #tpu.memory_space<vmem>> -> memref<1x128xi32, #tpu.memory_space<vmem>>
          %dma_wait3A_176 = tpu.memref_squeeze %dma_wait3A_175 : memref<1x128xi32, #tpu.memory_space<vmem>> -> memref<128xi32, #tpu.memory_space<vmem>>
          %dma_wait3A_177 = arith.constant 0 : i32
          %dma_wait3A_178 = arith.constant 0 : i32
          %dma_wait3A_179 = tpu.memref_slice %arg11[%dma_wait3A_177, %dma_wait3A_178] : memref<10240x128xf32, #tpu.memory_space<vmem_shared>> -> memref<10240x128xf32, #tpu.memory_space<vmem_shared>>
          tpu.wait_indirect_dma semaphore(%run_scoped3A : memref<!tpu.dma_semaphore, #tpu.memory_space<semaphore_mem>>) src(%arg9 : memref<128x128xf32, #tpu.memory_space<vmem>>) dst(%dma_wait3A_179 : memref<10240x128xf32, #tpu.memory_space<vmem_shared>>)
          tpu.yield
        }) : () -> ()
        %sub3A_153 = arith.constant 1 : i32
        %sub3A_154 = arith.subi %select_n3A_93, %sub3A_153 : i32
        %lt3A = arith.cmpi slt, %while3A_135, %sub3A_154 : i32
        %convert_element_type3A_155 = arith.extui %lt3A : i1 to i32
        %cond3A_156 = arith.constant 0 : i32
        %cond3A_157 = arith.cmpi ne, %convert_element_type3A_155, %cond3A_156 : i32
        scf.if %cond3A_157 {
          %add3A_168 = arith.constant 2 : i32
          %add3A_169 = arith.addi %add3A_138, %add3A_168 : i32
          %dma_start3A_170 = arith.constant 0 : i32
          %dma_start3A_171 = tpu.memref_slice %arg7[%add3A_169, %dma_start3A_170] : memref<40x128xi32, #tpu.memory_space<vmem>> -> memref<1x128xi32, #tpu.memory_space<vmem>>
          %dma_start3A_172 = tpu.memref_squeeze %dma_start3A_171 : memref<1x128xi32, #tpu.memory_space<vmem>> -> memref<128xi32, #tpu.memory_space<vmem>>
          %dma_start3A_173 = arith.constant 0 : i32
          %dma_start3A_174 = arith.constant 0 : i32
          %dma_start3A_175 = tpu.memref_slice %arg2[%dma_start3A_173, %dma_start3A_174] : memref<10000x128xf32, #tpu.memory_space<hbm>> -> memref<10000x128xf32, #tpu.memory_space<hbm>>
          tpu.enqueue_indirect_dma source(%dma_start3A_175 : memref<10000x128xf32, #tpu.memory_space<hbm>>) target(%arg9 : memref<128x128xf32, #tpu.memory_space<vmem>>) offsets(%dma_start3A_172 : memref<128xi32, #tpu.memory_space<vmem>>) semaphore(%arg12 : memref<!tpu.dma_semaphore, #tpu.memory_space<semaphore_mem>>)
        } else {
        }
        %add3A_158 = arith.constant 1 : i32
        %add3A_159 = arith.addi %add3A_138, %add3A_158 : i32
        %dma_wait3A_160 = arith.constant 0 : i32
        %dma_wait3A_161 = tpu.memref_slice %arg7[%add3A_159, %dma_wait3A_160] : memref<40x128xi32, #tpu.memory_space<vmem>> -> memref<1x128xi32, #tpu.memory_space<vmem>>
        %dma_wait3A_162 = tpu.memref_squeeze %dma_wait3A_161 : memref<1x128xi32, #tpu.memory_space<vmem>> -> memref<128xi32, #tpu.memory_space<vmem>>
        %dma_wait3A_163 = arith.constant 0 : i32
        %dma_wait3A_164 = arith.constant 0 : i32
        %dma_wait3A_165 = tpu.memref_slice %arg2[%dma_wait3A_163, %dma_wait3A_164] : memref<10000x128xf32, #tpu.memory_space<hbm>> -> memref<10000x128xf32, #tpu.memory_space<hbm>>
        tpu.wait_indirect_dma semaphore(%arg13 : memref<!tpu.dma_semaphore, #tpu.memory_space<semaphore_mem>>) src(%dma_wait3A_165 : memref<10000x128xf32, #tpu.memory_space<hbm>>) dst(%arg10 : memref<128x128xf32, #tpu.memory_space<vmem>>)
        %add3A_166 = arith.constant 1 : i32
        %add3A_167 = arith.addi %add3A_138, %add3A_166 : i32
        "tpu.region"() ({
          %run_scoped3A = tpu.sem_alloc : memref<!tpu.dma_semaphore, #tpu.memory_space<semaphore_mem>>
          %dma_start3A_168 = arith.constant 0 : i32
          %dma_start3A_169 = tpu.memref_slice %arg8[%add3A_167, %dma_start3A_168] : memref<40x128xi32, #tpu.memory_space<vmem>> -> memref<1x128xi32, #tpu.memory_space<vmem>>
          %dma_start3A_170 = tpu.memref_squeeze %dma_start3A_169 : memref<1x128xi32, #tpu.memory_space<vmem>> -> memref<128xi32, #tpu.memory_space<vmem>>
          %dma_start3A_171 = arith.constant 0 : i32
          %dma_start3A_172 = arith.constant 0 : i32
          %dma_start3A_173 = tpu.memref_slice %arg11[%dma_start3A_171, %dma_start3A_172] : memref<10240x128xf32, #tpu.memory_space<vmem_shared>> -> memref<10240x128xf32, #tpu.memory_space<vmem_shared>>
          tpu.enqueue_indirect_dma source(%arg10 : memref<128x128xf32, #tpu.memory_space<vmem>>) target(%dma_start3A_173 : memref<10240x128xf32, #tpu.memory_space<vmem_shared>>) offsets(%dma_start3A_170 : memref<128xi32, #tpu.memory_space<vmem>>) semaphore(%run_scoped3A : memref<!tpu.dma_semaphore, #tpu.memory_space<semaphore_mem>>) {add = true}
          %dma_wait3A_174 = arith.constant 0 : i32
          %dma_wait3A_175 = tpu.memref_slice %arg8[%add3A_167, %dma_wait3A_174] : memref<40x128xi32, #tpu.memory_space<vmem>> -> memref<1x128xi32, #tpu.memory_space<vmem>>
          %dma_wait3A_176 = tpu.memref_squeeze %dma_wait3A_175 : memref<1x128xi32, #tpu.memory_space<vmem>> -> memref<128xi32, #tpu.memory_space<vmem>>
          %dma_wait3A_177 = arith.constant 0 : i32
          %dma_wait3A_178 = arith.constant 0 : i32
          %dma_wait3A_179 = tpu.memref_slice %arg11[%dma_wait3A_177, %dma_wait3A_178] : memref<10240x128xf32, #tpu.memory_space<vmem_shared>> -> memref<10240x128xf32, #tpu.memory_space<vmem_shared>>
          tpu.wait_indirect_dma semaphore(%run_scoped3A : memref<!tpu.dma_semaphore, #tpu.memory_space<semaphore_mem>>) src(%arg10 : memref<128x128xf32, #tpu.memory_space<vmem>>) dst(%dma_wait3A_179 : memref<10240x128xf32, #tpu.memory_space<vmem_shared>>)
          tpu.yield
        }) : () -> ()
      }
    } else {
    }
    %barrier3A_115 = arith.constant 0 : index
    tpu.barrier barrier_id(%barrier3A_115)
    %mul3A_116 = arith.constant 640 : i32
    %mul3A_117 = arith.muli %arg1, %mul3A_116 : i32
    %mul3A_118 = arith.constant 640 : i32
    %mul3A_119 = arith.muli %arg1, %mul3A_118 : i32
    "tpu.region"() ({
      %run_scoped3A = tpu.sem_alloc : memref<!tpu.dma_semaphore, #tpu.memory_space<semaphore_mem>>
      %dma_start3A_120 = arith.constant 0 : i32
      %dma_start3A_121 = tpu.memref_slice %arg6[%arg0, %mul3A_119, %dma_start3A_120] : memref<2x10240x128xf32, #tpu.memory_space<hbm>> -> memref<1x640x128xf32, #tpu.memory_space<hbm>>
      %dma_start3A_122 = tpu.memref_squeeze %dma_start3A_121 : memref<1x640x128xf32, #tpu.memory_space<hbm>> -> memref<640x128xf32, #tpu.memory_space<hbm>>
      %dma_start3A_123 = arith.constant 0 : i32
      %dma_start3A_124 = tpu.memref_slice %arg11[%mul3A_117, %dma_start3A_123] : memref<10240x128xf32, #tpu.memory_space<vmem_shared>> -> memref<640x128xf32, #tpu.memory_space<vmem_shared>>
      tpu.enqueue_dma source(%dma_start3A_124 : memref<640x128xf32, #tpu.memory_space<vmem_shared>>) target(%dma_start3A_122 : memref<640x128xf32, #tpu.memory_space<hbm>>) target_semaphore(%run_scoped3A : memref<!tpu.dma_semaphore, #tpu.memory_space<semaphore_mem>>)
      %dma_wait3A_125 = arith.constant 0 : i32
      %dma_wait3A_126 = tpu.memref_slice %arg6[%arg0, %mul3A_119, %dma_wait3A_125] : memref<2x10240x128xf32, #tpu.memory_space<hbm>> -> memref<1x640x128xf32, #tpu.memory_space<hbm>>
      %dma_wait3A_127 = tpu.memref_squeeze %dma_wait3A_126 : memref<1x640x128xf32, #tpu.memory_space<hbm>> -> memref<640x128xf32, #tpu.memory_space<hbm>>
      %dma_wait3A_128 = arith.constant 0 : i32
      %dma_wait3A_129 = tpu.memref_slice %arg11[%mul3A_117, %dma_wait3A_128] : memref<10240x128xf32, #tpu.memory_space<vmem_shared>> -> memref<640x128xf32, #tpu.memory_space<vmem_shared>>
      tpu.wait_dma2 semaphore(%run_scoped3A : memref<!tpu.dma_semaphore, #tpu.memory_space<semaphore_mem>>) src(%dma_wait3A_129 : memref<640x128xf32, #tpu.memory_space<vmem_shared>>) dst(%dma_wait3A_127 : memref<640x128xf32, #tpu.memory_space<hbm>>)
      tpu.yield
    }) : () -> ()
    return
  }
}

#map = affine_map<(d0, d1) -> (0, 0)>
#map1 = affine_map<(d0, d1) -> (0, 0, 0)>
module attributes {stable_mosaic.version = 14 : i64} {
  func.func @_sc_conv(%arg0: i32, %arg1: i32, %arg2: memref<10000x128xf32, #tpu.memory_space<hbm>>, %arg3: memref<2504x128xi32, #tpu.memory_space<hbm>>, %arg4: memref<2504x128xi32, #tpu.memory_space<hbm>>, %arg5: memref<640x128xf32, #tpu.memory_space<hbm>>, %arg6: memref<2x10240x128xf32, #tpu.memory_space<hbm>>, %arg7: memref<40x128xi32, #tpu.memory_space<vmem>>, %arg8: memref<40x128xi32, #tpu.memory_space<vmem>>, %arg9: memref<128x128xf32, #tpu.memory_space<vmem>>, %arg10: memref<128x128xf32, #tpu.memory_space<vmem>>, %arg11: memref<10240x128xf32, #tpu.memory_space<vmem_shared>>, %arg12: memref<!tpu.dma_semaphore, #tpu.memory_space<semaphore_mem>>, %arg13: memref<!tpu.dma_semaphore, #tpu.memory_space<semaphore_mem>>) attributes {dimension_semantics = [#tpu.dimension_semantics<core_parallel>, #tpu.dimension_semantics<subcore_parallel>], iteration_bounds = array<i64: 2, 16>, scalar_prefetch = 0 : i64, scratch_operands = 7 : i64, tpu.core_type = #tpu.core_type<sc_vector_subcore>, window_params = [{transform_indices = #map}, {transform_indices = #map}, {transform_indices = #map}, {transform_indices = #map}, {transform_indices = #map1}]} {
    %mul3A = arith.constant 16 : i32
    %mul3A_0 = arith.muli %arg0, %mul3A : i32
    %add3A = arith.addi %mul3A_0, %arg1 : i32
    %mul3A_1 = arith.constant 640 : i32
    %mul3A_2 = arith.muli %arg1, %mul3A_1 : i32
    %dma_start3A = arith.constant 0 : i32
    %dma_start3A_3 = tpu.memref_slice %arg11[%mul3A_2, %dma_start3A] : memref<10240x128xf32, #tpu.memory_space<vmem_shared>> -> memref<640x128xf32, #tpu.memory_space<vmem_shared>>
    tpu.enqueue_dma source(%arg5 : memref<640x128xf32, #tpu.memory_space<hbm>>) target(%dma_start3A_3 : memref<640x128xf32, #tpu.memory_space<vmem_shared>>) target_semaphore(%arg13 : memref<!tpu.dma_semaphore, #tpu.memory_space<semaphore_mem>>)
    %mul3A_4 = arith.constant 80 : i32
    %mul3A_5 = arith.muli %add3A, %mul3A_4 : i32
    %sub3A = arith.constant 2500 : i32
    %sub3A_6 = arith.subi %sub3A, %mul3A_5 : i32
    %min3A = arith.constant 80 : i32
    %min3A_7 = arith.minsi %sub3A_6, %min3A : i32
    %mul3A_8 = arith.constant 80 : i32
    %mul3A_9 = arith.muli %add3A, %mul3A_8 : i32
    %add3A_10 = arith.constant 0 : i32
    %add3A_11 = arith.addi %mul3A_9, %add3A_10 : i32
    %sub3A_12 = arith.constant 0 : i32
    %sub3A_13 = arith.subi %min3A_7, %sub3A_12 : i32
    %jit3A = arith.constant 0 : i32
    %jit3A_14 = arith.constant 40 : i32
    %max3A = arith.maxsi %jit3A, %sub3A_13 : i32
    %min3A_15 = arith.minsi %jit3A_14, %max3A : i32
    %min3A_16 = arith.constant 2464 : i32
    %min3A_17 = arith.minsi %add3A_11, %min3A_16 : i32
    %multiple_of3A = tpu.assume_multiple %min3A_17, 8 : i32
    %sub3A_18 = arith.subi %add3A_11, %multiple_of3A : i32
    %jit3A_19 = arith.constant 2 : i32
    %div3A = arith.divsi %min3A_15, %jit3A_19 : i32
    %sign3A = arith.constant 0 : i32
    %sign3A_20 = arith.cmpi sgt, %min3A_15, %sign3A : i32
    %sign3A_21 = arith.extui %sign3A_20 : i1 to i32
    %sign3A_22 = arith.constant 0 : i32
    %sign3A_23 = arith.cmpi slt, %min3A_15, %sign3A_22 : i32
    %sign3A_24 = arith.extui %sign3A_23 : i1 to i32
    %sign3A_25 = arith.subi %sign3A_21, %sign3A_24 : i32
    %sign3A_26 = arith.constant 0 : i32
    %sign3A_27 = arith.cmpi sgt, %jit3A_19, %sign3A_26 : i32
    %sign3A_28 = arith.extui %sign3A_27 : i1 to i32
    %sign3A_29 = arith.constant 0 : i32
    %sign3A_30 = arith.cmpi slt, %jit3A_19, %sign3A_29 : i32
    %sign3A_31 = arith.extui %sign3A_30 : i1 to i32
    %sign3A_32 = arith.subi %sign3A_28, %sign3A_31 : i32
    %ne3A = arith.cmpi ne, %sign3A_25, %sign3A_32 : i32
    %rem3A = arith.remsi %min3A_15, %jit3A_19 : i32
    %ne3A_33 = arith.constant 0 : i32
    %ne3A_34 = arith.cmpi ne, %rem3A, %ne3A_33 : i32
    %and3A = arith.andi %ne3A, %ne3A_34 : i1
    %sub3A_35 = arith.constant 1 : i32
    %sub3A_36 = arith.subi %div3A, %sub3A_35 : i32
    %select_n3A = arith.select %and3A, %sub3A_36, %div3A : i32
    %dma_start3A_37 = arith.constant 0 : i32
    %dma_start3A_38 = tpu.memref_slice %arg3[%multiple_of3A, %dma_start3A_37] : memref<2504x128xi32, #tpu.memory_space<hbm>> -> memref<40x128xi32, #tpu.memory_space<hbm>>
    %dma_start3A_39 = arith.constant 0 : i32
    %dma_start3A_40 = tpu.memref_slice %arg3[%multiple_of3A, %dma_start3A_39] : memref<2504x128xi32, #tpu.memory_space<hbm>> -> memref<40x128xi32, #tpu.memory_space<hbm>>
    tpu.enqueue_dma source(%dma_start3A_40 : memref<40x128xi32, #tpu.memory_space<hbm>>) target(%arg7 : memref<40x128xi32, #tpu.memory_space<vmem>>) target_semaphore(%arg12 : memref<!tpu.dma_semaphore, #tpu.memory_space<semaphore_mem>>)
    %dma_start3A_41 = arith.constant 0 : i32
    %dma_start3A_42 = tpu.memref_slice %arg4[%multiple_of3A, %dma_start3A_41] : memref<2504x128xi32, #tpu.memory_space<hbm>> -> memref<40x128xi32, #tpu.memory_space<hbm>>
    %dma_start3A_43 = arith.constant 0 : i32
    %dma_start3A_44 = tpu.memref_slice %arg4[%multiple_of3A, %dma_start3A_43] : memref<2504x128xi32, #tpu.memory_space<hbm>> -> memref<40x128xi32, #tpu.memory_space<hbm>>
    tpu.enqueue_dma source(%dma_start3A_44 : memref<40x128xi32, #tpu.memory_space<hbm>>) target(%arg8 : memref<40x128xi32, #tpu.memory_space<vmem>>) target_semaphore(%arg13 : memref<!tpu.dma_semaphore, #tpu.memory_space<semaphore_mem>>)
    %dma_wait3A = arith.constant 0 : i32
    %dma_wait3A_45 = tpu.memref_slice %arg3[%multiple_of3A, %dma_wait3A] : memref<2504x128xi32, #tpu.memory_space<hbm>> -> memref<40x128xi32, #tpu.memory_space<hbm>>
    %dma_wait3A_46 = arith.constant 0 : i32
    %dma_wait3A_47 = tpu.memref_slice %arg3[%multiple_of3A, %dma_wait3A_46] : memref<2504x128xi32, #tpu.memory_space<hbm>> -> memref<40x128xi32, #tpu.memory_space<hbm>>
    tpu.wait_dma2 semaphore(%arg12 : memref<!tpu.dma_semaphore, #tpu.memory_space<semaphore_mem>>) src(%dma_wait3A_47 : memref<40x128xi32, #tpu.memory_space<hbm>>) dst(%arg7 : memref<40x128xi32, #tpu.memory_space<vmem>>)
    %dma_wait3A_48 = arith.constant 0 : i32
    %dma_wait3A_49 = tpu.memref_slice %arg4[%multiple_of3A, %dma_wait3A_48] : memref<2504x128xi32, #tpu.memory_space<hbm>> -> memref<40x128xi32, #tpu.memory_space<hbm>>
    %dma_wait3A_50 = arith.constant 0 : i32
    %dma_wait3A_51 = tpu.memref_slice %arg4[%multiple_of3A, %dma_wait3A_50] : memref<2504x128xi32, #tpu.memory_space<hbm>> -> memref<40x128xi32, #tpu.memory_space<hbm>>
    tpu.wait_dma2 semaphore(%arg13 : memref<!tpu.dma_semaphore, #tpu.memory_space<semaphore_mem>>) src(%dma_wait3A_51 : memref<40x128xi32, #tpu.memory_space<hbm>>) dst(%arg8 : memref<40x128xi32, #tpu.memory_space<vmem>>)
    %dma_wait3A_52 = arith.constant 0 : i32
    %dma_wait3A_53 = tpu.memref_slice %arg11[%mul3A_2, %dma_wait3A_52] : memref<10240x128xf32, #tpu.memory_space<vmem_shared>> -> memref<640x128xf32, #tpu.memory_space<vmem_shared>>
    tpu.wait_dma2 semaphore(%arg13 : memref<!tpu.dma_semaphore, #tpu.memory_space<semaphore_mem>>) src(%arg5 : memref<640x128xf32, #tpu.memory_space<hbm>>) dst(%dma_wait3A_53 : memref<640x128xf32, #tpu.memory_space<vmem_shared>>)
    %barrier3A = arith.constant 0 : index
    tpu.barrier barrier_id(%barrier3A)
    %gt3A = arith.constant 0 : i32
    %gt3A_54 = arith.cmpi sgt, %select_n3A, %gt3A : i32
    %convert_element_type3A = arith.extui %gt3A_54 : i1 to i32
    %cond3A = arith.constant 0 : i32
    %cond3A_55 = arith.cmpi ne, %convert_element_type3A, %cond3A : i32
    scf.if %cond3A_55 {
      %dma_start3A_120 = arith.constant 0 : i32
      %dma_start3A_121 = tpu.memref_slice %arg7[%sub3A_18, %dma_start3A_120] : memref<40x128xi32, #tpu.memory_space<vmem>> -> memref<1x128xi32, #tpu.memory_space<vmem>>
      %dma_start3A_122 = tpu.memref_squeeze %dma_start3A_121 : memref<1x128xi32, #tpu.memory_space<vmem>> -> memref<128xi32, #tpu.memory_space<vmem>>
      %dma_start3A_123 = arith.constant 0 : i32
      %dma_start3A_124 = arith.constant 0 : i32
      %dma_start3A_125 = tpu.memref_slice %arg2[%dma_start3A_123, %dma_start3A_124] : memref<10000x128xf32, #tpu.memory_space<hbm>> -> memref<10000x128xf32, #tpu.memory_space<hbm>>
      tpu.enqueue_indirect_dma source(%dma_start3A_125 : memref<10000x128xf32, #tpu.memory_space<hbm>>) target(%arg9 : memref<128x128xf32, #tpu.memory_space<vmem>>) offsets(%dma_start3A_122 : memref<128xi32, #tpu.memory_space<vmem>>) semaphore(%arg12 : memref<!tpu.dma_semaphore, #tpu.memory_space<semaphore_mem>>)
      %while3A = arith.constant 0 : i32
      %while3A_126 = arith.constant 0 : i32
      %while3A_127 = arith.subi %select_n3A, %while3A_126 : i32
      %while3A_128 = arith.addi %while3A_126, %while3A_127 : i32
      %while3A_129 = arith.constant 1 : i32
      %while3A_130 = arith.divsi %while3A_127, %while3A_129 : i32
      %while3A_131 = arith.muli %while3A_130, %while3A_129 : i32
      %while3A_132 = arith.addi %while3A_126, %while3A_131 : i32
      %while3A_133 = arith.constant 1 : i32
      scf.for %while3A_135 = %while3A_126 to %while3A_132 step %while3A_133  : i32 {
        %mul3A_136 = arith.constant 2 : i32
        %mul3A_137 = arith.muli %mul3A_136, %while3A_135 : i32
        %add3A_138 = arith.addi %sub3A_18, %mul3A_137 : i32
        %add3A_139 = arith.constant 1 : i32
        %add3A_140 = arith.addi %add3A_138, %add3A_139 : i32
        %dma_start3A_141 = arith.constant 0 : i32
        %dma_start3A_142 = tpu.memref_slice %arg7[%add3A_140, %dma_start3A_141] : memref<40x128xi32, #tpu.memory_space<vmem>> -> memref<1x128xi32, #tpu.memory_space<vmem>>
        %dma_start3A_143 = tpu.memref_squeeze %dma_start3A_142 : memref<1x128xi32, #tpu.memory_space<vmem>> -> memref<128xi32, #tpu.memory_space<vmem>>
        %dma_start3A_144 = arith.constant 0 : i32
        %dma_start3A_145 = arith.constant 0 : i32
        %dma_start3A_146 = tpu.memref_slice %arg2[%dma_start3A_144, %dma_start3A_145] : memref<10000x128xf32, #tpu.memory_space<hbm>> -> memref<10000x128xf32, #tpu.memory_space<hbm>>
        tpu.enqueue_indirect_dma source(%dma_start3A_146 : memref<10000x128xf32, #tpu.memory_space<hbm>>) target(%arg10 : memref<128x128xf32, #tpu.memory_space<vmem>>) offsets(%dma_start3A_143 : memref<128xi32, #tpu.memory_space<vmem>>) semaphore(%arg13 : memref<!tpu.dma_semaphore, #tpu.memory_space<semaphore_mem>>)
        %dma_wait3A_147 = arith.constant 0 : i32
        %dma_wait3A_148 = tpu.memref_slice %arg7[%add3A_138, %dma_wait3A_147] : memref<40x128xi32, #tpu.memory_space<vmem>> -> memref<1x128xi32, #tpu.memory_space<vmem>>
        %dma_wait3A_149 = tpu.memref_squeeze %dma_wait3A_148 : memref<1x128xi32, #tpu.memory_space<vmem>> -> memref<128xi32, #tpu.memory_space<vmem>>
        %dma_wait3A_150 = arith.constant 0 : i32
        %dma_wait3A_151 = arith.constant 0 : i32
        %dma_wait3A_152 = tpu.memref_slice %arg2[%dma_wait3A_150, %dma_wait3A_151] : memref<10000x128xf32, #tpu.memory_space<hbm>> -> memref<10000x128xf32, #tpu.memory_space<hbm>>
        tpu.wait_indirect_dma semaphore(%arg12 : memref<!tpu.dma_semaphore, #tpu.memory_space<semaphore_mem>>) src(%dma_wait3A_152 : memref<10000x128xf32, #tpu.memory_space<hbm>>) dst(%arg9 : memref<128x128xf32, #tpu.memory_space<vmem>>)
        "tpu.region"() ({
          %run_scoped3A = tpu.sem_alloc : memref<!tpu.dma_semaphore, #tpu.memory_space<semaphore_mem>>
          %dma_start3A_168 = arith.constant 0 : i32
          %dma_start3A_169 = tpu.memref_slice %arg8[%add3A_138, %dma_start3A_168] : memref<40x128xi32, #tpu.memory_space<vmem>> -> memref<1x128xi32, #tpu.memory_space<vmem>>
          %dma_start3A_170 = tpu.memref_squeeze %dma_start3A_169 : memref<1x128xi32, #tpu.memory_space<vmem>> -> memref<128xi32, #tpu.memory_space<vmem>>
          %dma_start3A_171 = arith.constant 0 : i32
          %dma_start3A_172 = arith.constant 0 : i32
          %dma_start3A_173 = tpu.memref_slice %arg11[%dma_start3A_171, %dma_start3A_172] : memref<10240x128xf32, #tpu.memory_space<vmem_shared>> -> memref<10240x128xf32, #tpu.memory_space<vmem_shared>>
          tpu.enqueue_indirect_dma source(%arg9 : memref<128x128xf32, #tpu.memory_space<vmem>>) target(%dma_start3A_173 : memref<10240x128xf32, #tpu.memory_space<vmem_shared>>) offsets(%dma_start3A_170 : memref<128xi32, #tpu.memory_space<vmem>>) semaphore(%run_scoped3A : memref<!tpu.dma_semaphore, #tpu.memory_space<semaphore_mem>>) {add = true}
          %dma_wait3A_174 = arith.constant 0 : i32
          %dma_wait3A_175 = tpu.memref_slice %arg8[%add3A_138, %dma_wait3A_174] : memref<40x128xi32, #tpu.memory_space<vmem>> -> memref<1x128xi32, #tpu.memory_space<vmem>>
          %dma_wait3A_176 = tpu.memref_squeeze %dma_wait3A_175 : memref<1x128xi32, #tpu.memory_space<vmem>> -> memref<128xi32, #tpu.memory_space<vmem>>
          %dma_wait3A_177 = arith.constant 0 : i32
          %dma_wait3A_178 = arith.constant 0 : i32
          %dma_wait3A_179 = tpu.memref_slice %arg11[%dma_wait3A_177, %dma_wait3A_178] : memref<10240x128xf32, #tpu.memory_space<vmem_shared>> -> memref<10240x128xf32, #tpu.memory_space<vmem_shared>>
          tpu.wait_indirect_dma semaphore(%run_scoped3A : memref<!tpu.dma_semaphore, #tpu.memory_space<semaphore_mem>>) src(%arg9 : memref<128x128xf32, #tpu.memory_space<vmem>>) dst(%dma_wait3A_179 : memref<10240x128xf32, #tpu.memory_space<vmem_shared>>)
          tpu.yield
        }) : () -> ()
        %sub3A_153 = arith.constant 1 : i32
        %sub3A_154 = arith.subi %select_n3A, %sub3A_153 : i32
        %lt3A = arith.cmpi slt, %while3A_135, %sub3A_154 : i32
        %convert_element_type3A_155 = arith.extui %lt3A : i1 to i32
        %cond3A_156 = arith.constant 0 : i32
        %cond3A_157 = arith.cmpi ne, %convert_element_type3A_155, %cond3A_156 : i32
        scf.if %cond3A_157 {
          %add3A_168 = arith.constant 2 : i32
          %add3A_169 = arith.addi %add3A_138, %add3A_168 : i32
          %dma_start3A_170 = arith.constant 0 : i32
          %dma_start3A_171 = tpu.memref_slice %arg7[%add3A_169, %dma_start3A_170] : memref<40x128xi32, #tpu.memory_space<vmem>> -> memref<1x128xi32, #tpu.memory_space<vmem>>
          %dma_start3A_172 = tpu.memref_squeeze %dma_start3A_171 : memref<1x128xi32, #tpu.memory_space<vmem>> -> memref<128xi32, #tpu.memory_space<vmem>>
          %dma_start3A_173 = arith.constant 0 : i32
          %dma_start3A_174 = arith.constant 0 : i32
          %dma_start3A_175 = tpu.memref_slice %arg2[%dma_start3A_173, %dma_start3A_174] : memref<10000x128xf32, #tpu.memory_space<hbm>> -> memref<10000x128xf32, #tpu.memory_space<hbm>>
          tpu.enqueue_indirect_dma source(%dma_start3A_175 : memref<10000x128xf32, #tpu.memory_space<hbm>>) target(%arg9 : memref<128x128xf32, #tpu.memory_space<vmem>>) offsets(%dma_start3A_172 : memref<128xi32, #tpu.memory_space<vmem>>) semaphore(%arg12 : memref<!tpu.dma_semaphore, #tpu.memory_space<semaphore_mem>>)
        } else {
        }
        %add3A_158 = arith.constant 1 : i32
        %add3A_159 = arith.addi %add3A_138, %add3A_158 : i32
        %dma_wait3A_160 = arith.constant 0 : i32
        %dma_wait3A_161 = tpu.memref_slice %arg7[%add3A_159, %dma_wait3A_160] : memref<40x128xi32, #tpu.memory_space<vmem>> -> memref<1x128xi32, #tpu.memory_space<vmem>>
        %dma_wait3A_162 = tpu.memref_squeeze %dma_wait3A_161 : memref<1x128xi32, #tpu.memory_space<vmem>> -> memref<128xi32, #tpu.memory_space<vmem>>
        %dma_wait3A_163 = arith.constant 0 : i32
        %dma_wait3A_164 = arith.constant 0 : i32
        %dma_wait3A_165 = tpu.memref_slice %arg2[%dma_wait3A_163, %dma_wait3A_164] : memref<10000x128xf32, #tpu.memory_space<hbm>> -> memref<10000x128xf32, #tpu.memory_space<hbm>>
        tpu.wait_indirect_dma semaphore(%arg13 : memref<!tpu.dma_semaphore, #tpu.memory_space<semaphore_mem>>) src(%dma_wait3A_165 : memref<10000x128xf32, #tpu.memory_space<hbm>>) dst(%arg10 : memref<128x128xf32, #tpu.memory_space<vmem>>)
        %add3A_166 = arith.constant 1 : i32
        %add3A_167 = arith.addi %add3A_138, %add3A_166 : i32
        "tpu.region"() ({
          %run_scoped3A = tpu.sem_alloc : memref<!tpu.dma_semaphore, #tpu.memory_space<semaphore_mem>>
          %dma_start3A_168 = arith.constant 0 : i32
          %dma_start3A_169 = tpu.memref_slice %arg8[%add3A_167, %dma_start3A_168] : memref<40x128xi32, #tpu.memory_space<vmem>> -> memref<1x128xi32, #tpu.memory_space<vmem>>
          %dma_start3A_170 = tpu.memref_squeeze %dma_start3A_169 : memref<1x128xi32, #tpu.memory_space<vmem>> -> memref<128xi32, #tpu.memory_space<vmem>>
          %dma_start3A_171 = arith.constant 0 : i32
          %dma_start3A_172 = arith.constant 0 : i32
          %dma_start3A_173 = tpu.memref_slice %arg11[%dma_start3A_171, %dma_start3A_172] : memref<10240x128xf32, #tpu.memory_space<vmem_shared>> -> memref<10240x128xf32, #tpu.memory_space<vmem_shared>>
          tpu.enqueue_indirect_dma source(%arg10 : memref<128x128xf32, #tpu.memory_space<vmem>>) target(%dma_start3A_173 : memref<10240x128xf32, #tpu.memory_space<vmem_shared>>) offsets(%dma_start3A_170 : memref<128xi32, #tpu.memory_space<vmem>>) semaphore(%run_scoped3A : memref<!tpu.dma_semaphore, #tpu.memory_space<semaphore_mem>>) {add = true}
          %dma_wait3A_174 = arith.constant 0 : i32
          %dma_wait3A_175 = tpu.memref_slice %arg8[%add3A_167, %dma_wait3A_174] : memref<40x128xi32, #tpu.memory_space<vmem>> -> memref<1x128xi32, #tpu.memory_space<vmem>>
          %dma_wait3A_176 = tpu.memref_squeeze %dma_wait3A_175 : memref<1x128xi32, #tpu.memory_space<vmem>> -> memref<128xi32, #tpu.memory_space<vmem>>
          %dma_wait3A_177 = arith.constant 0 : i32
          %dma_wait3A_178 = arith.constant 0 : i32
          %dma_wait3A_179 = tpu.memref_slice %arg11[%dma_wait3A_177, %dma_wait3A_178] : memref<10240x128xf32, #tpu.memory_space<vmem_shared>> -> memref<10240x128xf32, #tpu.memory_space<vmem_shared>>
          tpu.wait_indirect_dma semaphore(%run_scoped3A : memref<!tpu.dma_semaphore, #tpu.memory_space<semaphore_mem>>) src(%arg10 : memref<128x128xf32, #tpu.memory_space<vmem>>) dst(%dma_wait3A_179 : memref<10240x128xf32, #tpu.memory_space<vmem_shared>>)
          tpu.yield
        }) : () -> ()
      }
      %while3A_134 = arith.constant 1 : i32
      scf.for %while3A_135 = %while3A_132 to %while3A_128 step %while3A_134  : i32 {
        %mul3A_136 = arith.constant 2 : i32
        %mul3A_137 = arith.muli %mul3A_136, %while3A_135 : i32
        %add3A_138 = arith.addi %sub3A_18, %mul3A_137 : i32
        %add3A_139 = arith.constant 1 : i32
        %add3A_140 = arith.addi %add3A_138, %add3A_139 : i32
        %dma_start3A_141 = arith.constant 0 : i32
        %dma_start3A_142 = tpu.memref_slice %arg7[%add3A_140, %dma_start3A_141] : memref<40x128xi32, #tpu.memory_space<vmem>> -> memref<1x128xi32, #tpu.memory_space<vmem>>
        %dma_start3A_143 = tpu.memref_squeeze %dma_start3A_142 : memref<1x128xi32, #tpu.memory_space<vmem>> -> memref<128xi32, #tpu.memory_space<vmem>>
        %dma_start3A_144 = arith.constant 0 : i32
        %dma_start3A_145 = arith.constant 0 : i32
        %dma_start3A_146 = tpu.memref_slice %arg2[%dma_start3A_144, %dma_start3A_145] : memref<10000x128xf32, #tpu.memory_space<hbm>> -> memref<10000x128xf32, #tpu.memory_space<hbm>>
        tpu.enqueue_indirect_dma source(%dma_start3A_146 : memref<10000x128xf32, #tpu.memory_space<hbm>>) target(%arg10 : memref<128x128xf32, #tpu.memory_space<vmem>>) offsets(%dma_start3A_143 : memref<128xi32, #tpu.memory_space<vmem>>) semaphore(%arg13 : memref<!tpu.dma_semaphore, #tpu.memory_space<semaphore_mem>>)
        %dma_wait3A_147 = arith.constant 0 : i32
        %dma_wait3A_148 = tpu.memref_slice %arg7[%add3A_138, %dma_wait3A_147] : memref<40x128xi32, #tpu.memory_space<vmem>> -> memref<1x128xi32, #tpu.memory_space<vmem>>
        %dma_wait3A_149 = tpu.memref_squeeze %dma_wait3A_148 : memref<1x128xi32, #tpu.memory_space<vmem>> -> memref<128xi32, #tpu.memory_space<vmem>>
        %dma_wait3A_150 = arith.constant 0 : i32
        %dma_wait3A_151 = arith.constant 0 : i32
        %dma_wait3A_152 = tpu.memref_slice %arg2[%dma_wait3A_150, %dma_wait3A_151] : memref<10000x128xf32, #tpu.memory_space<hbm>> -> memref<10000x128xf32, #tpu.memory_space<hbm>>
        tpu.wait_indirect_dma semaphore(%arg12 : memref<!tpu.dma_semaphore, #tpu.memory_space<semaphore_mem>>) src(%dma_wait3A_152 : memref<10000x128xf32, #tpu.memory_space<hbm>>) dst(%arg9 : memref<128x128xf32, #tpu.memory_space<vmem>>)
        "tpu.region"() ({
          %run_scoped3A = tpu.sem_alloc : memref<!tpu.dma_semaphore, #tpu.memory_space<semaphore_mem>>
          %dma_start3A_168 = arith.constant 0 : i32
          %dma_start3A_169 = tpu.memref_slice %arg8[%add3A_138, %dma_start3A_168] : memref<40x128xi32, #tpu.memory_space<vmem>> -> memref<1x128xi32, #tpu.memory_space<vmem>>
          %dma_start3A_170 = tpu.memref_squeeze %dma_start3A_169 : memref<1x128xi32, #tpu.memory_space<vmem>> -> memref<128xi32, #tpu.memory_space<vmem>>
          %dma_start3A_171 = arith.constant 0 : i32
          %dma_start3A_172 = arith.constant 0 : i32
          %dma_start3A_173 = tpu.memref_slice %arg11[%dma_start3A_171, %dma_start3A_172] : memref<10240x128xf32, #tpu.memory_space<vmem_shared>> -> memref<10240x128xf32, #tpu.memory_space<vmem_shared>>
          tpu.enqueue_indirect_dma source(%arg9 : memref<128x128xf32, #tpu.memory_space<vmem>>) target(%dma_start3A_173 : memref<10240x128xf32, #tpu.memory_space<vmem_shared>>) offsets(%dma_start3A_170 : memref<128xi32, #tpu.memory_space<vmem>>) semaphore(%run_scoped3A : memref<!tpu.dma_semaphore, #tpu.memory_space<semaphore_mem>>) {add = true}
          %dma_wait3A_174 = arith.constant 0 : i32
          %dma_wait3A_175 = tpu.memref_slice %arg8[%add3A_138, %dma_wait3A_174] : memref<40x128xi32, #tpu.memory_space<vmem>> -> memref<1x128xi32, #tpu.memory_space<vmem>>
          %dma_wait3A_176 = tpu.memref_squeeze %dma_wait3A_175 : memref<1x128xi32, #tpu.memory_space<vmem>> -> memref<128xi32, #tpu.memory_space<vmem>>
          %dma_wait3A_177 = arith.constant 0 : i32
          %dma_wait3A_178 = arith.constant 0 : i32
          %dma_wait3A_179 = tpu.memref_slice %arg11[%dma_wait3A_177, %dma_wait3A_178] : memref<10240x128xf32, #tpu.memory_space<vmem_shared>> -> memref<10240x128xf32, #tpu.memory_space<vmem_shared>>
          tpu.wait_indirect_dma semaphore(%run_scoped3A : memref<!tpu.dma_semaphore, #tpu.memory_space<semaphore_mem>>) src(%arg9 : memref<128x128xf32, #tpu.memory_space<vmem>>) dst(%dma_wait3A_179 : memref<10240x128xf32, #tpu.memory_space<vmem_shared>>)
          tpu.yield
        }) : () -> ()
        %sub3A_153 = arith.constant 1 : i32
        %sub3A_154 = arith.subi %select_n3A, %sub3A_153 : i32
        %lt3A = arith.cmpi slt, %while3A_135, %sub3A_154 : i32
        %convert_element_type3A_155 = arith.extui %lt3A : i1 to i32
        %cond3A_156 = arith.constant 0 : i32
        %cond3A_157 = arith.cmpi ne, %convert_element_type3A_155, %cond3A_156 : i32
        scf.if %cond3A_157 {
          %add3A_168 = arith.constant 2 : i32
          %add3A_169 = arith.addi %add3A_138, %add3A_168 : i32
          %dma_start3A_170 = arith.constant 0 : i32
          %dma_start3A_171 = tpu.memref_slice %arg7[%add3A_169, %dma_start3A_170] : memref<40x128xi32, #tpu.memory_space<vmem>> -> memref<1x128xi32, #tpu.memory_space<vmem>>
          %dma_start3A_172 = tpu.memref_squeeze %dma_start3A_171 : memref<1x128xi32, #tpu.memory_space<vmem>> -> memref<128xi32, #tpu.memory_space<vmem>>
          %dma_start3A_173 = arith.constant 0 : i32
          %dma_start3A_174 = arith.constant 0 : i32
          %dma_start3A_175 = tpu.memref_slice %arg2[%dma_start3A_173, %dma_start3A_174] : memref<10000x128xf32, #tpu.memory_space<hbm>> -> memref<10000x128xf32, #tpu.memory_space<hbm>>
          tpu.enqueue_indirect_dma source(%dma_start3A_175 : memref<10000x128xf32, #tpu.memory_space<hbm>>) target(%arg9 : memref<128x128xf32, #tpu.memory_space<vmem>>) offsets(%dma_start3A_172 : memref<128xi32, #tpu.memory_space<vmem>>) semaphore(%arg12 : memref<!tpu.dma_semaphore, #tpu.memory_space<semaphore_mem>>)
        } else {
        }
        %add3A_158 = arith.constant 1 : i32
        %add3A_159 = arith.addi %add3A_138, %add3A_158 : i32
        %dma_wait3A_160 = arith.constant 0 : i32
        %dma_wait3A_161 = tpu.memref_slice %arg7[%add3A_159, %dma_wait3A_160] : memref<40x128xi32, #tpu.memory_space<vmem>> -> memref<1x128xi32, #tpu.memory_space<vmem>>
        %dma_wait3A_162 = tpu.memref_squeeze %dma_wait3A_161 : memref<1x128xi32, #tpu.memory_space<vmem>> -> memref<128xi32, #tpu.memory_space<vmem>>
        %dma_wait3A_163 = arith.constant 0 : i32
        %dma_wait3A_164 = arith.constant 0 : i32
        %dma_wait3A_165 = tpu.memref_slice %arg2[%dma_wait3A_163, %dma_wait3A_164] : memref<10000x128xf32, #tpu.memory_space<hbm>> -> memref<10000x128xf32, #tpu.memory_space<hbm>>
        tpu.wait_indirect_dma semaphore(%arg13 : memref<!tpu.dma_semaphore, #tpu.memory_space<semaphore_mem>>) src(%dma_wait3A_165 : memref<10000x128xf32, #tpu.memory_space<hbm>>) dst(%arg10 : memref<128x128xf32, #tpu.memory_space<vmem>>)
        %add3A_166 = arith.constant 1 : i32
        %add3A_167 = arith.addi %add3A_138, %add3A_166 : i32
        "tpu.region"() ({
          %run_scoped3A = tpu.sem_alloc : memref<!tpu.dma_semaphore, #tpu.memory_space<semaphore_mem>>
          %dma_start3A_168 = arith.constant 0 : i32
          %dma_start3A_169 = tpu.memref_slice %arg8[%add3A_167, %dma_start3A_168] : memref<40x128xi32, #tpu.memory_space<vmem>> -> memref<1x128xi32, #tpu.memory_space<vmem>>
          %dma_start3A_170 = tpu.memref_squeeze %dma_start3A_169 : memref<1x128xi32, #tpu.memory_space<vmem>> -> memref<128xi32, #tpu.memory_space<vmem>>
          %dma_start3A_171 = arith.constant 0 : i32
          %dma_start3A_172 = arith.constant 0 : i32
          %dma_start3A_173 = tpu.memref_slice %arg11[%dma_start3A_171, %dma_start3A_172] : memref<10240x128xf32, #tpu.memory_space<vmem_shared>> -> memref<10240x128xf32, #tpu.memory_space<vmem_shared>>
          tpu.enqueue_indirect_dma source(%arg10 : memref<128x128xf32, #tpu.memory_space<vmem>>) target(%dma_start3A_173 : memref<10240x128xf32, #tpu.memory_space<vmem_shared>>) offsets(%dma_start3A_170 : memref<128xi32, #tpu.memory_space<vmem>>) semaphore(%run_scoped3A : memref<!tpu.dma_semaphore, #tpu.memory_space<semaphore_mem>>) {add = true}
          %dma_wait3A_174 = arith.constant 0 : i32
          %dma_wait3A_175 = tpu.memref_slice %arg8[%add3A_167, %dma_wait3A_174] : memref<40x128xi32, #tpu.memory_space<vmem>> -> memref<1x128xi32, #tpu.memory_space<vmem>>
          %dma_wait3A_176 = tpu.memref_squeeze %dma_wait3A_175 : memref<1x128xi32, #tpu.memory_space<vmem>> -> memref<128xi32, #tpu.memory_space<vmem>>
          %dma_wait3A_177 = arith.constant 0 : i32
          %dma_wait3A_178 = arith.constant 0 : i32
          %dma_wait3A_179 = tpu.memref_slice %arg11[%dma_wait3A_177, %dma_wait3A_178] : memref<10240x128xf32, #tpu.memory_space<vmem_shared>> -> memref<10240x128xf32, #tpu.memory_space<vmem_shared>>
          tpu.wait_indirect_dma semaphore(%run_scoped3A : memref<!tpu.dma_semaphore, #tpu.memory_space<semaphore_mem>>) src(%arg10 : memref<128x128xf32, #tpu.memory_space<vmem>>) dst(%dma_wait3A_179 : memref<10240x128xf32, #tpu.memory_space<vmem_shared>>)
          tpu.yield
        }) : () -> ()
      }
    } else {
    }
    %mul3A_56 = arith.constant 80 : i32
    %mul3A_57 = arith.muli %add3A, %mul3A_56 : i32
    %add3A_58 = arith.constant 40 : i32
    %add3A_59 = arith.addi %mul3A_57, %add3A_58 : i32
    %sub3A_60 = arith.constant 40 : i32
    %sub3A_61 = arith.subi %min3A_7, %sub3A_60 : i32
    %jit3A_62 = arith.constant 0 : i32
    %jit3A_63 = arith.constant 40 : i32
    %max3A_64 = arith.maxsi %jit3A_62, %sub3A_61 : i32
    %min3A_65 = arith.minsi %jit3A_63, %max3A_64 : i32
    %min3A_66 = arith.constant 2464 : i32
    %min3A_67 = arith.minsi %add3A_59, %min3A_66 : i32
    %multiple_of3A_68 = tpu.assume_multiple %min3A_67, 8 : i32
    %sub3A_69 = arith.subi %add3A_59, %multiple_of3A_68 : i32
    %jit3A_70 = arith.constant 2 : i32
    %div3A_71 = arith.divsi %min3A_65, %jit3A_70 : i32
    %sign3A_72 = arith.constant 0 : i32
    %sign3A_73 = arith.cmpi sgt, %min3A_65, %sign3A_72 : i32
    %sign3A_74 = arith.extui %sign3A_73 : i1 to i32
    %sign3A_75 = arith.constant 0 : i32
    %sign3A_76 = arith.cmpi slt, %min3A_65, %sign3A_75 : i32
    %sign3A_77 = arith.extui %sign3A_76 : i1 to i32
    %sign3A_78 = arith.subi %sign3A_74, %sign3A_77 : i32
    %sign3A_79 = arith.constant 0 : i32
    %sign3A_80 = arith.cmpi sgt, %jit3A_70, %sign3A_79 : i32
    %sign3A_81 = arith.extui %sign3A_80 : i1 to i32
    %sign3A_82 = arith.constant 0 : i32
    %sign3A_83 = arith.cmpi slt, %jit3A_70, %sign3A_82 : i32
    %sign3A_84 = arith.extui %sign3A_83 : i1 to i32
    %sign3A_85 = arith.subi %sign3A_81, %sign3A_84 : i32
    %ne3A_86 = arith.cmpi ne, %sign3A_78, %sign3A_85 : i32
    %rem3A_87 = arith.remsi %min3A_65, %jit3A_70 : i32
    %ne3A_88 = arith.constant 0 : i32
    %ne3A_89 = arith.cmpi ne, %rem3A_87, %ne3A_88 : i32
    %and3A_90 = arith.andi %ne3A_86, %ne3A_89 : i1
    %sub3A_91 = arith.constant 1 : i32
    %sub3A_92 = arith.subi %div3A_71, %sub3A_91 : i32
    %select_n3A_93 = arith.select %and3A_90, %sub3A_92, %div3A_71 : i32
    %dma_start3A_94 = arith.constant 0 : i32
    %dma_start3A_95 = tpu.memref_slice %arg3[%multiple_of3A_68, %dma_start3A_94] : memref<2504x128xi32, #tpu.memory_space<hbm>> -> memref<40x128xi32, #tpu.memory_space<hbm>>
    %dma_start3A_96 = arith.constant 0 : i32
    %dma_start3A_97 = tpu.memref_slice %arg3[%multiple_of3A_68, %dma_start3A_96] : memref<2504x128xi32, #tpu.memory_space<hbm>> -> memref<40x128xi32, #tpu.memory_space<hbm>>
    tpu.enqueue_dma source(%dma_start3A_97 : memref<40x128xi32, #tpu.memory_space<hbm>>) target(%arg7 : memref<40x128xi32, #tpu.memory_space<vmem>>) target_semaphore(%arg12 : memref<!tpu.dma_semaphore, #tpu.memory_space<semaphore_mem>>)
    %dma_start3A_98 = arith.constant 0 : i32
    %dma_start3A_99 = tpu.memref_slice %arg4[%multiple_of3A_68, %dma_start3A_98] : memref<2504x128xi32, #tpu.memory_space<hbm>> -> memref<40x128xi32, #tpu.memory_space<hbm>>
    %dma_start3A_100 = arith.constant 0 : i32
    %dma_start3A_101 = tpu.memref_slice %arg4[%multiple_of3A_68, %dma_start3A_100] : memref<2504x128xi32, #tpu.memory_space<hbm>> -> memref<40x128xi32, #tpu.memory_space<hbm>>
    tpu.enqueue_dma source(%dma_start3A_101 : memref<40x128xi32, #tpu.memory_space<hbm>>) target(%arg8 : memref<40x128xi32, #tpu.memory_space<vmem>>) target_semaphore(%arg13 : memref<!tpu.dma_semaphore, #tpu.memory_space<semaphore_mem>>)
    %dma_wait3A_102 = arith.constant 0 : i32
    %dma_wait3A_103 = tpu.memref_slice %arg3[%multiple_of3A_68, %dma_wait3A_102] : memref<2504x128xi32, #tpu.memory_space<hbm>> -> memref<40x128xi32, #tpu.memory_space<hbm>>
    %dma_wait3A_104 = arith.constant 0 : i32
    %dma_wait3A_105 = tpu.memref_slice %arg3[%multiple_of3A_68, %dma_wait3A_104] : memref<2504x128xi32, #tpu.memory_space<hbm>> -> memref<40x128xi32, #tpu.memory_space<hbm>>
    tpu.wait_dma2 semaphore(%arg12 : memref<!tpu.dma_semaphore, #tpu.memory_space<semaphore_mem>>) src(%dma_wait3A_105 : memref<40x128xi32, #tpu.memory_space<hbm>>) dst(%arg7 : memref<40x128xi32, #tpu.memory_space<vmem>>)
    %dma_wait3A_106 = arith.constant 0 : i32
    %dma_wait3A_107 = tpu.memref_slice %arg4[%multiple_of3A_68, %dma_wait3A_106] : memref<2504x128xi32, #tpu.memory_space<hbm>> -> memref<40x128xi32, #tpu.memory_space<hbm>>
    %dma_wait3A_108 = arith.constant 0 : i32
    %dma_wait3A_109 = tpu.memref_slice %arg4[%multiple_of3A_68, %dma_wait3A_108] : memref<2504x128xi32, #tpu.memory_space<hbm>> -> memref<40x128xi32, #tpu.memory_space<hbm>>
    tpu.wait_dma2 semaphore(%arg13 : memref<!tpu.dma_semaphore, #tpu.memory_space<semaphore_mem>>) src(%dma_wait3A_109 : memref<40x128xi32, #tpu.memory_space<hbm>>) dst(%arg8 : memref<40x128xi32, #tpu.memory_space<vmem>>)
    %gt3A_110 = arith.constant 0 : i32
    %gt3A_111 = arith.cmpi sgt, %select_n3A_93, %gt3A_110 : i32
    %convert_element_type3A_112 = arith.extui %gt3A_111 : i1 to i32
    %cond3A_113 = arith.constant 0 : i32
    %cond3A_114 = arith.cmpi ne, %convert_element_type3A_112, %cond3A_113 : i32
    scf.if %cond3A_114 {
      %dma_start3A_120 = arith.constant 0 : i32
      %dma_start3A_121 = tpu.memref_slice %arg7[%sub3A_69, %dma_start3A_120] : memref<40x128xi32, #tpu.memory_space<vmem>> -> memref<1x128xi32, #tpu.memory_space<vmem>>
      %dma_start3A_122 = tpu.memref_squeeze %dma_start3A_121 : memref<1x128xi32, #tpu.memory_space<vmem>> -> memref<128xi32, #tpu.memory_space<vmem>>
      %dma_start3A_123 = arith.constant 0 : i32
      %dma_start3A_124 = arith.constant 0 : i32
      %dma_start3A_125 = tpu.memref_slice %arg2[%dma_start3A_123, %dma_start3A_124] : memref<10000x128xf32, #tpu.memory_space<hbm>> -> memref<10000x128xf32, #tpu.memory_space<hbm>>
      tpu.enqueue_indirect_dma source(%dma_start3A_125 : memref<10000x128xf32, #tpu.memory_space<hbm>>) target(%arg9 : memref<128x128xf32, #tpu.memory_space<vmem>>) offsets(%dma_start3A_122 : memref<128xi32, #tpu.memory_space<vmem>>) semaphore(%arg12 : memref<!tpu.dma_semaphore, #tpu.memory_space<semaphore_mem>>)
      %while3A = arith.constant 0 : i32
      %while3A_126 = arith.constant 0 : i32
      %while3A_127 = arith.subi %select_n3A_93, %while3A_126 : i32
      %while3A_128 = arith.addi %while3A_126, %while3A_127 : i32
      %while3A_129 = arith.constant 1 : i32
      %while3A_130 = arith.divsi %while3A_127, %while3A_129 : i32
      %while3A_131 = arith.muli %while3A_130, %while3A_129 : i32
      %while3A_132 = arith.addi %while3A_126, %while3A_131 : i32
      %while3A_133 = arith.constant 1 : i32
      scf.for %while3A_135 = %while3A_126 to %while3A_132 step %while3A_133  : i32 {
        %mul3A_136 = arith.constant 2 : i32
        %mul3A_137 = arith.muli %mul3A_136, %while3A_135 : i32
        %add3A_138 = arith.addi %sub3A_69, %mul3A_137 : i32
        %add3A_139 = arith.constant 1 : i32
        %add3A_140 = arith.addi %add3A_138, %add3A_139 : i32
        %dma_start3A_141 = arith.constant 0 : i32
        %dma_start3A_142 = tpu.memref_slice %arg7[%add3A_140, %dma_start3A_141] : memref<40x128xi32, #tpu.memory_space<vmem>> -> memref<1x128xi32, #tpu.memory_space<vmem>>
        %dma_start3A_143 = tpu.memref_squeeze %dma_start3A_142 : memref<1x128xi32, #tpu.memory_space<vmem>> -> memref<128xi32, #tpu.memory_space<vmem>>
        %dma_start3A_144 = arith.constant 0 : i32
        %dma_start3A_145 = arith.constant 0 : i32
        %dma_start3A_146 = tpu.memref_slice %arg2[%dma_start3A_144, %dma_start3A_145] : memref<10000x128xf32, #tpu.memory_space<hbm>> -> memref<10000x128xf32, #tpu.memory_space<hbm>>
        tpu.enqueue_indirect_dma source(%dma_start3A_146 : memref<10000x128xf32, #tpu.memory_space<hbm>>) target(%arg10 : memref<128x128xf32, #tpu.memory_space<vmem>>) offsets(%dma_start3A_143 : memref<128xi32, #tpu.memory_space<vmem>>) semaphore(%arg13 : memref<!tpu.dma_semaphore, #tpu.memory_space<semaphore_mem>>)
        %dma_wait3A_147 = arith.constant 0 : i32
        %dma_wait3A_148 = tpu.memref_slice %arg7[%add3A_138, %dma_wait3A_147] : memref<40x128xi32, #tpu.memory_space<vmem>> -> memref<1x128xi32, #tpu.memory_space<vmem>>
        %dma_wait3A_149 = tpu.memref_squeeze %dma_wait3A_148 : memref<1x128xi32, #tpu.memory_space<vmem>> -> memref<128xi32, #tpu.memory_space<vmem>>
        %dma_wait3A_150 = arith.constant 0 : i32
        %dma_wait3A_151 = arith.constant 0 : i32
        %dma_wait3A_152 = tpu.memref_slice %arg2[%dma_wait3A_150, %dma_wait3A_151] : memref<10000x128xf32, #tpu.memory_space<hbm>> -> memref<10000x128xf32, #tpu.memory_space<hbm>>
        tpu.wait_indirect_dma semaphore(%arg12 : memref<!tpu.dma_semaphore, #tpu.memory_space<semaphore_mem>>) src(%dma_wait3A_152 : memref<10000x128xf32, #tpu.memory_space<hbm>>) dst(%arg9 : memref<128x128xf32, #tpu.memory_space<vmem>>)
        "tpu.region"() ({
          %run_scoped3A = tpu.sem_alloc : memref<!tpu.dma_semaphore, #tpu.memory_space<semaphore_mem>>
          %dma_start3A_168 = arith.constant 0 : i32
          %dma_start3A_169 = tpu.memref_slice %arg8[%add3A_138, %dma_start3A_168] : memref<40x128xi32, #tpu.memory_space<vmem>> -> memref<1x128xi32, #tpu.memory_space<vmem>>
          %dma_start3A_170 = tpu.memref_squeeze %dma_start3A_169 : memref<1x128xi32, #tpu.memory_space<vmem>> -> memref<128xi32, #tpu.memory_space<vmem>>
          %dma_start3A_171 = arith.constant 0 : i32
          %dma_start3A_172 = arith.constant 0 : i32
          %dma_start3A_173 = tpu.memref_slice %arg11[%dma_start3A_171, %dma_start3A_172] : memref<10240x128xf32, #tpu.memory_space<vmem_shared>> -> memref<10240x128xf32, #tpu.memory_space<vmem_shared>>
          tpu.enqueue_indirect_dma source(%arg9 : memref<128x128xf32, #tpu.memory_space<vmem>>) target(%dma_start3A_173 : memref<10240x128xf32, #tpu.memory_space<vmem_shared>>) offsets(%dma_start3A_170 : memref<128xi32, #tpu.memory_space<vmem>>) semaphore(%run_scoped3A : memref<!tpu.dma_semaphore, #tpu.memory_space<semaphore_mem>>) {add = true}
          %dma_wait3A_174 = arith.constant 0 : i32
          %dma_wait3A_175 = tpu.memref_slice %arg8[%add3A_138, %dma_wait3A_174] : memref<40x128xi32, #tpu.memory_space<vmem>> -> memref<1x128xi32, #tpu.memory_space<vmem>>
          %dma_wait3A_176 = tpu.memref_squeeze %dma_wait3A_175 : memref<1x128xi32, #tpu.memory_space<vmem>> -> memref<128xi32, #tpu.memory_space<vmem>>
          %dma_wait3A_177 = arith.constant 0 : i32
          %dma_wait3A_178 = arith.constant 0 : i32
          %dma_wait3A_179 = tpu.memref_slice %arg11[%dma_wait3A_177, %dma_wait3A_178] : memref<10240x128xf32, #tpu.memory_space<vmem_shared>> -> memref<10240x128xf32, #tpu.memory_space<vmem_shared>>
          tpu.wait_indirect_dma semaphore(%run_scoped3A : memref<!tpu.dma_semaphore, #tpu.memory_space<semaphore_mem>>) src(%arg9 : memref<128x128xf32, #tpu.memory_space<vmem>>) dst(%dma_wait3A_179 : memref<10240x128xf32, #tpu.memory_space<vmem_shared>>)
          tpu.yield
        }) : () -> ()
        %sub3A_153 = arith.constant 1 : i32
        %sub3A_154 = arith.subi %select_n3A_93, %sub3A_153 : i32
        %lt3A = arith.cmpi slt, %while3A_135, %sub3A_154 : i32
        %convert_element_type3A_155 = arith.extui %lt3A : i1 to i32
        %cond3A_156 = arith.constant 0 : i32
        %cond3A_157 = arith.cmpi ne, %convert_element_type3A_155, %cond3A_156 : i32
        scf.if %cond3A_157 {
          %add3A_168 = arith.constant 2 : i32
          %add3A_169 = arith.addi %add3A_138, %add3A_168 : i32
          %dma_start3A_170 = arith.constant 0 : i32
          %dma_start3A_171 = tpu.memref_slice %arg7[%add3A_169, %dma_start3A_170] : memref<40x128xi32, #tpu.memory_space<vmem>> -> memref<1x128xi32, #tpu.memory_space<vmem>>
          %dma_start3A_172 = tpu.memref_squeeze %dma_start3A_171 : memref<1x128xi32, #tpu.memory_space<vmem>> -> memref<128xi32, #tpu.memory_space<vmem>>
          %dma_start3A_173 = arith.constant 0 : i32
          %dma_start3A_174 = arith.constant 0 : i32
          %dma_start3A_175 = tpu.memref_slice %arg2[%dma_start3A_173, %dma_start3A_174] : memref<10000x128xf32, #tpu.memory_space<hbm>> -> memref<10000x128xf32, #tpu.memory_space<hbm>>
          tpu.enqueue_indirect_dma source(%dma_start3A_175 : memref<10000x128xf32, #tpu.memory_space<hbm>>) target(%arg9 : memref<128x128xf32, #tpu.memory_space<vmem>>) offsets(%dma_start3A_172 : memref<128xi32, #tpu.memory_space<vmem>>) semaphore(%arg12 : memref<!tpu.dma_semaphore, #tpu.memory_space<semaphore_mem>>)
        } else {
        }
        %add3A_158 = arith.constant 1 : i32
        %add3A_159 = arith.addi %add3A_138, %add3A_158 : i32
        %dma_wait3A_160 = arith.constant 0 : i32
        %dma_wait3A_161 = tpu.memref_slice %arg7[%add3A_159, %dma_wait3A_160] : memref<40x128xi32, #tpu.memory_space<vmem>> -> memref<1x128xi32, #tpu.memory_space<vmem>>
        %dma_wait3A_162 = tpu.memref_squeeze %dma_wait3A_161 : memref<1x128xi32, #tpu.memory_space<vmem>> -> memref<128xi32, #tpu.memory_space<vmem>>
        %dma_wait3A_163 = arith.constant 0 : i32
        %dma_wait3A_164 = arith.constant 0 : i32
        %dma_wait3A_165 = tpu.memref_slice %arg2[%dma_wait3A_163, %dma_wait3A_164] : memref<10000x128xf32, #tpu.memory_space<hbm>> -> memref<10000x128xf32, #tpu.memory_space<hbm>>
        tpu.wait_indirect_dma semaphore(%arg13 : memref<!tpu.dma_semaphore, #tpu.memory_space<semaphore_mem>>) src(%dma_wait3A_165 : memref<10000x128xf32, #tpu.memory_space<hbm>>) dst(%arg10 : memref<128x128xf32, #tpu.memory_space<vmem>>)
        %add3A_166 = arith.constant 1 : i32
        %add3A_167 = arith.addi %add3A_138, %add3A_166 : i32
        "tpu.region"() ({
          %run_scoped3A = tpu.sem_alloc : memref<!tpu.dma_semaphore, #tpu.memory_space<semaphore_mem>>
          %dma_start3A_168 = arith.constant 0 : i32
          %dma_start3A_169 = tpu.memref_slice %arg8[%add3A_167, %dma_start3A_168] : memref<40x128xi32, #tpu.memory_space<vmem>> -> memref<1x128xi32, #tpu.memory_space<vmem>>
          %dma_start3A_170 = tpu.memref_squeeze %dma_start3A_169 : memref<1x128xi32, #tpu.memory_space<vmem>> -> memref<128xi32, #tpu.memory_space<vmem>>
          %dma_start3A_171 = arith.constant 0 : i32
          %dma_start3A_172 = arith.constant 0 : i32
          %dma_start3A_173 = tpu.memref_slice %arg11[%dma_start3A_171, %dma_start3A_172] : memref<10240x128xf32, #tpu.memory_space<vmem_shared>> -> memref<10240x128xf32, #tpu.memory_space<vmem_shared>>
          tpu.enqueue_indirect_dma source(%arg10 : memref<128x128xf32, #tpu.memory_space<vmem>>) target(%dma_start3A_173 : memref<10240x128xf32, #tpu.memory_space<vmem_shared>>) offsets(%dma_start3A_170 : memref<128xi32, #tpu.memory_space<vmem>>) semaphore(%run_scoped3A : memref<!tpu.dma_semaphore, #tpu.memory_space<semaphore_mem>>) {add = true}
          %dma_wait3A_174 = arith.constant 0 : i32
          %dma_wait3A_175 = tpu.memref_slice %arg8[%add3A_167, %dma_wait3A_174] : memref<40x128xi32, #tpu.memory_space<vmem>> -> memref<1x128xi32, #tpu.memory_space<vmem>>
          %dma_wait3A_176 = tpu.memref_squeeze %dma_wait3A_175 : memref<1x128xi32, #tpu.memory_space<vmem>> -> memref<128xi32, #tpu.memory_space<vmem>>
          %dma_wait3A_177 = arith.constant 0 : i32
          %dma_wait3A_178 = arith.constant 0 : i32
          %dma_wait3A_179 = tpu.memref_slice %arg11[%dma_wait3A_177, %dma_wait3A_178] : memref<10240x128xf32, #tpu.memory_space<vmem_shared>> -> memref<10240x128xf32, #tpu.memory_space<vmem_shared>>
          tpu.wait_indirect_dma semaphore(%run_scoped3A : memref<!tpu.dma_semaphore, #tpu.memory_space<semaphore_mem>>) src(%arg10 : memref<128x128xf32, #tpu.memory_space<vmem>>) dst(%dma_wait3A_179 : memref<10240x128xf32, #tpu.memory_space<vmem_shared>>)
          tpu.yield
        }) : () -> ()
      }
      %while3A_134 = arith.constant 1 : i32
      scf.for %while3A_135 = %while3A_132 to %while3A_128 step %while3A_134  : i32 {
        %mul3A_136 = arith.constant 2 : i32
        %mul3A_137 = arith.muli %mul3A_136, %while3A_135 : i32
        %add3A_138 = arith.addi %sub3A_69, %mul3A_137 : i32
        %add3A_139 = arith.constant 1 : i32
        %add3A_140 = arith.addi %add3A_138, %add3A_139 : i32
        %dma_start3A_141 = arith.constant 0 : i32
        %dma_start3A_142 = tpu.memref_slice %arg7[%add3A_140, %dma_start3A_141] : memref<40x128xi32, #tpu.memory_space<vmem>> -> memref<1x128xi32, #tpu.memory_space<vmem>>
        %dma_start3A_143 = tpu.memref_squeeze %dma_start3A_142 : memref<1x128xi32, #tpu.memory_space<vmem>> -> memref<128xi32, #tpu.memory_space<vmem>>
        %dma_start3A_144 = arith.constant 0 : i32
        %dma_start3A_145 = arith.constant 0 : i32
        %dma_start3A_146 = tpu.memref_slice %arg2[%dma_start3A_144, %dma_start3A_145] : memref<10000x128xf32, #tpu.memory_space<hbm>> -> memref<10000x128xf32, #tpu.memory_space<hbm>>
        tpu.enqueue_indirect_dma source(%dma_start3A_146 : memref<10000x128xf32, #tpu.memory_space<hbm>>) target(%arg10 : memref<128x128xf32, #tpu.memory_space<vmem>>) offsets(%dma_start3A_143 : memref<128xi32, #tpu.memory_space<vmem>>) semaphore(%arg13 : memref<!tpu.dma_semaphore, #tpu.memory_space<semaphore_mem>>)
        %dma_wait3A_147 = arith.constant 0 : i32
        %dma_wait3A_148 = tpu.memref_slice %arg7[%add3A_138, %dma_wait3A_147] : memref<40x128xi32, #tpu.memory_space<vmem>> -> memref<1x128xi32, #tpu.memory_space<vmem>>
        %dma_wait3A_149 = tpu.memref_squeeze %dma_wait3A_148 : memref<1x128xi32, #tpu.memory_space<vmem>> -> memref<128xi32, #tpu.memory_space<vmem>>
        %dma_wait3A_150 = arith.constant 0 : i32
        %dma_wait3A_151 = arith.constant 0 : i32
        %dma_wait3A_152 = tpu.memref_slice %arg2[%dma_wait3A_150, %dma_wait3A_151] : memref<10000x128xf32, #tpu.memory_space<hbm>> -> memref<10000x128xf32, #tpu.memory_space<hbm>>
        tpu.wait_indirect_dma semaphore(%arg12 : memref<!tpu.dma_semaphore, #tpu.memory_space<semaphore_mem>>) src(%dma_wait3A_152 : memref<10000x128xf32, #tpu.memory_space<hbm>>) dst(%arg9 : memref<128x128xf32, #tpu.memory_space<vmem>>)
        "tpu.region"() ({
          %run_scoped3A = tpu.sem_alloc : memref<!tpu.dma_semaphore, #tpu.memory_space<semaphore_mem>>
          %dma_start3A_168 = arith.constant 0 : i32
          %dma_start3A_169 = tpu.memref_slice %arg8[%add3A_138, %dma_start3A_168] : memref<40x128xi32, #tpu.memory_space<vmem>> -> memref<1x128xi32, #tpu.memory_space<vmem>>
          %dma_start3A_170 = tpu.memref_squeeze %dma_start3A_169 : memref<1x128xi32, #tpu.memory_space<vmem>> -> memref<128xi32, #tpu.memory_space<vmem>>
          %dma_start3A_171 = arith.constant 0 : i32
          %dma_start3A_172 = arith.constant 0 : i32
          %dma_start3A_173 = tpu.memref_slice %arg11[%dma_start3A_171, %dma_start3A_172] : memref<10240x128xf32, #tpu.memory_space<vmem_shared>> -> memref<10240x128xf32, #tpu.memory_space<vmem_shared>>
          tpu.enqueue_indirect_dma source(%arg9 : memref<128x128xf32, #tpu.memory_space<vmem>>) target(%dma_start3A_173 : memref<10240x128xf32, #tpu.memory_space<vmem_shared>>) offsets(%dma_start3A_170 : memref<128xi32, #tpu.memory_space<vmem>>) semaphore(%run_scoped3A : memref<!tpu.dma_semaphore, #tpu.memory_space<semaphore_mem>>) {add = true}
          %dma_wait3A_174 = arith.constant 0 : i32
          %dma_wait3A_175 = tpu.memref_slice %arg8[%add3A_138, %dma_wait3A_174] : memref<40x128xi32, #tpu.memory_space<vmem>> -> memref<1x128xi32, #tpu.memory_space<vmem>>
          %dma_wait3A_176 = tpu.memref_squeeze %dma_wait3A_175 : memref<1x128xi32, #tpu.memory_space<vmem>> -> memref<128xi32, #tpu.memory_space<vmem>>
          %dma_wait3A_177 = arith.constant 0 : i32
          %dma_wait3A_178 = arith.constant 0 : i32
          %dma_wait3A_179 = tpu.memref_slice %arg11[%dma_wait3A_177, %dma_wait3A_178] : memref<10240x128xf32, #tpu.memory_space<vmem_shared>> -> memref<10240x128xf32, #tpu.memory_space<vmem_shared>>
          tpu.wait_indirect_dma semaphore(%run_scoped3A : memref<!tpu.dma_semaphore, #tpu.memory_space<semaphore_mem>>) src(%arg9 : memref<128x128xf32, #tpu.memory_space<vmem>>) dst(%dma_wait3A_179 : memref<10240x128xf32, #tpu.memory_space<vmem_shared>>)
          tpu.yield
        }) : () -> ()
        %sub3A_153 = arith.constant 1 : i32
        %sub3A_154 = arith.subi %select_n3A_93, %sub3A_153 : i32
        %lt3A = arith.cmpi slt, %while3A_135, %sub3A_154 : i32
        %convert_element_type3A_155 = arith.extui %lt3A : i1 to i32
        %cond3A_156 = arith.constant 0 : i32
        %cond3A_157 = arith.cmpi ne, %convert_element_type3A_155, %cond3A_156 : i32
        scf.if %cond3A_157 {
          %add3A_168 = arith.constant 2 : i32
          %add3A_169 = arith.addi %add3A_138, %add3A_168 : i32
          %dma_start3A_170 = arith.constant 0 : i32
          %dma_start3A_171 = tpu.memref_slice %arg7[%add3A_169, %dma_start3A_170] : memref<40x128xi32, #tpu.memory_space<vmem>> -> memref<1x128xi32, #tpu.memory_space<vmem>>
          %dma_start3A_172 = tpu.memref_squeeze %dma_start3A_171 : memref<1x128xi32, #tpu.memory_space<vmem>> -> memref<128xi32, #tpu.memory_space<vmem>>
          %dma_start3A_173 = arith.constant 0 : i32
          %dma_start3A_174 = arith.constant 0 : i32
          %dma_start3A_175 = tpu.memref_slice %arg2[%dma_start3A_173, %dma_start3A_174] : memref<10000x128xf32, #tpu.memory_space<hbm>> -> memref<10000x128xf32, #tpu.memory_space<hbm>>
          tpu.enqueue_indirect_dma source(%dma_start3A_175 : memref<10000x128xf32, #tpu.memory_space<hbm>>) target(%arg9 : memref<128x128xf32, #tpu.memory_space<vmem>>) offsets(%dma_start3A_172 : memref<128xi32, #tpu.memory_space<vmem>>) semaphore(%arg12 : memref<!tpu.dma_semaphore, #tpu.memory_space<semaphore_mem>>)
        } else {
        }
        %add3A_158 = arith.constant 1 : i32
        %add3A_159 = arith.addi %add3A_138, %add3A_158 : i32
        %dma_wait3A_160 = arith.constant 0 : i32
        %dma_wait3A_161 = tpu.memref_slice %arg7[%add3A_159, %dma_wait3A_160] : memref<40x128xi32, #tpu.memory_space<vmem>> -> memref<1x128xi32, #tpu.memory_space<vmem>>
        %dma_wait3A_162 = tpu.memref_squeeze %dma_wait3A_161 : memref<1x128xi32, #tpu.memory_space<vmem>> -> memref<128xi32, #tpu.memory_space<vmem>>
        %dma_wait3A_163 = arith.constant 0 : i32
        %dma_wait3A_164 = arith.constant 0 : i32
        %dma_wait3A_165 = tpu.memref_slice %arg2[%dma_wait3A_163, %dma_wait3A_164] : memref<10000x128xf32, #tpu.memory_space<hbm>> -> memref<10000x128xf32, #tpu.memory_space<hbm>>
        tpu.wait_indirect_dma semaphore(%arg13 : memref<!tpu.dma_semaphore, #tpu.memory_space<semaphore_mem>>) src(%dma_wait3A_165 : memref<10000x128xf32, #tpu.memory_space<hbm>>) dst(%arg10 : memref<128x128xf32, #tpu.memory_space<vmem>>)
        %add3A_166 = arith.constant 1 : i32
        %add3A_167 = arith.addi %add3A_138, %add3A_166 : i32
        "tpu.region"() ({
          %run_scoped3A = tpu.sem_alloc : memref<!tpu.dma_semaphore, #tpu.memory_space<semaphore_mem>>
          %dma_start3A_168 = arith.constant 0 : i32
          %dma_start3A_169 = tpu.memref_slice %arg8[%add3A_167, %dma_start3A_168] : memref<40x128xi32, #tpu.memory_space<vmem>> -> memref<1x128xi32, #tpu.memory_space<vmem>>
          %dma_start3A_170 = tpu.memref_squeeze %dma_start3A_169 : memref<1x128xi32, #tpu.memory_space<vmem>> -> memref<128xi32, #tpu.memory_space<vmem>>
          %dma_start3A_171 = arith.constant 0 : i32
          %dma_start3A_172 = arith.constant 0 : i32
          %dma_start3A_173 = tpu.memref_slice %arg11[%dma_start3A_171, %dma_start3A_172] : memref<10240x128xf32, #tpu.memory_space<vmem_shared>> -> memref<10240x128xf32, #tpu.memory_space<vmem_shared>>
          tpu.enqueue_indirect_dma source(%arg10 : memref<128x128xf32, #tpu.memory_space<vmem>>) target(%dma_start3A_173 : memref<10240x128xf32, #tpu.memory_space<vmem_shared>>) offsets(%dma_start3A_170 : memref<128xi32, #tpu.memory_space<vmem>>) semaphore(%run_scoped3A : memref<!tpu.dma_semaphore, #tpu.memory_space<semaphore_mem>>) {add = true}
          %dma_wait3A_174 = arith.constant 0 : i32
          %dma_wait3A_175 = tpu.memref_slice %arg8[%add3A_167, %dma_wait3A_174] : memref<40x128xi32, #tpu.memory_space<vmem>> -> memref<1x128xi32, #tpu.memory_space<vmem>>
          %dma_wait3A_176 = tpu.memref_squeeze %dma_wait3A_175 : memref<1x128xi32, #tpu.memory_space<vmem>> -> memref<128xi32, #tpu.memory_space<vmem>>
          %dma_wait3A_177 = arith.constant 0 : i32
          %dma_wait3A_178 = arith.constant 0 : i32
          %dma_wait3A_179 = tpu.memref_slice %arg11[%dma_wait3A_177, %dma_wait3A_178] : memref<10240x128xf32, #tpu.memory_space<vmem_shared>> -> memref<10240x128xf32, #tpu.memory_space<vmem_shared>>
          tpu.wait_indirect_dma semaphore(%run_scoped3A : memref<!tpu.dma_semaphore, #tpu.memory_space<semaphore_mem>>) src(%arg10 : memref<128x128xf32, #tpu.memory_space<vmem>>) dst(%dma_wait3A_179 : memref<10240x128xf32, #tpu.memory_space<vmem_shared>>)
          tpu.yield
        }) : () -> ()
      }
    } else {
    }
    %barrier3A_115 = arith.constant 0 : index
    tpu.barrier barrier_id(%barrier3A_115)
    %mul3A_116 = arith.constant 640 : i32
    %mul3A_117 = arith.muli %arg1, %mul3A_116 : i32
    %mul3A_118 = arith.constant 640 : i32
    %mul3A_119 = arith.muli %arg1, %mul3A_118 : i32
    "tpu.region"() ({
      %run_scoped3A = tpu.sem_alloc : memref<!tpu.dma_semaphore, #tpu.memory_space<semaphore_mem>>
      %dma_start3A_120 = arith.constant 0 : i32
      %dma_start3A_121 = tpu.memref_slice %arg6[%arg0, %mul3A_119, %dma_start3A_120] : memref<2x10240x128xf32, #tpu.memory_space<hbm>> -> memref<1x640x128xf32, #tpu.memory_space<hbm>>
      %dma_start3A_122 = tpu.memref_squeeze %dma_start3A_121 : memref<1x640x128xf32, #tpu.memory_space<hbm>> -> memref<640x128xf32, #tpu.memory_space<hbm>>
      %dma_start3A_123 = arith.constant 0 : i32
      %dma_start3A_124 = tpu.memref_slice %arg11[%mul3A_117, %dma_start3A_123] : memref<10240x128xf32, #tpu.memory_space<vmem_shared>> -> memref<640x128xf32, #tpu.memory_space<vmem_shared>>
      tpu.enqueue_dma source(%dma_start3A_124 : memref<640x128xf32, #tpu.memory_space<vmem_shared>>) target(%dma_start3A_122 : memref<640x128xf32, #tpu.memory_space<hbm>>) target_semaphore(%run_scoped3A : memref<!tpu.dma_semaphore, #tpu.memory_space<semaphore_mem>>)
      %dma_wait3A_125 = arith.constant 0 : i32
      %dma_wait3A_126 = tpu.memref_slice %arg6[%arg0, %mul3A_119, %dma_wait3A_125] : memref<2x10240x128xf32, #tpu.memory_space<hbm>> -> memref<1x640x128xf32, #tpu.memory_space<hbm>>
      %dma_wait3A_127 = tpu.memref_squeeze %dma_wait3A_126 : memref<1x640x128xf32, #tpu.memory_space<hbm>> -> memref<640x128xf32, #tpu.memory_space<hbm>>
      %dma_wait3A_128 = arith.constant 0 : i32
      %dma_wait3A_129 = tpu.memref_slice %arg11[%mul3A_117, %dma_wait3A_128] : memref<10240x128xf32, #tpu.memory_space<vmem_shared>> -> memref<640x128xf32, #tpu.memory_space<vmem_shared>>
      tpu.wait_dma2 semaphore(%run_scoped3A : memref<!tpu.dma_semaphore, #tpu.memory_space<semaphore_mem>>) src(%dma_wait3A_129 : memref<640x128xf32, #tpu.memory_space<vmem_shared>>) dst(%dma_wait3A_127 : memref<640x128xf32, #tpu.memory_space<hbm>>)
      tpu.yield
    }) : () -> ()
    return
  }
}

module attributes {stable_mosaic.version = 14 : i64} {
  func.func @_project_body(%arg0: i32, %arg1: memref<400x128xf32, #tpu.memory_space<vmem>>, %arg2: memref<400x1xi32, #tpu.memory_space<vmem>>, %arg3: memref<400x4xf32, #tpu.memory_space<vmem>>, %arg4: memref<128x128xf32, #tpu.memory_space<vmem>>, %arg5: memref<1x128xf32, #tpu.memory_space<vmem>>, %arg6: memref<64x128xf32, #tpu.memory_space<vmem>>, %arg7: memref<1x128xf32, #tpu.memory_space<vmem>>, %arg8: memref<400x128xf32, #tpu.memory_space<vmem>>) attributes {dimension_semantics = [#tpu.dimension_semantics<arbitrary>], iteration_bounds = array<i64: 25>, scalar_prefetch = 0 : i64, scratch_operands = 0 : i64, tpu.core_type = #tpu.core_type<tc>, window_params = [{transform_indices = @transform_0, window_bounds = array<i64: 400, 128>}, {transform_indices = @transform_1, window_bounds = array<i64: 400, 1>}, {transform_indices = @transform_2, window_bounds = array<i64: 400, 4>}, {pipeline_mode = #tpu.pipeline_mode<synchronous>, transform_indices = @transform_3, window_bounds = array<i64: 128, 128>}, {pipeline_mode = #tpu.pipeline_mode<synchronous>, transform_indices = @transform_4, window_bounds = array<i64: 1, 128>}, {pipeline_mode = #tpu.pipeline_mode<synchronous>, transform_indices = @transform_5, window_bounds = array<i64: 64, 128>}, {pipeline_mode = #tpu.pipeline_mode<synchronous>, transform_indices = @transform_6, window_bounds = array<i64: 1, 128>}, {transform_indices = @transform_7, window_bounds = array<i64: 400, 128>}]} {
    %get3A = arith.constant 0 : index
    %get3A_0 = arith.constant 0 : index
    %get3A_1 = vector.load %arg1[%get3A, %get3A_0] : memref<400x128xf32, #tpu.memory_space<vmem>>, vector<400x128xf32>
    %get3A_2 = arith.constant 0 : index
    %get3A_3 = arith.constant 0 : index
    %get3A_4 = vector.load %arg4[%get3A_2, %get3A_3] : memref<128x128xf32, #tpu.memory_space<vmem>>, vector<128x128xf32>
    %dot_general3A = arith.constant dense<0.000000e+00> : vector<400x128xf32>
    %dot_general3A_5 = tpu.matmul %get3A_1, %get3A_4, %dot_general3A {dimension_numbers = #tpu.dot_dimension_numbers<[1], [0], [0], [1], [0, 0, 1, 1], [], []>, transpose_lhs_hint = false} : vector<400x128xf32>, vector<128x128xf32>, vector<400x128xf32> -> vector<400x128xf32>
    %slice3A = vector.extract_strided_slice %get3A_1 {offsets = [0, 0], sizes = [400, 64], strides = [1, 1]} : vector<400x128xf32> to vector<400x64xf32>
    %get3A_6 = arith.constant 0 : index
    %get3A_7 = arith.constant 0 : index
    %get3A_8 = vector.load %arg6[%get3A_6, %get3A_7] : memref<64x128xf32, #tpu.memory_space<vmem>>, vector<64x128xf32>
    %dot_general3A_9 = arith.constant dense<0.000000e+00> : vector<400x128xf32>
    %dot_general3A_10 = tpu.matmul %slice3A, %get3A_8, %dot_general3A_9 {dimension_numbers = #tpu.dot_dimension_numbers<[1], [0], [0], [1], [0, 0, 1, 1], [], []>, transpose_lhs_hint = false} : vector<400x64xf32>, vector<64x128xf32>, vector<400x128xf32> -> vector<400x128xf32>
    %get3A_11 = arith.constant 0 : index
    %get3A_12 = arith.constant 0 : index
    %get3A_13 = vector.load %arg2[%get3A_11, %get3A_12] : memref<400x1xi32, #tpu.memory_space<vmem>>, vector<400x1xi32>
    %eq3A = arith.constant 0 : i32
    %eq3A_14 = vector.broadcast %eq3A : i32 to vector<400x1xi32>
    %eq3A_15 = arith.cmpi eq, %get3A_13, %eq3A_14 : vector<400x1xi32>
    %get3A_16 = arith.constant 0 : index
    %get3A_17 = arith.constant 0 : index
    %get3A_18 = vector.load %arg5[%get3A_16, %get3A_17] : memref<1x128xf32, #tpu.memory_space<vmem>>, vector<1x128xf32>
    %add3A = vector.broadcast %get3A_18 : vector<1x128xf32> to vector<400x128xf32>
    %add3A_19 = arith.addf %dot_general3A_5, %add3A : vector<400x128xf32>
    %get3A_20 = arith.constant 0 : index
    %get3A_21 = arith.constant 0 : index
    %get3A_22 = vector.load %arg7[%get3A_20, %get3A_21] : memref<1x128xf32, #tpu.memory_space<vmem>>, vector<1x128xf32>
    %add3A_23 = vector.broadcast %get3A_22 : vector<1x128xf32> to vector<400x128xf32>
    %add3A_24 = arith.addf %dot_general3A_10, %add3A_23 : vector<400x128xf32>
    %broadcast_in_dim3A = vector.shape_cast %eq3A_15 : vector<400x1xi1> to vector<400x1xi1>
    %broadcast_in_dim3A_25 = vector.broadcast %broadcast_in_dim3A : vector<400x1xi1> to vector<400x128xi1>
    %select_n3A = arith.select %broadcast_in_dim3A_25, %add3A_19, %add3A_24 : vector<400x128xi1>, vector<400x128xf32>
    %get3A_26 = arith.constant 0 : index
    %get3A_27 = arith.constant 0 : index
    %get3A_28 = vector.load %arg3[%get3A_26, %get3A_27] : memref<400x4xf32, #tpu.memory_space<vmem>>, vector<400x4xf32>
    %slice3A_29 = vector.extract_strided_slice %get3A_28 {offsets = [0, 1], sizes = [400, 1], strides = [1, 1]} : vector<400x4xf32> to vector<400x1xf32>
    %slice3A_30 = vector.extract_strided_slice %get3A_28 {offsets = [0, 3], sizes = [400, 1], strides = [1, 1]} : vector<400x4xf32> to vector<400x1xf32>
    %add3A_31 = arith.addf %slice3A_29, %slice3A_30 : vector<400x1xf32>
    %max3A = arith.constant 1.000000e+00 : f32
    %max3A_32 = vector.broadcast %max3A : f32 to vector<400x1xf32>
    %max3A_33 = arith.maximumf %add3A_31, %max3A_32 : vector<400x1xf32>
    %rsqrt3A = math.rsqrt %max3A_33 : vector<400x1xf32>
    %mul3A = vector.broadcast %rsqrt3A : vector<400x1xf32> to vector<400x128xf32>
    %mul3A_34 = arith.mulf %select_n3A, %mul3A : vector<400x128xf32>
    %swap3A = arith.constant 0 : index
    %swap3A_35 = arith.constant 0 : index
    %swap3A_36 = vector.load %arg8[%swap3A, %swap3A_35] : memref<400x128xf32, #tpu.memory_space<vmem>>, vector<400x128xf32>
    tpu.vector_store %arg8[%swap3A, %swap3A_35], %mul3A_34 {strides = array<i32>} : memref<400x128xf32, #tpu.memory_space<vmem>>, vector<400x128xf32>,
    return
  }
  func.func @transform_0(%arg0: i32) -> (i32, i32) {
    %c0_i32 = arith.constant 0 : i32
    %c0_i32_0 = arith.constant 0 : i32
    return %arg0, %c0_i32 : i32, i32
  }
  func.func @transform_1(%arg0: i32) -> (i32, i32) {
    %c0_i32 = arith.constant 0 : i32
    %c0_i32_0 = arith.constant 0 : i32
    return %arg0, %c0_i32 : i32, i32
  }
  func.func @transform_2(%arg0: i32) -> (i32, i32) {
    %c0_i32 = arith.constant 0 : i32
    %c0_i32_0 = arith.constant 0 : i32
    return %arg0, %c0_i32 : i32, i32
  }
  func.func @transform_3(%arg0: i32) -> (i32, i32) {
    %c0_i32 = arith.constant 0 : i32
    %c0_i32_0 = arith.constant 0 : i32
    %c0_i32_1 = arith.constant 0 : i32
    return %c0_i32, %c0_i32_0 : i32, i32
  }
  func.func @transform_4(%arg0: i32) -> (i32, i32) {
    %c0_i32 = arith.constant 0 : i32
    %c0_i32_0 = arith.constant 0 : i32
    %c0_i32_1 = arith.constant 0 : i32
    return %c0_i32, %c0_i32_0 : i32, i32
  }
  func.func @transform_5(%arg0: i32) -> (i32, i32) {
    %c0_i32 = arith.constant 0 : i32
    %c0_i32_0 = arith.constant 0 : i32
    %c0_i32_1 = arith.constant 0 : i32
    return %c0_i32, %c0_i32_0 : i32, i32
  }
  func.func @transform_6(%arg0: i32) -> (i32, i32) {
    %c0_i32 = arith.constant 0 : i32
    %c0_i32_0 = arith.constant 0 : i32
    %c0_i32_1 = arith.constant 0 : i32
    return %c0_i32, %c0_i32_0 : i32, i32
  }
  func.func @transform_7(%arg0: i32) -> (i32, i32) {
    %c0_i32 = arith.constant 0 : i32
    %c0_i32_0 = arith.constant 0 : i32
    return %arg0, %c0_i32 : i32, i32
  }
}

module attributes {stable_mosaic.version = 14 : i64} {
  func.func @body(%arg0: i32, %arg1: memref<2x400x128xf32, #tpu.memory_space<vmem>>, %arg2: memref<400x4xf32, #tpu.memory_space<vmem>>, %arg3: memref<128x128xf32, #tpu.memory_space<vmem>>, %arg4: memref<1x128xf32, #tpu.memory_space<vmem>>, %arg5: memref<400x128xf32, #tpu.memory_space<vmem>>) attributes {dimension_semantics = [#tpu.dimension_semantics<arbitrary>], iteration_bounds = array<i64: 25>, scalar_prefetch = 0 : i64, scratch_operands = 0 : i64, tpu.core_type = #tpu.core_type<tc>, window_params = [{transform_indices = @transform_0, window_bounds = array<i64: 2, 400, 128>}, {transform_indices = @transform_1, window_bounds = array<i64: 400, 4>}, {pipeline_mode = #tpu.pipeline_mode<synchronous>, transform_indices = @transform_2, window_bounds = array<i64: 128, 128>}, {pipeline_mode = #tpu.pipeline_mode<synchronous>, transform_indices = @transform_3, window_bounds = array<i64: 1, 128>}, {transform_indices = @transform_4, window_bounds = array<i64: 400, 128>}]} {
    %get3A = arith.constant 0 : index
    %get3A_0 = arith.constant 0 : index
    %get3A_1 = arith.constant 0 : index
    %get3A_2 = vector.load %arg1[%get3A, %get3A_0, %get3A_1] : memref<2x400x128xf32, #tpu.memory_space<vmem>>, vector<2x400x128xf32>
    %get3A_3 = arith.constant 0 : index
    %get3A_4 = arith.constant 0 : index
    %get3A_5 = vector.load %arg2[%get3A_3, %get3A_4] : memref<400x4xf32, #tpu.memory_space<vmem>>, vector<400x4xf32>
    %slice3A = vector.extract_strided_slice %get3A_5 {offsets = [0, 0], sizes = [400, 1], strides = [1, 1]} : vector<400x4xf32> to vector<400x1xf32>
    %slice3A_6 = vector.extract_strided_slice %get3A_5 {offsets = [0, 2], sizes = [400, 1], strides = [1, 1]} : vector<400x4xf32> to vector<400x1xf32>
    %add3A = arith.addf %slice3A, %slice3A_6 : vector<400x1xf32>
    %slice3A_7 = vector.extract_strided_slice %get3A_5 {offsets = [0, 1], sizes = [400, 1], strides = [1, 1]} : vector<400x4xf32> to vector<400x1xf32>
    %slice3A_8 = vector.extract_strided_slice %get3A_5 {offsets = [0, 3], sizes = [400, 1], strides = [1, 1]} : vector<400x4xf32> to vector<400x1xf32>
    %add3A_9 = arith.addf %slice3A_7, %slice3A_8 : vector<400x1xf32>
    %max3A = arith.constant 1.000000e+00 : f32
    %max3A_10 = vector.broadcast %max3A : f32 to vector<400x1xf32>
    %max3A_11 = arith.maximumf %add3A, %max3A_10 : vector<400x1xf32>
    %rsqrt3A = math.rsqrt %max3A_11 : vector<400x1xf32>
    %max3A_12 = arith.constant 1.000000e+00 : f32
    %max3A_13 = vector.broadcast %max3A_12 : f32 to vector<400x1xf32>
    %max3A_14 = arith.maximumf %add3A_9, %max3A_13 : vector<400x1xf32>
    %rsqrt3A_15 = math.rsqrt %max3A_14 : vector<400x1xf32>
    %slice3A_16 = vector.extract_strided_slice %get3A_2 {offsets = [0, 0, 0], sizes = [1, 400, 128], strides = [1, 1, 1]} : vector<2x400x128xf32> to vector<1x400x128xf32>
    %squeeze3A = vector.shape_cast %slice3A_16 : vector<1x400x128xf32> to vector<400x128xf32>
    %slice3A_17 = vector.extract_strided_slice %get3A_2 {offsets = [1, 0, 0], sizes = [1, 400, 128], strides = [1, 1, 1]} : vector<2x400x128xf32> to vector<1x400x128xf32>
    %squeeze3A_18 = vector.shape_cast %slice3A_17 : vector<1x400x128xf32> to vector<400x128xf32>
    %add3A_19 = arith.addf %squeeze3A, %squeeze3A_18 : vector<400x128xf32>
    %mul3A = vector.broadcast %rsqrt3A : vector<400x1xf32> to vector<400x128xf32>
    %mul3A_20 = arith.mulf %add3A_19, %mul3A : vector<400x128xf32>
    %get3A_21 = arith.constant 0 : index
    %get3A_22 = arith.constant 0 : index
    %get3A_23 = vector.load %arg3[%get3A_21, %get3A_22] : memref<128x128xf32, #tpu.memory_space<vmem>>, vector<128x128xf32>
    %dot_general3A = arith.constant dense<0.000000e+00> : vector<400x128xf32>
    %dot_general3A_24 = tpu.matmul %mul3A_20, %get3A_23, %dot_general3A {dimension_numbers = #tpu.dot_dimension_numbers<[1], [0], [0], [1], [0, 0, 1, 1], [], []>, transpose_lhs_hint = false} : vector<400x128xf32>, vector<128x128xf32>, vector<400x128xf32> -> vector<400x128xf32>
    %get3A_25 = arith.constant 0 : index
    %get3A_26 = arith.constant 0 : index
    %get3A_27 = vector.load %arg4[%get3A_25, %get3A_26] : memref<1x128xf32, #tpu.memory_space<vmem>>, vector<1x128xf32>
    %add3A_28 = vector.broadcast %get3A_27 : vector<1x128xf32> to vector<400x128xf32>
    %add3A_29 = arith.addf %dot_general3A_24, %add3A_28 : vector<400x128xf32>
    %max3A_30 = arith.constant 0.000000e+00 : f32
    %max3A_31 = vector.broadcast %max3A_30 : f32 to vector<400x128xf32>
    %max3A_32 = arith.maximumf %add3A_29, %max3A_31 : vector<400x128xf32>
    %mul3A_33 = vector.broadcast %rsqrt3A_15 : vector<400x1xf32> to vector<400x128xf32>
    %mul3A_34 = arith.mulf %max3A_32, %mul3A_33 : vector<400x128xf32>
    %swap3A = arith.constant 0 : index
    %swap3A_35 = arith.constant 0 : index
    %swap3A_36 = vector.load %arg5[%swap3A, %swap3A_35] : memref<400x128xf32, #tpu.memory_space<vmem>>, vector<400x128xf32>
    tpu.vector_store %arg5[%swap3A, %swap3A_35], %mul3A_34 {strides = array<i32>} : memref<400x128xf32, #tpu.memory_space<vmem>>, vector<400x128xf32>,
    return
  }
  func.func @transform_0(%arg0: i32) -> (i32, i32, i32) {
    %c0_i32 = arith.constant 0 : i32
    %c0_i32_0 = arith.constant 0 : i32
    %c0_i32_1 = arith.constant 0 : i32
    return %c0_i32, %arg0, %c0_i32_0 : i32, i32, i32
  }
  func.func @transform_1(%arg0: i32) -> (i32, i32) {
    %c0_i32 = arith.constant 0 : i32
    %c0_i32_0 = arith.constant 0 : i32
    return %arg0, %c0_i32 : i32, i32
  }
  func.func @transform_2(%arg0: i32) -> (i32, i32) {
    %c0_i32 = arith.constant 0 : i32
    %c0_i32_0 = arith.constant 0 : i32
    %c0_i32_1 = arith.constant 0 : i32
    return %c0_i32, %c0_i32_0 : i32, i32
  }
  func.func @transform_3(%arg0: i32) -> (i32, i32) {
    %c0_i32 = arith.constant 0 : i32
    %c0_i32_0 = arith.constant 0 : i32
    %c0_i32_1 = arith.constant 0 : i32
    return %c0_i32, %c0_i32_0 : i32, i32
  }
  func.func @transform_4(%arg0: i32) -> (i32, i32) {
    %c0_i32 = arith.constant 0 : i32
    %c0_i32_0 = arith.constant 0 : i32
    return %arg0, %c0_i32 : i32, i32
  }
}

module attributes {stable_mosaic.version = 14 : i64} {
  func.func @body(%arg0: i32, %arg1: memref<2x400x128xf32, #tpu.memory_space<vmem>>, %arg2: memref<400x4xf32, #tpu.memory_space<vmem>>, %arg3: memref<128x128xf32, #tpu.memory_space<vmem>>, %arg4: memref<1x128xf32, #tpu.memory_space<vmem>>, %arg5: memref<400x128xf32, #tpu.memory_space<vmem>>) attributes {dimension_semantics = [#tpu.dimension_semantics<arbitrary>], iteration_bounds = array<i64: 25>, scalar_prefetch = 0 : i64, scratch_operands = 0 : i64, tpu.core_type = #tpu.core_type<tc>, window_params = [{transform_indices = @transform_0, window_bounds = array<i64: 2, 400, 128>}, {transform_indices = @transform_1, window_bounds = array<i64: 400, 4>}, {pipeline_mode = #tpu.pipeline_mode<synchronous>, transform_indices = @transform_2, window_bounds = array<i64: 128, 128>}, {pipeline_mode = #tpu.pipeline_mode<synchronous>, transform_indices = @transform_3, window_bounds = array<i64: 1, 128>}, {transform_indices = @transform_4, window_bounds = array<i64: 400, 128>}]} {
    %get3A = arith.constant 0 : index
    %get3A_0 = arith.constant 0 : index
    %get3A_1 = arith.constant 0 : index
    %get3A_2 = vector.load %arg1[%get3A, %get3A_0, %get3A_1] : memref<2x400x128xf32, #tpu.memory_space<vmem>>, vector<2x400x128xf32>
    %get3A_3 = arith.constant 0 : index
    %get3A_4 = arith.constant 0 : index
    %get3A_5 = vector.load %arg2[%get3A_3, %get3A_4] : memref<400x4xf32, #tpu.memory_space<vmem>>, vector<400x4xf32>
    %slice3A = vector.extract_strided_slice %get3A_5 {offsets = [0, 0], sizes = [400, 1], strides = [1, 1]} : vector<400x4xf32> to vector<400x1xf32>
    %slice3A_6 = vector.extract_strided_slice %get3A_5 {offsets = [0, 2], sizes = [400, 1], strides = [1, 1]} : vector<400x4xf32> to vector<400x1xf32>
    %add3A = arith.addf %slice3A, %slice3A_6 : vector<400x1xf32>
    %max3A = arith.constant 1.000000e+00 : f32
    %max3A_7 = vector.broadcast %max3A : f32 to vector<400x1xf32>
    %max3A_8 = arith.maximumf %add3A, %max3A_7 : vector<400x1xf32>
    %rsqrt3A = math.rsqrt %max3A_8 : vector<400x1xf32>
    %slice3A_9 = vector.extract_strided_slice %get3A_2 {offsets = [0, 0, 0], sizes = [1, 400, 128], strides = [1, 1, 1]} : vector<2x400x128xf32> to vector<1x400x128xf32>
    %squeeze3A = vector.shape_cast %slice3A_9 : vector<1x400x128xf32> to vector<400x128xf32>
    %slice3A_10 = vector.extract_strided_slice %get3A_2 {offsets = [1, 0, 0], sizes = [1, 400, 128], strides = [1, 1, 1]} : vector<2x400x128xf32> to vector<1x400x128xf32>
    %squeeze3A_11 = vector.shape_cast %slice3A_10 : vector<1x400x128xf32> to vector<400x128xf32>
    %add3A_12 = arith.addf %squeeze3A, %squeeze3A_11 : vector<400x128xf32>
    %mul3A = vector.broadcast %rsqrt3A : vector<400x1xf32> to vector<400x128xf32>
    %mul3A_13 = arith.mulf %add3A_12, %mul3A : vector<400x128xf32>
    %get3A_14 = arith.constant 0 : index
    %get3A_15 = arith.constant 0 : index
    %get3A_16 = vector.load %arg3[%get3A_14, %get3A_15] : memref<128x128xf32, #tpu.memory_space<vmem>>, vector<128x128xf32>
    %dot_general3A = arith.constant dense<0.000000e+00> : vector<400x128xf32>
    %dot_general3A_17 = tpu.matmul %mul3A_13, %get3A_16, %dot_general3A {dimension_numbers = #tpu.dot_dimension_numbers<[1], [0], [0], [1], [0, 0, 1, 1], [], []>, transpose_lhs_hint = false} : vector<400x128xf32>, vector<128x128xf32>, vector<400x128xf32> -> vector<400x128xf32>
    %get3A_18 = arith.constant 0 : index
    %get3A_19 = arith.constant 0 : index
    %get3A_20 = vector.load %arg4[%get3A_18, %get3A_19] : memref<1x128xf32, #tpu.memory_space<vmem>>, vector<1x128xf32>
    %add3A_21 = vector.broadcast %get3A_20 : vector<1x128xf32> to vector<400x128xf32>
    %add3A_22 = arith.addf %dot_general3A_17, %add3A_21 : vector<400x128xf32>
    %swap3A = arith.constant 0 : index
    %swap3A_23 = arith.constant 0 : index
    %swap3A_24 = vector.load %arg5[%swap3A, %swap3A_23] : memref<400x128xf32, #tpu.memory_space<vmem>>, vector<400x128xf32>
    tpu.vector_store %arg5[%swap3A, %swap3A_23], %add3A_22 {strides = array<i32>} : memref<400x128xf32, #tpu.memory_space<vmem>>, vector<400x128xf32>,
    return
  }
  func.func @transform_0(%arg0: i32) -> (i32, i32, i32) {
    %c0_i32 = arith.constant 0 : i32
    %c0_i32_0 = arith.constant 0 : i32
    %c0_i32_1 = arith.constant 0 : i32
    return %c0_i32, %arg0, %c0_i32_0 : i32, i32, i32
  }
  func.func @transform_1(%arg0: i32) -> (i32, i32) {
    %c0_i32 = arith.constant 0 : i32
    %c0_i32_0 = arith.constant 0 : i32
    return %arg0, %c0_i32 : i32, i32
  }
  func.func @transform_2(%arg0: i32) -> (i32, i32) {
    %c0_i32 = arith.constant 0 : i32
    %c0_i32_0 = arith.constant 0 : i32
    %c0_i32_1 = arith.constant 0 : i32
    return %c0_i32, %c0_i32_0 : i32, i32
  }
  func.func @transform_3(%arg0: i32) -> (i32, i32) {
    %c0_i32 = arith.constant 0 : i32
    %c0_i32_0 = arith.constant 0 : i32
    %c0_i32_1 = arith.constant 0 : i32
    return %c0_i32, %c0_i32_0 : i32, i32
  }
  func.func @transform_4(%arg0: i32) -> (i32, i32) {
    %c0_i32 = arith.constant 0 : i32
    %c0_i32_0 = arith.constant 0 : i32
    return %arg0, %c0_i32 : i32, i32
  }
}

</mosaic_0001>

<sc_bundles>
// kernel: kernel.11.cloned.1.call-start
scs
__scs_entry_jumppad:
0x0: {  	(pc) =	sbr.rel $0x88, $3  }
0x1: {  	(tag) =	ssettag $0x0;
	lr =	simm.s32 $0x1  }
0x2: {  	[smem:$0x3F96] =	sst lr;
	_ =	strace $0xD0000000  }
0x3: {  	_ = 	snop  }
0x4: {  	_ = 	snop  }
0x5: {  	_ = 	snop  }
0x6: {  	_ = 	snop  }
0x7: {  	_ = 	snop  }
__scs_overlays_trampoline_lowered:
0x8: {  	[smem:$0x3FA5] =	sst s0  }
0x9: {  	[smem:$0x3FA6] =	sst s1  }
0xa: {  	[smem:$0x3FA7] =	sst s2  }
0xb: {  	[smem:$0x3FA8] =	sst s3  }
0xc: {  	[smem:$0x3FA9] =	sst s4  }
0xd: {  	[smem:$0x3FAA] =	sst s5  }
0xe: {  	[smem:$0x3FAB] =	sst s6  }
0xf: {  	[smem:$0x3FAC] =	sst s7  }
0x10: {  	[smem:$0x3FAD] =	sst s8  }
0x11: {  	[smem:$0x3FAE] =	sst s9;
	s0 =	simm.s32 @!p0 $0x0  }
0x12: {  	s1 =	sld [smem:$0x3F94];
	s0 =	simm.s32 @p0 $0x1  }
0x13: {  	[smem:$0x3FAF] =	sst s0;
	s0 =	simm.s32 @!p1 $0x0  }
0x14: {  	s2 =	sld [smem:$0x3F93];
	s0 =	simm.s32 @p1 $0x1  }
0x15: {  	[smem:$0x3FB0] =	sst s0;
	s0 =	simm.s32 @!p2 $0x0  }
0x16: {  	s3 =	sld [smem:$0x3FDB];
	s0 =	simm.s32 @p2 $0x1  }
0x17: {  	s4 =	simm.s32 $0x1BF5;
	[smem:$0x3FB2] =	sst s0  }
0x18: {  	s0 =	sld [smem:$0x3F95];
	_ =	swait.ge [sflag:s4], $0x0  }
0x19: {  	s7 =	sld [smem:$0x3F96]  }
0x1a: {  	s8 =	sadd.s32 $0xFFFFE003, lr  }
0x1b: {  	s9 =	sadd.s32 $0xFFFFFEF7, lr;
	s5 =	simm.s32 $0xFFFFFFFF;
	p2 =	slt.u32 s8, $0xFFFFF086  }
0x1c: {  	p1 =	slt.u32 s9, $0xF7A;
	s5 =	simm.s32 @!p2 $0x0  }
0x1d: {  	s5 =	simm.s32 @p1 $0x1;
	p0 =	seq.s32 s7, s2  }
0x1e: {  	s7 =	smul.u32 @!p0 $0xF7A, s2;
	p2 =	seq.s32 @!p0 s5, $0x0  }
0x1f: {  	s9 =	smul.u32 $0xF7A, s1;
	s8 =	simm.s32 @!p0 $0x1BF5;
	p2 =	por !p2, p0  }
0x20: {  	[sflag:s8] =	ssyncset.s32 @!p0 $0xFFFFF086;
	s6 =	sadd.s32 @!p0 s3, s7;
	s7 =	simm.s32 @!p0 $0x108  }
0x21: {  	s3 =	sadd.s32 s3, s9;
	s6 =	sadd.s32 @!p0 $0x88, s6;
	s7 =	simm.s32 @p2 $0x1082  }
0x22: {  	[simem:s7], [sflag:s8] =	dma.local @!p0 [hbm:s6], $0xF7A  }
0x23: {  	s9 =	sor.u32 $0xD0000000, s2;
	s6 =	simm.s32 $0x108;
	_ =	swait.ge @!p0 [sflag:s8], $0x0  }
0x24: {  	s3 =	sadd.s32 $0x88, s3;
	s6 =	simm.s32 @!p1 $0x1082;
	[sflag:s4] =	ssyncset.s32 $0xFFFFF086  }
0x25: {  	[simem:s6], [sflag:s4] =	dma.local [hbm:s3], $0xF7A  }
0x26: {  	[smem:$0x3F96] =	sst s1;
	(tag) =	ssettag s2;
	_ =	strace s9  }
0x27: {  	s1 =	sld [smem:$0x3FA6]  }
0x28: {  	s2 =	sld [smem:$0x3FA7]  }
0x29: {  	s4 =	sld [smem:$0x3FA9]  }
0x2a: {  	p0 =	seq.s32 s5, $0x0;
	s5 =	sld [smem:$0x3FAA]  }
0x2b: {  	s6 =	sld [smem:$0x3FAB]  }
0x2c: {  	s7 =	sld [smem:$0x3FAC]  }
0x2d: {  	s3 =	simm.s32 $0x108;
	s8 =	sld [smem:$0x3FAD]  }
0x2e: {  	s3 =	simm.s32 @!p0 $0x1082;
	s9 =	sld [smem:$0x3FAE]  }
0x2f: {  	lr =	sadd.s32 s0, s3;
	s0 =	sld [smem:$0x3FA5]  }
0x30: {  	s3 =	sld [smem:$0x3FA8]  }
0x31: {  	[smem:$0x3FB1] =	sst s10  }
0x32: {  	s10 =	sld [smem:$0x3FAF];
	_ =	sdelay $0x3  }
0x33: {  	p0 =	seq.s32 s10, $0x1;
	s10 =	sld [smem:$0x3FB1];
	_ =	sdelay $0x3  }
0x34: {  	[smem:$0x3FB1] =	sst s10  }
0x35: {  	s10 =	sld [smem:$0x3FB0];
	_ =	sdelay $0x3  }
0x36: {  	p1 =	seq.s32 s10, $0x1;
	s10 =	sld [smem:$0x3FB1];
	_ =	sdelay $0x3  }
0x37: {  	[smem:$0x3FB1] =	sst s10  }
0x38: {  	s10 =	sld [smem:$0x3FB2]  }
0x39: {  	_ = 	snop;
	(pc) =	sbr.ind lr, $3  }
0x3a: {  	_ = 	snop  }
0x3b: {  	_ = 	snop  }
0x3c: {  	p2 =	seq.s32 s10, $0x1;
	s10 =	sld [smem:$0x3FB1]  }
0x3d: {  	_ =	shalt  }
0x3e: {  	_ =	shalt  }
0x3f: {  	_ =	shalt  }
0x40: {  	_ =	shalt  }
0x41: {  	_ =	shalt  }
0x42: {  	_ =	shalt  }
0x43: {  	_ =	shalt  }
0x44: {  	_ =	shalt  }
0x45: {  	_ =	shalt  }
0x46: {  	_ =	shalt  }
0x47: {  	_ =	shalt  }
0x48: {  	_ =	shalt  }
0x49: {  	_ =	shalt  }
0x4a: {  	_ =	shalt  }
0x4b: {  	_ =	shalt  }
0x4c: {  	_ =	shalt  }
0x4d: {  	_ =	shalt  }
0x4e: {  	_ =	shalt  }
0x4f: {  	_ =	shalt  }
0x50: {  	_ =	shalt  }
0x51: {  	_ =	shalt  }
0x52: {  	_ =	shalt  }
0x53: {  	_ =	shalt  }
0x54: {  	_ =	shalt  }
0x55: {  	_ =	shalt  }
0x56: {  	_ =	shalt  }
0x57: {  	_ =	shalt  }
0x58: {  	_ =	shalt  }
0x59: {  	_ =	shalt  }
0x5a: {  	_ =	shalt  }
0x5b: {  	_ =	shalt  }
0x5c: {  	_ =	shalt  }
0x5d: {  	_ =	shalt  }
0x5e: {  	_ =	shalt  }
0x5f: {  	_ =	shalt  }
0x60: {  	_ =	shalt  }
0x61: {  	_ =	shalt  }
0x62: {  	_ =	shalt  }
0x63: {  	_ =	shalt  }
0x64: {  	_ =	shalt  }
0x65: {  	_ =	shalt  }
0x66: {  	_ =	shalt  }
0x67: {  	_ =	shalt  }
0x68: {  	_ =	shalt  }
0x69: {  	_ =	shalt  }
0x6a: {  	_ =	shalt  }
0x6b: {  	_ =	shalt  }
0x6c: {  	_ =	shalt  }
0x6d: {  	_ =	shalt  }
0x6e: {  	_ =	shalt  }
0x6f: {  	_ =	shalt  }
0x70: {  	_ =	shalt  }
0x71: {  	_ =	shalt  }
0x72: {  	_ =	shalt  }
0x73: {  	_ =	shalt  }
0x74: {  	_ =	shalt  }
0x75: {  	_ =	shalt  }
0x76: {  	_ =	shalt  }
0x77: {  	_ =	shalt  }
0x78: {  	_ =	shalt  }
0x79: {  	_ =	shalt  }
0x7a: {  	_ =	shalt  }
0x7b: {  	_ =	shalt  }
0x7c: {  	_ =	shalt  }
0x7d: {  	_ =	shalt  }
0x7e: {  	_ =	shalt  }
0x7f: {  	_ =	shalt  }
0x80: {  	_ =	shalt  }
0x81: {  	_ =	shalt  }
0x82: {  	_ =	shalt  }
0x83: {  	_ =	shalt  }
0x84: {  	_ =	shalt  }
0x85: {  	_ =	shalt  }
0x86: {  	_ =	shalt  }
0x87: {  	_ =	shalt  }
.Lfunc_end0:
.L_simem_size_0:
called_computation.1_lowered:
.L_overlay_start_0:
0x88: {  	s2 =	sld [smem:$0x3FD9]  }
0x89: {  	s3 =	sld [smem:$0x3FFE];
	_ =	sdelay $0x1  }
0x8a: {  	s1 =	srdreg.scid  }
0x8b: {  	s0 =	sand.u32 $0x1, s1  }
0x8c: {  	s17 =	sshll.u32 s0, $0xA;
	s2 =	sadd.s32 s3, s2  }
0x8d: {  	s2 =	sadd.s32 s2, s17  }
0x8e: {  	[smem:$0x3FBD] =	sst s2  }
0x8f: {  	_ = 	snop  }
0x90: {  	s2 =	sld [smem:$0x3FD0];
	(tm) =	ssettm $0x1  }
0x91: {  	s18 =	sld [smem:$0x3FFB];
	_ =	sdelay $0x3  }
0x92: {  	_ =	strace s18  }
0x93: {  	s3 =	sld [smem:$0x3FFC];
	_ =	sdelay $0x3  }
0x94: {  	_ =	strace s3  }
0x95: {  	s3 =	sld [smem:$0x3FFD];
	_ =	sdelay $0x3  }
0x96: {  	_ =	strace s3  }
0x97: {  	_ =	strace $0x8FFFFFFF  }
0x98: {  	s19 =	sld [smem:$0x3FDB];
	_ =	sdelay $0x1  }
0x99: {  	s4 =	simm.s32 $_scs_section_size  }
0x9a: {  	s5 =	simm.s32 $_size__tile_overlayer_lowered;
	s6 =	simm.s32 $_tile_overlayer_lowered  }
0x9b: {  	s22 =	simm.s32 $0x1BFF;
	s21 =	sshll.u32 s6, $0x1;
	s3 =	sadd.s32 s4, s19  }
0x9c: {  	s7 =	simm.s32 $0x0;
	s20 =	sshll.u32 s5, $0x1;
	s5 =	sadd.s32 s21, s3  }
0x9d: {  	[timem:s7], [sflag:s22] =	dma.local [hbm:s5], s20  }
0x9e: {  	_ =	swait.ge [sflag:s22], s20  }
0x9f: {  	s4 =	ssub.s32 $0x0, s20;
	[sflag:s22] =	ssyncset.done $0x0  }
0xa0: {  	[sflag:s22] =	ssyncadd.s32 s4;
	_ =	sdelay $0x1  }
0xa1: {  	s23 =	simm.s32 $0x1B8B  }
0xa2: {  	_ =	swait.ge [sflag:s23], $0x1  }
0xa3: {  	[sflag:s23] =	ssyncset.done $0x0  }
0xa4: {  	s25 =	simm.s32 $0x1B8E;
	s24 =	sld [smem:$0x3FFE];
	[sflag:s23] =	ssyncadd.s32 $0xFFFFFFFF  }
0xa5: {  	s26 =	simm.s32 $execute0_lowered;
	[smem:$0x3FD2] =	sst s25  }
0xa6: {  	s5 =	sshll.u32 s26, $0x1;
	_ =	strace $0x80000049;
	[dreg:$0x1] =	wrdreg $0xFFFFFFFF  }
0xa7: {  	s28 =	simm.s32 $_size_execute0_lowered;
	s3 =	sadd.s32 s3, s5;
	[dreg:$0x0] =	wrdreg $0x0  }
0xa8: {  	s5 =	sshll.u32 s28, $0x1;
	[dreg:$0x2] =	wrdreg s3  }
0xa9: {  	[dreg:$0x3] =	wrdreg s5  }
0xaa: {  	[dreg:$0x4] =	wrdreg $0xC0  }
0xab: {  	_ =	task [dreg:s7], $0x5FFFF  }
0xac: {  	[dreg:$0x1] =	wrdreg $0xFFFFFFFF  }
0xad: {  	[dreg:$0x0] =	wrdreg $0x60  }
0xae: {  	[dreg:$0x2] =	wrdreg s2  }
0xaf: {  	[dreg:$0x3] =	wrdreg s24  }
0xb0: {  	[dreg:$0x4] =	wrdreg $0xA8000  }
0xb1: {  	[dreg:$0x5] =	wrdreg $0x9  }
0xb2: {  	_ =	task.clear_ibuf [dreg:s7], $0x6FFFF;
	_ =	strace $0x90000049  }
0xb3: {  	s29 =	simm.s32 $0x9;
	_ =	strace $0x8000004B  }
0xb4: {  	_ =	swait.ge [sflag:s29], $0x1  }
0xb5: {  	[sflag:s29] =	ssyncadd.s32 $0xFFFFFFFF  }
0xb6: {  	_ =	strace $0x9000004B  }
0xb7: {  	_ =	sfence  }
0xb8: {  	s30 =	sld [smem:$0x0];
	_ =	sdelay $0x2  }
0xb9: {  	s31 =	sshll.u32 s1, $0xD;
	s1 =	sshrl.u32 s1, $0x2  }
0xba: {  	s3 =	sand.u32 $0x4000, s31;
	s1 =	sadd.s32 s1, s30  }
0xbb: {  	s0 =	sor.u32 s3, s0;
	s1 =	sshll.u32 s1, $0x11  }
0xbc: {  	s0 =	sor.u32 s1, s0  }
0xbd: {  	s0 =	sadd.s32 $0x8F2B, s0  }
0xbe: {  	[sflag:s0] =	ssyncadd.remote.s32 $0x1  }
0xbf: {  	_ =	sfence.sel $0xFFFF  }
0xc0: {  	[dreg:$0x0] =	wrdreg $0xFFFFFFFF;
	(pc) =	sbr.abs _section_cstart, $3  }
0xc1: {  	[dreg:$0x1] =	wrdreg $0xFFFFFFFF  }
0xc2: {  	_ =	task.clear_ibuf [dreg:s7], $0x2FFFF;
	_ =	strace $0x9FFFFFFF  }
0xc3: {  	(tm) =	ssettm $0x7FFFFFFF  }
tec
execute0_lowered:
.L_overlay_start_1:
0x0: {  	(tag) =	ssettag $0x1  }
0x1: {  	s1 =	rddreg [dreg:$0x0]  }
0x2: {  	s0 =	rddreg [dreg:$0x1]  }
0x3: {  	s2 =	rddreg [dreg:$0x2];
	s3 =	srdreg.scid  }
0x4: {  	s4 =	simm.s32 $0x0;
	s19 =	stileid.u32;
	s28 =	simm.s32 $0x1  }
0x5: {  	s29 =	simm.s32 $0x2;
	s30 =	simm.s32 $0x80;
	s6 =	smul.u32 $0x14000, s19  }
0x6: {  	s31 =	simm.s32 $0x2800;
	s3 =	sand.u32 $0x1, s3;
	s21 =	smul.u32 $0x50000, s19  }
0x7: {  	[smem:$0x7FF] =	sst s4;
	s8 =	sadd.s32 $0xC600, s0;
	s15 =	smul.u32 $0xFFFFFFB0, s19  }
0x8: {  	s9 =	sadd.s32 $0x2800, s0;
	s7 =	sadd.s32 $0x16400, s0;
	s5 =	smul.u32 $0x140000, s3  }
0x9: {  	s23 =	sshll.u32 s19, $0x6;
	_ =	strace $0x8000004A;
	s16 =	smul.u32 $0xFFFFFB00, s3  }
0xa: {  	[dreg:$0x4] =	wrdreg s7;
	s20 =	sshll.u32 s3, $0x4;
	s18 =	smul.u32 $0x500, s3  }
0xb: {  	s22 =	ssub.s32 $0x2, s3;
	[dreg:$0x6] =	wrdreg s23;
	s3 =	smul.u32 $0xA0000, s3  }
0xc: {  	s10 =	sshrl.u32 s22, $0x1;
	s7 =	sshrl.u32 s21, $0x2;
	s21 =	smul.u32 $0x50, s19  }
0xd: {  	s5 =	sadd.s32 s6, s5;
	s6 =	sor.u32 s19, s20;
	s7 =	sadd.s32 s7, s2  }
0xe: {  	s16 =	sadd.s32 s16, s15;
	s15 =	simm.s32 $0x0;
	s5 =	sshrl.u32 s5, $0x3  }
0xf: {  	s6 =	smul.u32 $0x50, s6;
	[dreg:$0x5] =	wrdreg s7;
	s7 =	sor.u32 $0x1C02, s23  }
0x10: {  	s20 =	sadd.s32 $0x9C4, s16;
	s23 =	smul.u32 $0xA000, s19;
	s0 =	sadd.s32 s5, s0  }
0x11: {  	s5 =	ssub.s32 s22, s10;
	[dreg:$0x7] =	wrdreg s7;
	s24 =	ssub.s32 $0x9C4, s6  }
0x12: {  	s22 =	smin.u32 s20, $0x28;
	s11 =	smin.u32 s6, $0x9A0;
	s12 =	smin.u32 s24, $0x28  }
0x13: {  	s13 =	ssub.s32 s6, s11;
	s11 =	sshll.u32 s11, $0x4;
	s10 =	smax.u32 s24, $0x28  }
0x14: {  	s6 =	sadd.s32 $0x28, s6;
	s12 =	sshrl.u32 s12, $0x1;
	s25 =	sadd.s32 s8, s11  }
0x15: {  	s13 =	sshll.u32 s13, $0x9;
	s26 =	sadd.s32 s9, s11;
	[dreg:$0x8] =	wrdreg s25  }
0x16: {  	s10 =	smin.u32 s10, $0x50;
	[dreg:$0x9] =	wrdreg s26;
	s11 =	sshra.s32 s13, $0x2  }
0x17: {  	s14 =	smin.u32 s6, $0x9A0;
	s13 =	sadd.s32 $0xFFFFFFFF, s12;
	[dreg:$0xa] =	wrdreg s11  }
0x18: {  	s10 =	sadd.s32 $0xFFFFFFD8, s10;
	s6 =	ssub.s32 s6, s14;
	[dreg:$0xb] =	wrdreg s13  }
0x19: {  	s11 =	sshll.u32 s14, $0x4;
	s17 =	sshrl.u32 s10, $0x1;
	s6 =	sshll.u32 s6, $0x9  }
0x1a: {  	p0 =	seq.s32 s10, $0x0;
	s13 =	sadd.s32 s8, s11;
	s14 =	sadd.s32 s9, s11  }
0x1b: {  	s6 =	sshra.s32 s6, $0x2;
	s16 =	sadd.s32 $0xFFFFFFFF, s17;
	s17 =	sadd.s32 $0x18C00, s0  }
0x1c: {  	s0 =	sshrl.u32 s22, $0x1;
	s8 =	sadd.s32 s21, s18;
	s18 =	smax.u32 s5, $0x1  }
0x1d: {  	s21 =	sshrl.u32 s23, $0x2;
	[dreg:$0xc] =	wrdreg s6;
	s6 =	smax.u32 s20, $0x28  }
0x1e: {  	s9 =	smin.u32 s8, $0x9A0;
	s19 =	ssub.s32 $0x1, s0;
	s24 =	sadd.s32 $0x28, s8  }
0x1f: {  	s22 =	sadd.s32 $0x1400, s21;
	s6 =	smin.u32 s6, $0x50;
	s9 =	sshll.u32 s9, $0x9  }
.Ltmp0:
0x20: {  	s0 =	smin.u32 s24, $0x9A0;
	s20 =	ssub.s32 s3, s9;
	(pc) =	sbr.rel .LBB2_1-.Ltmp0, $4  }
0x21: {  	s6 =	sadd.s32 $0xFFFFFFD8, s6;
	s3 =	sadd.s32 s23, s3;
	s0 =	sshll.u32 s0, $0x9  }
0x22: {  	s25 =	sshrl.u32 s6, $0x1;
	s0 =	ssub.s32 s3, s0;
	s3 =	simm.s32 $0x3  }
0x23: {  	s26 =	smax.u32 s25, $0x1;
	s24 =	sshra.s32 s0, $0x2;
	s0 =	simm.s32 $0x6800  }
0x24: {  	s23 =	sshll.u32 s26, $0xA;
	s25 =	sadd.s32 $0x1400, s24;
	s26 =	simm.s32 $0x1400  }
.LBB2_7:
0x25: {  	s6 =	simm.s32 $0x0  }
.LBB2_10:
0x26: {  	s7 =	sadd.s32 $0x1480, s11;
	[sflag:s3] =	ssyncadd.s32 @p1 $0xFFFFC000  }
0x27: {  	[tilespmem:s0], [sflag:$0x2] =	stream.indirect.gather [hbm4b:s1+s30], $0x80, s7, s30, $0xb8;
	[tilespmem:$0x1E800] =	vst v63  }
0x28: {  	_ =	swait.ge [sflag:s28], $0x4000  }
0x29: {  	[sflag:s28] =	ssyncset.done $0x0  }
0x2a: {  	s11 =	sadd.s32 $0x1400, s8;
	p1 =	sge.s32 s9, s16;
	[sflag:s28] =	ssyncadd.s32 $0xFFFFC000  }
0x2b: {  	[spmem:s2] =	stream.indirect.scatter.add.f32 [tilespmem:s31], [sflag:$0x3], $0x80, s11, s30, $0xb8;
	[tilespmem:$0x1E800] =	vst v63  }
0x2c: {  	s6 =	sshra.s32 @!p1 s6, $0x2;
	_ =	swait.ge [sflag:s3], $0x4000  }
0x2d: {  	s7 =	simm.s32 @!p1 $0x2800;
	s6 =	sadd.s32 @!p1 s6, s24;
	[sflag:s3] =	ssyncset.done $0x0  }
0x2e: {  	s9 =	simm.s32 @!p1 $0x80;
	s6 =	sadd.s32 @!p1 $0x1500, s6;
	[sflag:s3] =	ssyncadd.s32 $0xFFFFC000  }
0x2f: {  	[tilespmem:s7], [sflag:$0x1] =	stream.indirect.gather @!p1 [hbm4b:s1+s9], $0x80, s6, s9, $0xb8;
	[tilespmem:$0x1E800] =	vst v63  }
0x30: {  	_ =	swait.ge [sflag:s29], $0x4000  }
0x31: {  	[sflag:s29] =	ssyncset.done $0x0  }
0x32: {  	s12 =	sadd.s32 $0x1480, s8;
	[sflag:s29] =	ssyncadd.s32 $0xFFFFC000  }
0x33: {  	[spmem:s2] =	stream.indirect.scatter.add.f32 [tilespmem:s0], [sflag:$0x3], $0x80, s12, s30, $0xb8;
	[tilespmem:$0x1E800] =	vst v63  }
0x34: {  	_ =	swait.ge [sflag:s3], $0x4000  }
0x35: {  	[sflag:s3] =	ssyncset.done $0x0  }
0x36: {  	[sflag:s3] =	ssyncadd.s32 $0xFFFFC000  }
.LBB2_11:
0x37: {  	[bflag:$0x0] =	sbarrier.arrive $0xFFFF;
	s15 =	sadd.s32 $0x1, s15  }
0x38: {  	s6 =	rddreg [dreg:$0x6];
	p1 =	sne.s32 s15, s18  }
.Ltmp1:
0x39: {  	s6 =	sor.u32 $0x1C03, s6;
	(pc) =	sbr.rel @!p1 .LBB2_12-.Ltmp1, $4  }
0x3a: {  	[hbm:s17], [sflag:s6] =	dma.local [spmem:s5], $0x2800  }
0x3b: {  	_ =	swait.ge [sflag:s3], $0x2800  }
0x3c: {  	[sflag:s3] =	ssyncset.done $0x0  }
0x3d: {  	[sflag:s3] =	ssyncadd.s32 $0xFFFFD800  }
.LBB2_1:
0x3e: {  	s5 =	rddreg [dreg:$0x5]  }
0x3f: {  	s6 =	rddreg [dreg:$0x4]  }
0x40: {  	s7 =	rddreg [dreg:$0x7];
	s5 =	sshrl.u32 s5, $0x3  }
0x41: {  	[spmem:s5], [sflag:s7] =	dma.local [hbm:s6], $0x2800  }
0x42: {  	s6 =	rddreg [dreg:$0x8]  }
0x43: {  	[tilespmem:s4], [sflag:$0x1] =	stream.linear.gather [hbm4b:s6+s4], $0x1400, $0x38;
	[tilespmem:$0x1E800] =	vst v63  }
0x44: {  	s11 =	rddreg [dreg:$0x9]  }
0x45: {  	[tilespmem:s26], [sflag:$0x2] =	stream.linear.gather [hbm4b:s11+s4], $0x1400, $0x38;
	[tilespmem:$0x1E800] =	vst v63  }
0x46: {  	_ =	swait.ge [sflag:s28], $0x1400  }
0x47: {  	[sflag:s28] =	ssyncset.done $0x0  }
0x48: {  	[sflag:s28] =	ssyncadd.s32 $0xFFFFEC00  }
0x49: {  	_ =	swait.ge [sflag:s29], $0x1400  }
0x4a: {  	[sflag:s29] =	ssyncset.done $0x0  }
0x4b: {  	[sflag:s29] =	ssyncadd.s32 $0xFFFFEC00  }
0x4c: {  	p2 =	sne.s32 s19, $0xFFFFFFFF;
	_ =	swait.ge [sflag:s29], $0x2800  }
.Ltmp2:
0x4d: {  	[sflag:s29] =	ssyncset.done $0x0;
	(pc) =	sbr.rel @!p2 .LBB2_2-.Ltmp2, $4  }
0x4e: {  	[sflag:s29] =	ssyncadd.s32 $0xFFFFD800  }
0x4f: {  	s10 =	sshra.s32 s20, $0x2;
	p1 =	por $0x0, $0x0;
	[bflag:$0x0] =	sbarrier.arrive $0xFFFF  }
0x50: {  	s9 =	sadd.s32 s10, s21;
	s6 =	simm.s32 $0xFFFFFFFF;
	s12 =	rddreg [dreg:$0xa]  }
0x51: {  	[tilespmem:s31], [sflag:$0x1] =	stream.indirect.gather [hbm4b:s1+s30], $0x80, s12, s30, $0xb8;
	[tilespmem:$0x1E800] =	vst v63  }
0x52: {  	s6 =	sadd.s32 $0x80, s9  }
0x53: {  	[tilespmem:s0], [sflag:$0x2] =	stream.indirect.gather [hbm4b:s1+s30], $0x80, s6, s30, $0xb8;
	[tilespmem:$0x1E800] =	vst v63  }
0x54: {  	_ =	swait.ge [sflag:s28], $0x4000  }
0x55: {  	[sflag:s28] =	ssyncset.done $0x0  }
0x56: {  	s8 =	sadd.s32 s10, s22;
	[sflag:s28] =	ssyncadd.s32 $0xFFFFC000  }
0x57: {  	[spmem:s2] =	stream.indirect.scatter.add.f32 [tilespmem:s31], [sflag:$0x3], $0x80, s8, s30, $0xb8;
	[tilespmem:$0x1E800] =	vst v63  }
0x58: {  	_ =	swait.ge [sflag:s3], $0x4000  }
0x59: {  	[sflag:s3] =	ssyncset.done $0x0  }
0x5a: {  	s11 =	sadd.s32 $0x100, s9;
	[sflag:s3] =	ssyncadd.s32 $0xFFFFC000  }
0x5b: {  	[tilespmem:s31], [sflag:$0x1] =	stream.indirect.gather [hbm4b:s1+s30], $0x80, s11, s30, $0xb8;
	[tilespmem:$0x1E800] =	vst v63  }
0x5c: {  	p2 =	sne.s32 s19, $0xFFFFFFFE;
	_ =	swait.ge [sflag:s29], $0x4000  }
.Ltmp3:
0x5d: {  	[sflag:s29] =	ssyncset.done $0x0;
	(pc) =	sbr.rel @!p2 .LBB2_5-.Ltmp3, $4  }
0x5e: {  	s12 =	sadd.s32 $0x80, s8;
	s8 =	sadd.s32 $0x400, s20;
	[sflag:s29] =	ssyncadd.s32 $0xFFFFC000  }
0x5f: {  	[spmem:s2] =	stream.indirect.scatter.add.f32 [tilespmem:s0], [sflag:$0x3], $0x80, s12, s30, $0xb8;
	[tilespmem:$0x1E800] =	vst v63  }
0x60: {  	p1 =	por $0x1, $0x1;
	s10 =	sshra.s32 s8, $0x2;
	_ =	swait.ge [sflag:s3], $0x4000  }
0x61: {  	s6 =	simm.s32 $0xFFFFFFFE;
	s9 =	sadd.s32 s10, s21;
	[sflag:s3] =	ssyncset.done $0x0  }
.LBB2_4:
0x62: {  	s6 =	sadd.s32 $0xFFFFFFFF, s6;
	s11 =	sadd.s32 $0x80, s9;
	[sflag:s3] =	ssyncadd.s32 $0xFFFFC000  }
0x63: {  	[tilespmem:s0], [sflag:$0x2] =	stream.indirect.gather [hbm4b:s1+s30], $0x80, s11, s30, $0xb8;
	[tilespmem:$0x1E800] =	vst v63  }
0x64: {  	p2 =	sne.s32 s19, s6;
	_ =	swait.ge [sflag:s28], $0x4000  }
0x65: {  	[sflag:s28] =	ssyncset.done $0x0  }
0x66: {  	s10 =	sadd.s32 s10, s22;
	[sflag:s28] =	ssyncadd.s32 $0xFFFFC000  }
0x67: {  	[spmem:s2] =	stream.indirect.scatter.add.f32 [tilespmem:s31], [sflag:$0x3], $0x80, s10, s30, $0xb8;
	[tilespmem:$0x1E800] =	vst v63  }
0x68: {  	_ =	swait.ge [sflag:s3], $0x4000  }
0x69: {  	[sflag:s3] =	ssyncset.done $0x0  }
0x6a: {  	s9 =	sadd.s32 $0x100, s9;
	[sflag:s3] =	ssyncadd.s32 $0xFFFFC000  }
0x6b: {  	[tilespmem:s31], [sflag:$0x1] =	stream.indirect.gather [hbm4b:s1+s30], $0x80, s9, s30, $0xb8;
	[tilespmem:$0x1E800] =	vst v63  }
0x6c: {  	_ =	swait.ge [sflag:s29], $0x4000  }
.Ltmp4:
0x6d: {  	[sflag:s29] =	ssyncset.done $0x0;
	(pc) =	sbr.rel @p2 .LBB2_4-.Ltmp4, $4  }
0x6e: {  	s8 =	sadd.s32 $0x400, s8;
	s9 =	sadd.s32 $0x80, s10;
	[sflag:s29] =	ssyncadd.s32 $0xFFFFC000  }
0x6f: {  	[spmem:s2] =	stream.indirect.scatter.add.f32 [tilespmem:s0], [sflag:$0x3], $0x80, s9, s30, $0xb8;
	[tilespmem:$0x1E800] =	vst v63  }
0x70: {  	s10 =	sshra.s32 s8, $0x2;
	_ =	swait.ge [sflag:s3], $0x4000  }
0x71: {  	s9 =	sadd.s32 s10, s21;
	[sflag:s3] =	ssyncset.done $0x0  }
.LBB2_5:
0x72: {  	s11 =	sadd.s32 $0x80, s9;
	[sflag:s3] =	ssyncadd.s32 @p1 $0xFFFFC000  }
0x73: {  	[tilespmem:s0], [sflag:$0x2] =	stream.indirect.gather [hbm4b:s1+s30], $0x80, s11, s30, $0xb8;
	[tilespmem:$0x1E800] =	vst v63  }
0x74: {  	_ =	swait.ge [sflag:s28], $0x4000  }
0x75: {  	[sflag:s28] =	ssyncset.done $0x0  }
0x76: {  	s10 =	sadd.s32 s10, s22;
	[sflag:s28] =	ssyncadd.s32 $0xFFFFC000  }
0x77: {  	[spmem:s2] =	stream.indirect.scatter.add.f32 [tilespmem:s31], [sflag:$0x3], $0x80, s10, s30, $0xb8;
	[tilespmem:$0x1E800] =	vst v63  }
0x78: {  	_ =	swait.ge [sflag:s3], $0x4000  }
0x79: {  	[sflag:s3] =	ssyncset.done $0x0  }
0x7a: {  	s11 =	sadd.s32 $0x100, s9;
	[sflag:s3] =	ssyncadd.s32 $0xFFFFC000  }
0x7b: {  	[tilespmem:s31], [sflag:$0x1] =	stream.indirect.gather [hbm4b:s1+s30], $0x80, s11, s30, $0xb8;
	[tilespmem:$0x1E800] =	vst v63  }
0x7c: {  	_ =	swait.ge [sflag:s29], $0x4000  }
0x7d: {  	[sflag:s29] =	ssyncset.done $0x0  }
0x7e: {  	s8 =	sadd.s32 $0x400, s8;
	s12 =	sadd.s32 $0x80, s10;
	[sflag:s29] =	ssyncadd.s32 $0xFFFFC000  }
0x7f: {  	[spmem:s2] =	stream.indirect.scatter.add.f32 [tilespmem:s0], [sflag:$0x3], $0x80, s12, s30, $0xb8;
	[tilespmem:$0x1E800] =	vst v63  }
0x80: {  	s7 =	sshra.s32 s8, $0x2;
	_ =	swait.ge [sflag:s3], $0x4000  }
0x81: {  	s11 =	sadd.s32 s7, s21;
	[sflag:s3] =	ssyncset.done $0x0  }
0x82: {  	s10 =	sadd.s32 $0x80, s11;
	[sflag:s3] =	ssyncadd.s32 $0xFFFFC000  }
0x83: {  	[tilespmem:s0], [sflag:$0x2] =	stream.indirect.gather [hbm4b:s1+s30], $0x80, s10, s30, $0xb8;
	[tilespmem:$0x1E800] =	vst v63  }
0x84: {  	_ =	swait.ge [sflag:s28], $0x4000  }
0x85: {  	[sflag:s28] =	ssyncset.done $0x0  }
0x86: {  	s9 =	sadd.s32 s7, s22;
	[sflag:s28] =	ssyncadd.s32 $0xFFFFC000  }
0x87: {  	[spmem:s2] =	stream.indirect.scatter.add.f32 [tilespmem:s31], [sflag:$0x3], $0x80, s9, s30, $0xb8;
	[tilespmem:$0x1E800] =	vst v63  }
0x88: {  	_ =	swait.ge [sflag:s3], $0x4000  }
0x89: {  	s6 =	ssub.s32 $0x0, s6;
	s7 =	rddreg [dreg:$0xb]  }
0x8a: {  	p1 =	sge.u32 s6, s7  }
0x8b: {  	[sflag:s3] =	ssyncset.done $0x0;
	s6 =	sshra.s32 @!p1 s8, $0x2  }
0x8c: {  	[sflag:s3] =	ssyncadd.s32 $0xFFFFC000;
	s6 =	sadd.s32 @!p1 s6, s21  }
0x8d: {  	s8 =	simm.s32 @!p1 $0x80;
	s10 =	simm.s32 @!p1 $0x2800;
	s6 =	sadd.s32 @!p1 $0x100, s6  }
0x8e: {  	[tilespmem:s10], [sflag:$0x1] =	stream.indirect.gather @!p1 [hbm4b:s1+s8], $0x80, s6, s8, $0xb8;
	[tilespmem:$0x1E800] =	vst v63  }
0x8f: {  	_ =	swait.ge [sflag:s29], $0x4000  }
0x90: {  	[sflag:s29] =	ssyncset.done $0x0  }
0x91: {  	s12 =	sadd.s32 $0x80, s9;
	[sflag:s29] =	ssyncadd.s32 $0xFFFFC000  }
0x92: {  	[spmem:s2] =	stream.indirect.scatter.add.f32 [tilespmem:s0], [sflag:$0x3], $0x80, s12, s30, $0xb8;
	[tilespmem:$0x1E800] =	vst v63  }
0x93: {  	_ =	swait.ge [sflag:s3], $0x4000  }
0x94: {  	[sflag:s3] =	ssyncset.done $0x0  }
0x95: {  	[sflag:s3] =	ssyncadd.s32 $0xFFFFC000  }
0x96: {  	[tilespmem:s4], [sflag:$0x1] =	stream.linear.gather [hbm4b:s13+s4], $0x1400, $0x38;
	[tilespmem:$0x1E800] =	vst v63  }
0x97: {  	_ = 	snop  }
0x98: {  	[tilespmem:s26], [sflag:$0x2] =	stream.linear.gather [hbm4b:s14+s4], $0x1400, $0x38;
	[tilespmem:$0x1E800] =	vst v63  }
0x99: {  	_ =	swait.ge [sflag:s28], $0x1400  }
.Ltmp5:
0x9a: {  	[sflag:s28] =	ssyncset.done $0x0;
	(pc) =	sbr.rel @p0 .LBB2_11-.Ltmp5, $4  }
0x9b: {  	[sflag:s28] =	ssyncadd.s32 $0xFFFFEC00  }
0x9c: {  	_ =	swait.ge [sflag:s29], $0x1400  }
0x9d: {  	[sflag:s29] =	ssyncset.done $0x0  }
0x9e: {  	[sflag:s29] =	ssyncadd.s32 $0xFFFFEC00  }
0x9f: {  	p2 =	sne.s32 s23, $0x400  }
.Ltmp6:
0xa0: {  	_ = 	snop;
	(pc) =	sbr.rel @!p2 .LBB2_7-.Ltmp6, $4  }
0xa1: {  	_ = 	snop  }
0xa2: {  	s6 =	rddreg [dreg:$0xc];
	s9 =	simm.s32 $0x0;
	s11 =	sadd.s32 $0x0, s24  }
0xa3: {  	[tilespmem:s31], [sflag:$0x1] =	stream.indirect.gather [hbm4b:s1+s30], $0x80, s6, s30, $0xb8;
	[tilespmem:$0x1E800] =	vst v63  }
0xa4: {  	s8 =	sadd.s32 $0x0, s25;
	p1 =	por $0x0, $0x0;
	s6 =	simm.s32 $0x400  }
0xa5: {  	s9 =	sadd.s32 $0x1480, s11  }
0xa6: {  	[tilespmem:s0], [sflag:$0x2] =	stream.indirect.gather [hbm4b:s1+s30], $0x80, s9, s30, $0xb8;
	[tilespmem:$0x1E800] =	vst v63  }
0xa7: {  	_ =	swait.ge [sflag:s28], $0x4000  }
0xa8: {  	[sflag:s28] =	ssyncset.done $0x0  }
0xa9: {  	s11 =	sadd.s32 $0x1400, s8;
	[sflag:s28] =	ssyncadd.s32 $0xFFFFC000  }
0xaa: {  	[spmem:s2] =	stream.indirect.scatter.add.f32 [tilespmem:s31], [sflag:$0x3], $0x80, s11, s30, $0xb8;
	[tilespmem:$0x1E800] =	vst v63  }
0xab: {  	p1 =	sle.s32 s16, $0x0;
	_ =	swait.ge [sflag:s3], $0x4000  }
0xac: {  	s9 =	sadd.s32 @!p1 $0x0, s24;
	s10 =	simm.s32 @!p1 $0x2800;
	[sflag:s3] =	ssyncset.done $0x0  }
0xad: {  	s9 =	sadd.s32 @!p1 $0x1500, s9;
	s11 =	simm.s32 @!p1 $0x80;
	[sflag:s3] =	ssyncadd.s32 $0xFFFFC000  }
0xae: {  	[tilespmem:s10], [sflag:$0x1] =	stream.indirect.gather @!p1 [hbm4b:s1+s11], $0x80, s9, s11, $0xb8;
	[tilespmem:$0x1E800] =	vst v63  }
0xaf: {  	p2 =	sne.s32 s23, $0x800;
	_ =	swait.ge [sflag:s29], $0x4000  }
.Ltmp7:
0xb0: {  	[sflag:s29] =	ssyncset.done $0x0;
	(pc) =	sbr.rel @!p2 .LBB2_10-.Ltmp7, $4  }
0xb1: {  	s12 =	sadd.s32 $0x1480, s8;
	s8 =	sadd.s32 $0x100, s25;
	[sflag:s29] =	ssyncadd.s32 $0xFFFFC000  }
0xb2: {  	[spmem:s2] =	stream.indirect.scatter.add.f32 [tilespmem:s0], [sflag:$0x3], $0x80, s12, s30, $0xb8;
	[tilespmem:$0x1E800] =	vst v63  }
0xb3: {  	s10 =	simm.s32 $0x800;
	s9 =	simm.s32 $0x1;
	_ =	swait.ge [sflag:s3], $0x4000  }
0xb4: {  	s11 =	sadd.s32 $0x100, s24;
	p1 =	por $0x1, $0x1;
	[sflag:s3] =	ssyncset.done $0x0  }
.LBB2_9:
0xb5: {  	s11 =	sadd.s32 $0x1480, s11  }
0xb6: {  	[sflag:s3] =	ssyncadd.s32 $0xFFFFC000;
	s7 =	smov.u32 s10;
	s10 =	sadd.s32 $0x400, s10  }
0xb7: {  	[tilespmem:s0], [sflag:$0x2] =	stream.indirect.gather [hbm4b:s1+s30], $0x80, s11, s30, $0xb8;
	[tilespmem:$0x1E800] =	vst v63  }
0xb8: {  	p2 =	sne.s32 s23, s10;
	_ =	swait.ge [sflag:s28], $0x4000  }
0xb9: {  	[sflag:s28] =	ssyncset.done $0x0  }
0xba: {  	p3 =	sge.s32 s9, s16;
	s11 =	sadd.s32 $0x1400, s8;
	[sflag:s28] =	ssyncadd.s32 $0xFFFFC000  }
0xbb: {  	[spmem:s2] =	stream.indirect.scatter.add.f32 [tilespmem:s31], [sflag:$0x3], $0x80, s11, s30, $0xb8;
	[tilespmem:$0x1E800] =	vst v63  }
0xbc: {  	s11 =	sshra.s32 @!p3 s6, $0x2;
	s6 =	smov.u32 s7;
	_ =	swait.ge [sflag:s3], $0x4000  }
0xbd: {  	s7 =	sadd.s32 @!p3 s11, s24;
	s11 =	simm.s32 @!p3 $0x2800;
	[sflag:s3] =	ssyncset.done $0x0  }
0xbe: {  	s12 =	simm.s32 @!p3 $0x80;
	s7 =	sadd.s32 @!p3 $0x1500, s7;
	[sflag:s3] =	ssyncadd.s32 $0xFFFFC000  }
0xbf: {  	[tilespmem:s11], [sflag:$0x1] =	stream.indirect.gather @!p3 [hbm4b:s1+s12], $0x80, s7, s12, $0xb8;
	[tilespmem:$0x1E800] =	vst v63  }
0xc0: {  	_ =	swait.ge [sflag:s29], $0x4000  }
.Ltmp8:
0xc1: {  	[sflag:s29] =	ssyncset.done $0x0;
	(pc) =	sbr.rel @p2 .LBB2_9-.Ltmp8, $4  }
0xc2: {  	s7 =	sadd.s32 $0x1480, s8;
	[sflag:s29] =	ssyncadd.s32 $0xFFFFC000  }
0xc3: {  	[spmem:s2] =	stream.indirect.scatter.add.f32 [tilespmem:s0], [sflag:$0x3], $0x80, s7, s30, $0xb8;
	[tilespmem:$0x1E800] =	vst v63  }
0xc4: {  	s9 =	sadd.s32 $0x1, s9;
	s7 =	sshra.s32 s6, $0x2;
	_ =	swait.ge [sflag:s3], $0x4000  }
0xc5: {  	s11 =	sadd.s32 s7, s24;
	s8 =	sadd.s32 s7, s25;
	[sflag:s3] =	ssyncset.done $0x0  }
.Ltmp9:
0xc6: {  	_ = 	snop;
	(pc) =	sbr.rel .LBB2_10-.Ltmp9, $1  }
0xc7: {  	_ =	sdelay $0x3  }
.LBB2_2:
.Ltmp10:
0xc8: {  	(pc) =	sbr.rel .LBB2_5-.Ltmp10, $2  }
0xc9: {  	_ =	sdelay $0x2  }
0xca: {  	s8 =	smov.u32 s20  }
.LBB2_12:
0xcb: {  	_ =	sfence.sel $0x180000  }
0xcc: {  	[bflag:$0x0] =	sbarrier.arrive $0xFFFF  }
0xcd: {  	_ =	strace $0x9000004A  }
0xce: {  	s0 =	stileid.u32;
	[bflag:$0x2] =	sbarrier.arrive $0xFFFF  }
0xcf: {  	p0 =	sne.s32 s0, $0x0;
	s0 =	rddreg [dreg:$0x3]  }
0xd0: {  	s0 =	sadd.s32 @!p0 $0x100000, s0  }
0xd1: {  	[sflag:s0] =	ssyncadd.tile.s32 @!p0 $0x1;
	_ =	shalt  }
.Lfunc_end2:
_tile_overlayer_lowered:
.L_overlay_start_2:
0xd2: {  	(tag) =	ssettag $0x2  }
0xd3: {  	s0 =	rddreg [dreg:$0x0];
	s2 =	stileid.u32  }
0xd4: {  	s1 =	rddreg [dreg:$0x1];
	p0 =	sne.s32 s2, $0x0  }
0xd5: {  	s3 =	rddreg [dreg:$0x2];
	[bflag:$0x3] =	sbarrier.arrive $0xFFFF;
	s2 =	simm.s32 @!p0 $0x1C03  }
0xd6: {  	[timem:s3], [sflag:s2] =	dma.local @!p0 [hbm:s0], s1  }
0xd7: {  	s0 =	simm.s32 @!p0 $0x3  }
0xd8: {  	_ =	swait.ge @!p0 [sflag:s0], s1  }
0xd9: {  	s1 =	ssub.s32 @!p0 $0x0, s1;
	[sflag:s0] =	ssyncset.done @!p0 $0x0  }
0xda: {  	[sflag:s0] =	ssyncadd.s32 @!p0 s1  }
0xdb: {  	[bflag:$0x3] =	sbarrier.arrive $0xFFFF  }
0xdc: {  	_ =	shalt  }

// kernel: kernel.14.cloned.1.call-start
scs
__scs_entry_jumppad:
0x0: {  	(pc) =	sbr.rel $0x88, $3  }
0x1: {  	(tag) =	ssettag $0x0;
	lr =	simm.s32 $0x1  }
0x2: {  	[smem:$0x3F96] =	sst lr;
	_ =	strace $0xD0000000  }
0x3: {  	_ = 	snop  }
0x4: {  	_ = 	snop  }
0x5: {  	_ = 	snop  }
0x6: {  	_ = 	snop  }
0x7: {  	_ = 	snop  }
__scs_overlays_trampoline_lowered:
0x8: {  	[smem:$0x3FA5] =	sst s0  }
0x9: {  	[smem:$0x3FA6] =	sst s1  }
0xa: {  	[smem:$0x3FA7] =	sst s2  }
0xb: {  	[smem:$0x3FA8] =	sst s3  }
0xc: {  	[smem:$0x3FA9] =	sst s4  }
0xd: {  	[smem:$0x3FAA] =	sst s5  }
0xe: {  	[smem:$0x3FAB] =	sst s6  }
0xf: {  	[smem:$0x3FAC] =	sst s7  }
0x10: {  	[smem:$0x3FAD] =	sst s8  }
0x11: {  	[smem:$0x3FAE] =	sst s9;
	s0 =	simm.s32 @!p0 $0x0  }
0x12: {  	s1 =	sld [smem:$0x3F94];
	s0 =	simm.s32 @p0 $0x1  }
0x13: {  	[smem:$0x3FAF] =	sst s0;
	s0 =	simm.s32 @!p1 $0x0  }
0x14: {  	s2 =	sld [smem:$0x3F93];
	s0 =	simm.s32 @p1 $0x1  }
0x15: {  	[smem:$0x3FB0] =	sst s0;
	s0 =	simm.s32 @!p2 $0x0  }
0x16: {  	s3 =	sld [smem:$0x3FDB];
	s0 =	simm.s32 @p2 $0x1  }
0x17: {  	s4 =	simm.s32 $0x1BF5;
	[smem:$0x3FB2] =	sst s0  }
0x18: {  	s0 =	sld [smem:$0x3F95];
	_ =	swait.ge [sflag:s4], $0x0  }
0x19: {  	s7 =	sld [smem:$0x3F96]  }
0x1a: {  	s8 =	sadd.s32 $0xFFFFE003, lr  }
0x1b: {  	s9 =	sadd.s32 $0xFFFFFEF7, lr;
	s5 =	simm.s32 $0xFFFFFFFF;
	p2 =	slt.u32 s8, $0xFFFFF086  }
0x1c: {  	p1 =	slt.u32 s9, $0xF7A;
	s5 =	simm.s32 @!p2 $0x0  }
0x1d: {  	s5 =	simm.s32 @p1 $0x1;
	p0 =	seq.s32 s7, s2  }
0x1e: {  	s7 =	smul.u32 @!p0 $0xF7A, s2;
	p2 =	seq.s32 @!p0 s5, $0x0  }
0x1f: {  	s9 =	smul.u32 $0xF7A, s1;
	s8 =	simm.s32 @!p0 $0x1BF5;
	p2 =	por !p2, p0  }
0x20: {  	[sflag:s8] =	ssyncset.s32 @!p0 $0xFFFFF086;
	s6 =	sadd.s32 @!p0 s3, s7;
	s7 =	simm.s32 @!p0 $0x108  }
0x21: {  	s3 =	sadd.s32 s3, s9;
	s6 =	sadd.s32 @!p0 $0x88, s6;
	s7 =	simm.s32 @p2 $0x1082  }
0x22: {  	[simem:s7], [sflag:s8] =	dma.local @!p0 [hbm:s6], $0xF7A  }
0x23: {  	s9 =	sor.u32 $0xD0000000, s2;
	s6 =	simm.s32 $0x108;
	_ =	swait.ge @!p0 [sflag:s8], $0x0  }
0x24: {  	s3 =	sadd.s32 $0x88, s3;
	s6 =	simm.s32 @!p1 $0x1082;
	[sflag:s4] =	ssyncset.s32 $0xFFFFF086  }
0x25: {  	[simem:s6], [sflag:s4] =	dma.local [hbm:s3], $0xF7A  }
0x26: {  	[smem:$0x3F96] =	sst s1;
	(tag) =	ssettag s2;
	_ =	strace s9  }
0x27: {  	s1 =	sld [smem:$0x3FA6]  }
0x28: {  	s2 =	sld [smem:$0x3FA7]  }
0x29: {  	s4 =	sld [smem:$0x3FA9]  }
0x2a: {  	p0 =	seq.s32 s5, $0x0;
	s5 =	sld [smem:$0x3FAA]  }
0x2b: {  	s6 =	sld [smem:$0x3FAB]  }
0x2c: {  	s7 =	sld [smem:$0x3FAC]  }
0x2d: {  	s3 =	simm.s32 $0x108;
	s8 =	sld [smem:$0x3FAD]  }
0x2e: {  	s3 =	simm.s32 @!p0 $0x1082;
	s9 =	sld [smem:$0x3FAE]  }
0x2f: {  	lr =	sadd.s32 s0, s3;
	s0 =	sld [smem:$0x3FA5]  }
0x30: {  	s3 =	sld [smem:$0x3FA8]  }
0x31: {  	[smem:$0x3FB1] =	sst s10  }
0x32: {  	s10 =	sld [smem:$0x3FAF];
	_ =	sdelay $0x3  }
0x33: {  	p0 =	seq.s32 s10, $0x1;
	s10 =	sld [smem:$0x3FB1];
	_ =	sdelay $0x3  }
0x34: {  	[smem:$0x3FB1] =	sst s10  }
0x35: {  	s10 =	sld [smem:$0x3FB0];
	_ =	sdelay $0x3  }
0x36: {  	p1 =	seq.s32 s10, $0x1;
	s10 =	sld [smem:$0x3FB1];
	_ =	sdelay $0x3  }
0x37: {  	[smem:$0x3FB1] =	sst s10  }
0x38: {  	s10 =	sld [smem:$0x3FB2]  }
0x39: {  	_ = 	snop;
	(pc) =	sbr.ind lr, $3  }
0x3a: {  	_ = 	snop  }
0x3b: {  	_ = 	snop  }
0x3c: {  	p2 =	seq.s32 s10, $0x1;
	s10 =	sld [smem:$0x3FB1]  }
0x3d: {  	_ =	shalt  }
0x3e: {  	_ =	shalt  }
0x3f: {  	_ =	shalt  }
0x40: {  	_ =	shalt  }
0x41: {  	_ =	shalt  }
0x42: {  	_ =	shalt  }
0x43: {  	_ =	shalt  }
0x44: {  	_ =	shalt  }
0x45: {  	_ =	shalt  }
0x46: {  	_ =	shalt  }
0x47: {  	_ =	shalt  }
0x48: {  	_ =	shalt  }
0x49: {  	_ =	shalt  }
0x4a: {  	_ =	shalt  }
0x4b: {  	_ =	shalt  }
0x4c: {  	_ =	shalt  }
0x4d: {  	_ =	shalt  }
0x4e: {  	_ =	shalt  }
0x4f: {  	_ =	shalt  }
0x50: {  	_ =	shalt  }
0x51: {  	_ =	shalt  }
0x52: {  	_ =	shalt  }
0x53: {  	_ =	shalt  }
0x54: {  	_ =	shalt  }
0x55: {  	_ =	shalt  }
0x56: {  	_ =	shalt  }
0x57: {  	_ =	shalt  }
0x58: {  	_ =	shalt  }
0x59: {  	_ =	shalt  }
0x5a: {  	_ =	shalt  }
0x5b: {  	_ =	shalt  }
0x5c: {  	_ =	shalt  }
0x5d: {  	_ =	shalt  }
0x5e: {  	_ =	shalt  }
0x5f: {  	_ =	shalt  }
0x60: {  	_ =	shalt  }
0x61: {  	_ =	shalt  }
0x62: {  	_ =	shalt  }
0x63: {  	_ =	shalt  }
0x64: {  	_ =	shalt  }
0x65: {  	_ =	shalt  }
0x66: {  	_ =	shalt  }
0x67: {  	_ =	shalt  }
0x68: {  	_ =	shalt  }
0x69: {  	_ =	shalt  }
0x6a: {  	_ =	shalt  }
0x6b: {  	_ =	shalt  }
0x6c: {  	_ =	shalt  }
0x6d: {  	_ =	shalt  }
0x6e: {  	_ =	shalt  }
0x6f: {  	_ =	shalt  }
0x70: {  	_ =	shalt  }
0x71: {  	_ =	shalt  }
0x72: {  	_ =	shalt  }
0x73: {  	_ =	shalt  }
0x74: {  	_ =	shalt  }
0x75: {  	_ =	shalt  }
0x76: {  	_ =	shalt  }
0x77: {  	_ =	shalt  }
0x78: {  	_ =	shalt  }
0x79: {  	_ =	shalt  }
0x7a: {  	_ =	shalt  }
0x7b: {  	_ =	shalt  }
0x7c: {  	_ =	shalt  }
0x7d: {  	_ =	shalt  }
0x7e: {  	_ =	shalt  }
0x7f: {  	_ =	shalt  }
0x80: {  	_ =	shalt  }
0x81: {  	_ =	shalt  }
0x82: {  	_ =	shalt  }
0x83: {  	_ =	shalt  }
0x84: {  	_ =	shalt  }
0x85: {  	_ =	shalt  }
0x86: {  	_ =	shalt  }
0x87: {  	_ =	shalt  }
.Lfunc_end0:
.L_simem_size_0:
called_computation.2_lowered:
.L_overlay_start_0:
0x88: {  	s2 =	sld [smem:$0x3FD9]  }
0x89: {  	s3 =	sld [smem:$0x3FFE];
	_ =	sdelay $0x1  }
0x8a: {  	s1 =	srdreg.scid  }
0x8b: {  	s0 =	sand.u32 $0x1, s1  }
0x8c: {  	s17 =	sshll.u32 s0, $0xA;
	s2 =	sadd.s32 s3, s2  }
0x8d: {  	s2 =	sadd.s32 s2, s17  }
0x8e: {  	[smem:$0x3FBD] =	sst s2  }
0x8f: {  	_ = 	snop  }
0x90: {  	s2 =	sld [smem:$0x3FD0];
	(tm) =	ssettm $0x1  }
0x91: {  	s18 =	sld [smem:$0x3FFB];
	_ =	sdelay $0x3  }
0x92: {  	_ =	strace s18  }
0x93: {  	s3 =	sld [smem:$0x3FFC];
	_ =	sdelay $0x3  }
0x94: {  	_ =	strace s3  }
0x95: {  	s3 =	sld [smem:$0x3FFD];
	_ =	sdelay $0x3  }
0x96: {  	_ =	strace s3  }
0x97: {  	_ =	strace $0x8FFFFFFF  }
0x98: {  	s19 =	sld [smem:$0x3FDB];
	_ =	sdelay $0x1  }
0x99: {  	s4 =	simm.s32 $_scs_section_size  }
0x9a: {  	s5 =	simm.s32 $_size__tile_overlayer_lowered;
	s6 =	simm.s32 $_tile_overlayer_lowered  }
0x9b: {  	s22 =	simm.s32 $0x1BFF;
	s21 =	sshll.u32 s6, $0x1;
	s3 =	sadd.s32 s4, s19  }
0x9c: {  	s7 =	simm.s32 $0x0;
	s20 =	sshll.u32 s5, $0x1;
	s5 =	sadd.s32 s21, s3  }
0x9d: {  	[timem:s7], [sflag:s22] =	dma.local [hbm:s5], s20  }
0x9e: {  	_ =	swait.ge [sflag:s22], s20  }
0x9f: {  	s4 =	ssub.s32 $0x0, s20;
	[sflag:s22] =	ssyncset.done $0x0  }
0xa0: {  	[sflag:s22] =	ssyncadd.s32 s4;
	_ =	sdelay $0x1  }
0xa1: {  	s23 =	simm.s32 $0x1B8B  }
0xa2: {  	_ =	swait.ge [sflag:s23], $0x1  }
0xa3: {  	[sflag:s23] =	ssyncset.done $0x0  }
0xa4: {  	s25 =	simm.s32 $0x1B8E;
	s24 =	sld [smem:$0x3FFE];
	[sflag:s23] =	ssyncadd.s32 $0xFFFFFFFF  }
0xa5: {  	s26 =	simm.s32 $execute0_lowered;
	[smem:$0x3FD2] =	sst s25  }
0xa6: {  	s5 =	sshll.u32 s26, $0x1;
	_ =	strace $0x8000004C;
	[dreg:$0x1] =	wrdreg $0xFFFFFFFF  }
0xa7: {  	s28 =	simm.s32 $_size_execute0_lowered;
	s3 =	sadd.s32 s3, s5;
	[dreg:$0x0] =	wrdreg $0x0  }
0xa8: {  	s5 =	sshll.u32 s28, $0x1;
	[dreg:$0x2] =	wrdreg s3  }
0xa9: {  	[dreg:$0x3] =	wrdreg s5  }
0xaa: {  	[dreg:$0x4] =	wrdreg $0xC0  }
0xab: {  	_ =	task [dreg:s7], $0x5FFFF  }
0xac: {  	[dreg:$0x1] =	wrdreg $0xFFFFFFFF  }
0xad: {  	[dreg:$0x0] =	wrdreg $0x60  }
0xae: {  	[dreg:$0x2] =	wrdreg s2  }
0xaf: {  	[dreg:$0x3] =	wrdreg s24  }
0xb0: {  	[dreg:$0x4] =	wrdreg $0xA8000  }
0xb1: {  	[dreg:$0x5] =	wrdreg $0x9  }
0xb2: {  	_ =	task.clear_ibuf [dreg:s7], $0x6FFFF;
	_ =	strace $0x9000004C  }
0xb3: {  	s29 =	simm.s32 $0x9;
	_ =	strace $0x8000004E  }
0xb4: {  	_ =	swait.ge [sflag:s29], $0x1  }
0xb5: {  	[sflag:s29] =	ssyncadd.s32 $0xFFFFFFFF  }
0xb6: {  	_ =	strace $0x9000004E  }
0xb7: {  	_ =	sfence  }
0xb8: {  	s30 =	sld [smem:$0x0];
	_ =	sdelay $0x2  }
0xb9: {  	s31 =	sshll.u32 s1, $0xD;
	s1 =	sshrl.u32 s1, $0x2  }
0xba: {  	s3 =	sand.u32 $0x4000, s31;
	s1 =	sadd.s32 s1, s30  }
0xbb: {  	s0 =	sor.u32 s3, s0;
	s1 =	sshll.u32 s1, $0x11  }
0xbc: {  	s0 =	sor.u32 s1, s0  }
0xbd: {  	s0 =	sadd.s32 $0x8F2B, s0  }
0xbe: {  	[sflag:s0] =	ssyncadd.remote.s32 $0x1  }
0xbf: {  	_ =	sfence.sel $0xFFFF  }
0xc0: {  	[dreg:$0x0] =	wrdreg $0xFFFFFFFF;
	(pc) =	sbr.abs _section_cstart, $3  }
0xc1: {  	[dreg:$0x1] =	wrdreg $0xFFFFFFFF  }
0xc2: {  	_ =	task.clear_ibuf [dreg:s7], $0x2FFFF;
	_ =	strace $0x9FFFFFFF  }
0xc3: {  	(tm) =	ssettm $0x7FFFFFFF  }
tec
execute0_lowered:
.L_overlay_start_1:
0x0: {  	(tag) =	ssettag $0x1  }
0x1: {  	s1 =	rddreg [dreg:$0x0]  }
0x2: {  	s0 =	rddreg [dreg:$0x1]  }
0x3: {  	s2 =	rddreg [dreg:$0x2];
	s3 =	srdreg.scid  }
0x4: {  	s4 =	simm.s32 $0x0;
	s19 =	stileid.u32;
	s28 =	simm.s32 $0x1  }
0x5: {  	s29 =	simm.s32 $0x2;
	s30 =	simm.s32 $0x80;
	s6 =	smul.u32 $0x14000, s19  }
0x6: {  	s31 =	simm.s32 $0x2800;
	s3 =	sand.u32 $0x1, s3;
	s21 =	smul.u32 $0x50000, s19  }
0x7: {  	[smem:$0x7FF] =	sst s4;
	s8 =	sadd.s32 $0xC600, s0;
	s15 =	smul.u32 $0xFFFFFFB0, s19  }
0x8: {  	s9 =	sadd.s32 $0x2800, s0;
	s7 =	sadd.s32 $0x16400, s0;
	s5 =	smul.u32 $0x140000, s3  }
0x9: {  	s23 =	sshll.u32 s19, $0x6;
	_ =	strace $0x8000004D;
	s16 =	smul.u32 $0xFFFFFB00, s3  }
0xa: {  	[dreg:$0x4] =	wrdreg s7;
	s20 =	sshll.u32 s3, $0x4;
	s18 =	smul.u32 $0x500, s3  }
0xb: {  	s22 =	ssub.s32 $0x2, s3;
	[dreg:$0x6] =	wrdreg s23;
	s3 =	smul.u32 $0xA0000, s3  }
0xc: {  	s10 =	sshrl.u32 s22, $0x1;
	s7 =	sshrl.u32 s21, $0x2;
	s21 =	smul.u32 $0x50, s19  }
0xd: {  	s5 =	sadd.s32 s6, s5;
	s6 =	sor.u32 s19, s20;
	s7 =	sadd.s32 s7, s2  }
0xe: {  	s16 =	sadd.s32 s16, s15;
	s15 =	simm.s32 $0x0;
	s5 =	sshrl.u32 s5, $0x3  }
0xf: {  	s6 =	smul.u32 $0x50, s6;
	[dreg:$0x5] =	wrdreg s7;
	s7 =	sor.u32 $0x1C02, s23  }
0x10: {  	s20 =	sadd.s32 $0x9C4, s16;
	s23 =	smul.u32 $0xA000, s19;
	s0 =	sadd.s32 s5, s0  }
0x11: {  	s5 =	ssub.s32 s22, s10;
	[dreg:$0x7] =	wrdreg s7;
	s24 =	ssub.s32 $0x9C4, s6  }
0x12: {  	s22 =	smin.u32 s20, $0x28;
	s11 =	smin.u32 s6, $0x9A0;
	s12 =	smin.u32 s24, $0x28  }
0x13: {  	s13 =	ssub.s32 s6, s11;
	s11 =	sshll.u32 s11, $0x4;
	s10 =	smax.u32 s24, $0x28  }
0x14: {  	s6 =	sadd.s32 $0x28, s6;
	s12 =	sshrl.u32 s12, $0x1;
	s25 =	sadd.s32 s8, s11  }
0x15: {  	s13 =	sshll.u32 s13, $0x9;
	s26 =	sadd.s32 s9, s11;
	[dreg:$0x8] =	wrdreg s25  }
0x16: {  	s10 =	smin.u32 s10, $0x50;
	[dreg:$0x9] =	wrdreg s26;
	s11 =	sshra.s32 s13, $0x2  }
0x17: {  	s14 =	smin.u32 s6, $0x9A0;
	s13 =	sadd.s32 $0xFFFFFFFF, s12;
	[dreg:$0xa] =	wrdreg s11  }
0x18: {  	s10 =	sadd.s32 $0xFFFFFFD8, s10;
	s6 =	ssub.s32 s6, s14;
	[dreg:$0xb] =	wrdreg s13  }
0x19: {  	s11 =	sshll.u32 s14, $0x4;
	s17 =	sshrl.u32 s10, $0x1;
	s6 =	sshll.u32 s6, $0x9  }
0x1a: {  	p0 =	seq.s32 s10, $0x0;
	s13 =	sadd.s32 s8, s11;
	s14 =	sadd.s32 s9, s11  }
0x1b: {  	s6 =	sshra.s32 s6, $0x2;
	s16 =	sadd.s32 $0xFFFFFFFF, s17;
	s17 =	sadd.s32 $0x18C00, s0  }
0x1c: {  	s0 =	sshrl.u32 s22, $0x1;
	s8 =	sadd.s32 s21, s18;
	s18 =	smax.u32 s5, $0x1  }
0x1d: {  	s21 =	sshrl.u32 s23, $0x2;
	[dreg:$0xc] =	wrdreg s6;
	s6 =	smax.u32 s20, $0x28  }
0x1e: {  	s9 =	smin.u32 s8, $0x9A0;
	s19 =	ssub.s32 $0x1, s0;
	s24 =	sadd.s32 $0x28, s8  }
0x1f: {  	s22 =	sadd.s32 $0x1400, s21;
	s6 =	smin.u32 s6, $0x50;
	s9 =	sshll.u32 s9, $0x9  }
.Ltmp0:
0x20: {  	s0 =	smin.u32 s24, $0x9A0;
	s20 =	ssub.s32 s3, s9;
	(pc) =	sbr.rel .LBB2_1-.Ltmp0, $4  }
0x21: {  	s6 =	sadd.s32 $0xFFFFFFD8, s6;
	s3 =	sadd.s32 s23, s3;
	s0 =	sshll.u32 s0, $0x9  }
0x22: {  	s25 =	sshrl.u32 s6, $0x1;
	s0 =	ssub.s32 s3, s0;
	s3 =	simm.s32 $0x3  }
0x23: {  	s26 =	smax.u32 s25, $0x1;
	s24 =	sshra.s32 s0, $0x2;
	s0 =	simm.s32 $0x6800  }
0x24: {  	s23 =	sshll.u32 s26, $0xA;
	s25 =	sadd.s32 $0x1400, s24;
	s26 =	simm.s32 $0x1400  }
.LBB2_7:
0x25: {  	s6 =	simm.s32 $0x0  }
.LBB2_10:
0x26: {  	s7 =	sadd.s32 $0x1480, s11;
	[sflag:s3] =	ssyncadd.s32 @p1 $0xFFFFC000  }
0x27: {  	[tilespmem:s0], [sflag:$0x2] =	stream.indirect.gather [hbm4b:s1+s30], $0x80, s7, s30, $0xb8;
	[tilespmem:$0x1E800] =	vst v63  }
0x28: {  	_ =	swait.ge [sflag:s28], $0x4000  }
0x29: {  	[sflag:s28] =	ssyncset.done $0x0  }
0x2a: {  	s11 =	sadd.s32 $0x1400, s8;
	p1 =	sge.s32 s9, s16;
	[sflag:s28] =	ssyncadd.s32 $0xFFFFC000  }
0x2b: {  	[spmem:s2] =	stream.indirect.scatter.add.f32 [tilespmem:s31], [sflag:$0x3], $0x80, s11, s30, $0xb8;
	[tilespmem:$0x1E800] =	vst v63  }
0x2c: {  	s6 =	sshra.s32 @!p1 s6, $0x2;
	_ =	swait.ge [sflag:s3], $0x4000  }
0x2d: {  	s7 =	simm.s32 @!p1 $0x2800;
	s6 =	sadd.s32 @!p1 s6, s24;
	[sflag:s3] =	ssyncset.done $0x0  }
0x2e: {  	s9 =	simm.s32 @!p1 $0x80;
	s6 =	sadd.s32 @!p1 $0x1500, s6;
	[sflag:s3] =	ssyncadd.s32 $0xFFFFC000  }
0x2f: {  	[tilespmem:s7], [sflag:$0x1] =	stream.indirect.gather @!p1 [hbm4b:s1+s9], $0x80, s6, s9, $0xb8;
	[tilespmem:$0x1E800] =	vst v63  }
0x30: {  	_ =	swait.ge [sflag:s29], $0x4000  }
0x31: {  	[sflag:s29] =	ssyncset.done $0x0  }
0x32: {  	s12 =	sadd.s32 $0x1480, s8;
	[sflag:s29] =	ssyncadd.s32 $0xFFFFC000  }
0x33: {  	[spmem:s2] =	stream.indirect.scatter.add.f32 [tilespmem:s0], [sflag:$0x3], $0x80, s12, s30, $0xb8;
	[tilespmem:$0x1E800] =	vst v63  }
0x34: {  	_ =	swait.ge [sflag:s3], $0x4000  }
0x35: {  	[sflag:s3] =	ssyncset.done $0x0  }
0x36: {  	[sflag:s3] =	ssyncadd.s32 $0xFFFFC000  }
.LBB2_11:
0x37: {  	[bflag:$0x0] =	sbarrier.arrive $0xFFFF;
	s15 =	sadd.s32 $0x1, s15  }
0x38: {  	s6 =	rddreg [dreg:$0x6];
	p1 =	sne.s32 s15, s18  }
.Ltmp1:
0x39: {  	s6 =	sor.u32 $0x1C03, s6;
	(pc) =	sbr.rel @!p1 .LBB2_12-.Ltmp1, $4  }
0x3a: {  	[hbm:s17], [sflag:s6] =	dma.local [spmem:s5], $0x2800  }
0x3b: {  	_ =	swait.ge [sflag:s3], $0x2800  }
0x3c: {  	[sflag:s3] =	ssyncset.done $0x0  }
0x3d: {  	[sflag:s3] =	ssyncadd.s32 $0xFFFFD800  }
.LBB2_1:
0x3e: {  	s5 =	rddreg [dreg:$0x5]  }
0x3f: {  	s6 =	rddreg [dreg:$0x4]  }
0x40: {  	s7 =	rddreg [dreg:$0x7];
	s5 =	sshrl.u32 s5, $0x3  }
0x41: {  	[spmem:s5], [sflag:s7] =	dma.local [hbm:s6], $0x2800  }
0x42: {  	s6 =	rddreg [dreg:$0x8]  }
0x43: {  	[tilespmem:s4], [sflag:$0x1] =	stream.linear.gather [hbm4b:s6+s4], $0x1400, $0x38;
	[tilespmem:$0x1E800] =	vst v63  }
0x44: {  	s11 =	rddreg [dreg:$0x9]  }
0x45: {  	[tilespmem:s26], [sflag:$0x2] =	stream.linear.gather [hbm4b:s11+s4], $0x1400, $0x38;
	[tilespmem:$0x1E800] =	vst v63  }
0x46: {  	_ =	swait.ge [sflag:s28], $0x1400  }
0x47: {  	[sflag:s28] =	ssyncset.done $0x0  }
0x48: {  	[sflag:s28] =	ssyncadd.s32 $0xFFFFEC00  }
0x49: {  	_ =	swait.ge [sflag:s29], $0x1400  }
0x4a: {  	[sflag:s29] =	ssyncset.done $0x0  }
0x4b: {  	[sflag:s29] =	ssyncadd.s32 $0xFFFFEC00  }
0x4c: {  	p2 =	sne.s32 s19, $0xFFFFFFFF;
	_ =	swait.ge [sflag:s29], $0x2800  }
.Ltmp2:
0x4d: {  	[sflag:s29] =	ssyncset.done $0x0;
	(pc) =	sbr.rel @!p2 .LBB2_2-.Ltmp2, $4  }
0x4e: {  	[sflag:s29] =	ssyncadd.s32 $0xFFFFD800  }
0x4f: {  	s10 =	sshra.s32 s20, $0x2;
	p1 =	por $0x0, $0x0;
	[bflag:$0x0] =	sbarrier.arrive $0xFFFF  }
0x50: {  	s9 =	sadd.s32 s10, s21;
	s6 =	simm.s32 $0xFFFFFFFF;
	s12 =	rddreg [dreg:$0xa]  }
0x51: {  	[tilespmem:s31], [sflag:$0x1] =	stream.indirect.gather [hbm4b:s1+s30], $0x80, s12, s30, $0xb8;
	[tilespmem:$0x1E800] =	vst v63  }
0x52: {  	s6 =	sadd.s32 $0x80, s9  }
0x53: {  	[tilespmem:s0], [sflag:$0x2] =	stream.indirect.gather [hbm4b:s1+s30], $0x80, s6, s30, $0xb8;
	[tilespmem:$0x1E800] =	vst v63  }
0x54: {  	_ =	swait.ge [sflag:s28], $0x4000  }
0x55: {  	[sflag:s28] =	ssyncset.done $0x0  }
0x56: {  	s8 =	sadd.s32 s10, s22;
	[sflag:s28] =	ssyncadd.s32 $0xFFFFC000  }
0x57: {  	[spmem:s2] =	stream.indirect.scatter.add.f32 [tilespmem:s31], [sflag:$0x3], $0x80, s8, s30, $0xb8;
	[tilespmem:$0x1E800] =	vst v63  }
0x58: {  	_ =	swait.ge [sflag:s3], $0x4000  }
0x59: {  	[sflag:s3] =	ssyncset.done $0x0  }
0x5a: {  	s11 =	sadd.s32 $0x100, s9;
	[sflag:s3] =	ssyncadd.s32 $0xFFFFC000  }
0x5b: {  	[tilespmem:s31], [sflag:$0x1] =	stream.indirect.gather [hbm4b:s1+s30], $0x80, s11, s30, $0xb8;
	[tilespmem:$0x1E800] =	vst v63  }
0x5c: {  	p2 =	sne.s32 s19, $0xFFFFFFFE;
	_ =	swait.ge [sflag:s29], $0x4000  }
.Ltmp3:
0x5d: {  	[sflag:s29] =	ssyncset.done $0x0;
	(pc) =	sbr.rel @!p2 .LBB2_5-.Ltmp3, $4  }
0x5e: {  	s12 =	sadd.s32 $0x80, s8;
	s8 =	sadd.s32 $0x400, s20;
	[sflag:s29] =	ssyncadd.s32 $0xFFFFC000  }
0x5f: {  	[spmem:s2] =	stream.indirect.scatter.add.f32 [tilespmem:s0], [sflag:$0x3], $0x80, s12, s30, $0xb8;
	[tilespmem:$0x1E800] =	vst v63  }
0x60: {  	p1 =	por $0x1, $0x1;
	s10 =	sshra.s32 s8, $0x2;
	_ =	swait.ge [sflag:s3], $0x4000  }
0x61: {  	s6 =	simm.s32 $0xFFFFFFFE;
	s9 =	sadd.s32 s10, s21;
	[sflag:s3] =	ssyncset.done $0x0  }
.LBB2_4:
0x62: {  	s6 =	sadd.s32 $0xFFFFFFFF, s6;
	s11 =	sadd.s32 $0x80, s9;
	[sflag:s3] =	ssyncadd.s32 $0xFFFFC000  }
0x63: {  	[tilespmem:s0], [sflag:$0x2] =	stream.indirect.gather [hbm4b:s1+s30], $0x80, s11, s30, $0xb8;
	[tilespmem:$0x1E800] =	vst v63  }
0x64: {  	p2 =	sne.s32 s19, s6;
	_ =	swait.ge [sflag:s28], $0x4000  }
0x65: {  	[sflag:s28] =	ssyncset.done $0x0  }
0x66: {  	s10 =	sadd.s32 s10, s22;
	[sflag:s28] =	ssyncadd.s32 $0xFFFFC000  }
0x67: {  	[spmem:s2] =	stream.indirect.scatter.add.f32 [tilespmem:s31], [sflag:$0x3], $0x80, s10, s30, $0xb8;
	[tilespmem:$0x1E800] =	vst v63  }
0x68: {  	_ =	swait.ge [sflag:s3], $0x4000  }
0x69: {  	[sflag:s3] =	ssyncset.done $0x0  }
0x6a: {  	s9 =	sadd.s32 $0x100, s9;
	[sflag:s3] =	ssyncadd.s32 $0xFFFFC000  }
0x6b: {  	[tilespmem:s31], [sflag:$0x1] =	stream.indirect.gather [hbm4b:s1+s30], $0x80, s9, s30, $0xb8;
	[tilespmem:$0x1E800] =	vst v63  }
0x6c: {  	_ =	swait.ge [sflag:s29], $0x4000  }
.Ltmp4:
0x6d: {  	[sflag:s29] =	ssyncset.done $0x0;
	(pc) =	sbr.rel @p2 .LBB2_4-.Ltmp4, $4  }
0x6e: {  	s8 =	sadd.s32 $0x400, s8;
	s9 =	sadd.s32 $0x80, s10;
	[sflag:s29] =	ssyncadd.s32 $0xFFFFC000  }
0x6f: {  	[spmem:s2] =	stream.indirect.scatter.add.f32 [tilespmem:s0], [sflag:$0x3], $0x80, s9, s30, $0xb8;
	[tilespmem:$0x1E800] =	vst v63  }
0x70: {  	s10 =	sshra.s32 s8, $0x2;
	_ =	swait.ge [sflag:s3], $0x4000  }
0x71: {  	s9 =	sadd.s32 s10, s21;
	[sflag:s3] =	ssyncset.done $0x0  }
.LBB2_5:
0x72: {  	s11 =	sadd.s32 $0x80, s9;
	[sflag:s3] =	ssyncadd.s32 @p1 $0xFFFFC000  }
0x73: {  	[tilespmem:s0], [sflag:$0x2] =	stream.indirect.gather [hbm4b:s1+s30], $0x80, s11, s30, $0xb8;
	[tilespmem:$0x1E800] =	vst v63  }
0x74: {  	_ =	swait.ge [sflag:s28], $0x4000  }
0x75: {  	[sflag:s28] =	ssyncset.done $0x0  }
0x76: {  	s10 =	sadd.s32 s10, s22;
	[sflag:s28] =	ssyncadd.s32 $0xFFFFC000  }
0x77: {  	[spmem:s2] =	stream.indirect.scatter.add.f32 [tilespmem:s31], [sflag:$0x3], $0x80, s10, s30, $0xb8;
	[tilespmem:$0x1E800] =	vst v63  }
0x78: {  	_ =	swait.ge [sflag:s3], $0x4000  }
0x79: {  	[sflag:s3] =	ssyncset.done $0x0  }
0x7a: {  	s11 =	sadd.s32 $0x100, s9;
	[sflag:s3] =	ssyncadd.s32 $0xFFFFC000  }
0x7b: {  	[tilespmem:s31], [sflag:$0x1] =	stream.indirect.gather [hbm4b:s1+s30], $0x80, s11, s30, $0xb8;
	[tilespmem:$0x1E800] =	vst v63  }
0x7c: {  	_ =	swait.ge [sflag:s29], $0x4000  }
0x7d: {  	[sflag:s29] =	ssyncset.done $0x0  }
0x7e: {  	s8 =	sadd.s32 $0x400, s8;
	s12 =	sadd.s32 $0x80, s10;
	[sflag:s29] =	ssyncadd.s32 $0xFFFFC000  }
0x7f: {  	[spmem:s2] =	stream.indirect.scatter.add.f32 [tilespmem:s0], [sflag:$0x3], $0x80, s12, s30, $0xb8;
	[tilespmem:$0x1E800] =	vst v63  }
0x80: {  	s7 =	sshra.s32 s8, $0x2;
	_ =	swait.ge [sflag:s3], $0x4000  }
0x81: {  	s11 =	sadd.s32 s7, s21;
	[sflag:s3] =	ssyncset.done $0x0  }
0x82: {  	s10 =	sadd.s32 $0x80, s11;
	[sflag:s3] =	ssyncadd.s32 $0xFFFFC000  }
0x83: {  	[tilespmem:s0], [sflag:$0x2] =	stream.indirect.gather [hbm4b:s1+s30], $0x80, s10, s30, $0xb8;
	[tilespmem:$0x1E800] =	vst v63  }
0x84: {  	_ =	swait.ge [sflag:s28], $0x4000  }
0x85: {  	[sflag:s28] =	ssyncset.done $0x0  }
0x86: {  	s9 =	sadd.s32 s7, s22;
	[sflag:s28] =	ssyncadd.s32 $0xFFFFC000  }
0x87: {  	[spmem:s2] =	stream.indirect.scatter.add.f32 [tilespmem:s31], [sflag:$0x3], $0x80, s9, s30, $0xb8;
	[tilespmem:$0x1E800] =	vst v63  }
0x88: {  	_ =	swait.ge [sflag:s3], $0x4000  }
0x89: {  	s6 =	ssub.s32 $0x0, s6;
	s7 =	rddreg [dreg:$0xb]  }
0x8a: {  	p1 =	sge.u32 s6, s7  }
0x8b: {  	[sflag:s3] =	ssyncset.done $0x0;
	s6 =	sshra.s32 @!p1 s8, $0x2  }
0x8c: {  	[sflag:s3] =	ssyncadd.s32 $0xFFFFC000;
	s6 =	sadd.s32 @!p1 s6, s21  }
0x8d: {  	s8 =	simm.s32 @!p1 $0x80;
	s10 =	simm.s32 @!p1 $0x2800;
	s6 =	sadd.s32 @!p1 $0x100, s6  }
0x8e: {  	[tilespmem:s10], [sflag:$0x1] =	stream.indirect.gather @!p1 [hbm4b:s1+s8], $0x80, s6, s8, $0xb8;
	[tilespmem:$0x1E800] =	vst v63  }
0x8f: {  	_ =	swait.ge [sflag:s29], $0x4000  }
0x90: {  	[sflag:s29] =	ssyncset.done $0x0  }
0x91: {  	s12 =	sadd.s32 $0x80, s9;
	[sflag:s29] =	ssyncadd.s32 $0xFFFFC000  }
0x92: {  	[spmem:s2] =	stream.indirect.scatter.add.f32 [tilespmem:s0], [sflag:$0x3], $0x80, s12, s30, $0xb8;
	[tilespmem:$0x1E800] =	vst v63  }
0x93: {  	_ =	swait.ge [sflag:s3], $0x4000  }
0x94: {  	[sflag:s3] =	ssyncset.done $0x0  }
0x95: {  	[sflag:s3] =	ssyncadd.s32 $0xFFFFC000  }
0x96: {  	[tilespmem:s4], [sflag:$0x1] =	stream.linear.gather [hbm4b:s13+s4], $0x1400, $0x38;
	[tilespmem:$0x1E800] =	vst v63  }
0x97: {  	_ = 	snop  }
0x98: {  	[tilespmem:s26], [sflag:$0x2] =	stream.linear.gather [hbm4b:s14+s4], $0x1400, $0x38;
	[tilespmem:$0x1E800] =	vst v63  }
0x99: {  	_ =	swait.ge [sflag:s28], $0x1400  }
.Ltmp5:
0x9a: {  	[sflag:s28] =	ssyncset.done $0x0;
	(pc) =	sbr.rel @p0 .LBB2_11-.Ltmp5, $4  }
0x9b: {  	[sflag:s28] =	ssyncadd.s32 $0xFFFFEC00  }
0x9c: {  	_ =	swait.ge [sflag:s29], $0x1400  }
0x9d: {  	[sflag:s29] =	ssyncset.done $0x0  }
0x9e: {  	[sflag:s29] =	ssyncadd.s32 $0xFFFFEC00  }
0x9f: {  	p2 =	sne.s32 s23, $0x400  }
.Ltmp6:
0xa0: {  	_ = 	snop;
	(pc) =	sbr.rel @!p2 .LBB2_7-.Ltmp6, $4  }
0xa1: {  	_ = 	snop  }
0xa2: {  	s6 =	rddreg [dreg:$0xc];
	s9 =	simm.s32 $0x0;
	s11 =	sadd.s32 $0x0, s24  }
0xa3: {  	[tilespmem:s31], [sflag:$0x1] =	stream.indirect.gather [hbm4b:s1+s30], $0x80, s6, s30, $0xb8;
	[tilespmem:$0x1E800] =	vst v63  }
0xa4: {  	s8 =	sadd.s32 $0x0, s25;
	p1 =	por $0x0, $0x0;
	s6 =	simm.s32 $0x400  }
0xa5: {  	s9 =	sadd.s32 $0x1480, s11  }
0xa6: {  	[tilespmem:s0], [sflag:$0x2] =	stream.indirect.gather [hbm4b:s1+s30], $0x80, s9, s30, $0xb8;
	[tilespmem:$0x1E800] =	vst v63  }
0xa7: {  	_ =	swait.ge [sflag:s28], $0x4000  }
0xa8: {  	[sflag:s28] =	ssyncset.done $0x0  }
0xa9: {  	s11 =	sadd.s32 $0x1400, s8;
	[sflag:s28] =	ssyncadd.s32 $0xFFFFC000  }
0xaa: {  	[spmem:s2] =	stream.indirect.scatter.add.f32 [tilespmem:s31], [sflag:$0x3], $0x80, s11, s30, $0xb8;
	[tilespmem:$0x1E800] =	vst v63  }
0xab: {  	p1 =	sle.s32 s16, $0x0;
	_ =	swait.ge [sflag:s3], $0x4000  }
0xac: {  	s9 =	sadd.s32 @!p1 $0x0, s24;
	s10 =	simm.s32 @!p1 $0x2800;
	[sflag:s3] =	ssyncset.done $0x0  }
0xad: {  	s9 =	sadd.s32 @!p1 $0x1500, s9;
	s11 =	simm.s32 @!p1 $0x80;
	[sflag:s3] =	ssyncadd.s32 $0xFFFFC000  }
0xae: {  	[tilespmem:s10], [sflag:$0x1] =	stream.indirect.gather @!p1 [hbm4b:s1+s11], $0x80, s9, s11, $0xb8;
	[tilespmem:$0x1E800] =	vst v63  }
0xaf: {  	p2 =	sne.s32 s23, $0x800;
	_ =	swait.ge [sflag:s29], $0x4000  }
.Ltmp7:
0xb0: {  	[sflag:s29] =	ssyncset.done $0x0;
	(pc) =	sbr.rel @!p2 .LBB2_10-.Ltmp7, $4  }
0xb1: {  	s12 =	sadd.s32 $0x1480, s8;
	s8 =	sadd.s32 $0x100, s25;
	[sflag:s29] =	ssyncadd.s32 $0xFFFFC000  }
0xb2: {  	[spmem:s2] =	stream.indirect.scatter.add.f32 [tilespmem:s0], [sflag:$0x3], $0x80, s12, s30, $0xb8;
	[tilespmem:$0x1E800] =	vst v63  }
0xb3: {  	s10 =	simm.s32 $0x800;
	s9 =	simm.s32 $0x1;
	_ =	swait.ge [sflag:s3], $0x4000  }
0xb4: {  	s11 =	sadd.s32 $0x100, s24;
	p1 =	por $0x1, $0x1;
	[sflag:s3] =	ssyncset.done $0x0  }
.LBB2_9:
0xb5: {  	s11 =	sadd.s32 $0x1480, s11  }
0xb6: {  	[sflag:s3] =	ssyncadd.s32 $0xFFFFC000;
	s7 =	smov.u32 s10;
	s10 =	sadd.s32 $0x400, s10  }
0xb7: {  	[tilespmem:s0], [sflag:$0x2] =	stream.indirect.gather [hbm4b:s1+s30], $0x80, s11, s30, $0xb8;
	[tilespmem:$0x1E800] =	vst v63  }
0xb8: {  	p2 =	sne.s32 s23, s10;
	_ =	swait.ge [sflag:s28], $0x4000  }
0xb9: {  	[sflag:s28] =	ssyncset.done $0x0  }
0xba: {  	p3 =	sge.s32 s9, s16;
	s11 =	sadd.s32 $0x1400, s8;
	[sflag:s28] =	ssyncadd.s32 $0xFFFFC000  }
0xbb: {  	[spmem:s2] =	stream.indirect.scatter.add.f32 [tilespmem:s31], [sflag:$0x3], $0x80, s11, s30, $0xb8;
	[tilespmem:$0x1E800] =	vst v63  }
0xbc: {  	s11 =	sshra.s32 @!p3 s6, $0x2;
	s6 =	smov.u32 s7;
	_ =	swait.ge [sflag:s3], $0x4000  }
0xbd: {  	s7 =	sadd.s32 @!p3 s11, s24;
	s11 =	simm.s32 @!p3 $0x2800;
	[sflag:s3] =	ssyncset.done $0x0  }
0xbe: {  	s12 =	simm.s32 @!p3 $0x80;
	s7 =	sadd.s32 @!p3 $0x1500, s7;
	[sflag:s3] =	ssyncadd.s32 $0xFFFFC000  }
0xbf: {  	[tilespmem:s11], [sflag:$0x1] =	stream.indirect.gather @!p3 [hbm4b:s1+s12], $0x80, s7, s12, $0xb8;
	[tilespmem:$0x1E800] =	vst v63  }
0xc0: {  	_ =	swait.ge [sflag:s29], $0x4000  }
.Ltmp8:
0xc1: {  	[sflag:s29] =	ssyncset.done $0x0;
	(pc) =	sbr.rel @p2 .LBB2_9-.Ltmp8, $4  }
0xc2: {  	s7 =	sadd.s32 $0x1480, s8;
	[sflag:s29] =	ssyncadd.s32 $0xFFFFC000  }
0xc3: {  	[spmem:s2] =	stream.indirect.scatter.add.f32 [tilespmem:s0], [sflag:$0x3], $0x80, s7, s30, $0xb8;
	[tilespmem:$0x1E800] =	vst v63  }
0xc4: {  	s9 =	sadd.s32 $0x1, s9;
	s7 =	sshra.s32 s6, $0x2;
	_ =	swait.ge [sflag:s3], $0x4000  }
0xc5: {  	s11 =	sadd.s32 s7, s24;
	s8 =	sadd.s32 s7, s25;
	[sflag:s3] =	ssyncset.done $0x0  }
.Ltmp9:
0xc6: {  	_ = 	snop;
	(pc) =	sbr.rel .LBB2_10-.Ltmp9, $1  }
0xc7: {  	_ =	sdelay $0x3  }
.LBB2_2:
.Ltmp10:
0xc8: {  	(pc) =	sbr.rel .LBB2_5-.Ltmp10, $2  }
0xc9: {  	_ =	sdelay $0x2  }
0xca: {  	s8 =	smov.u32 s20  }
.LBB2_12:
0xcb: {  	_ =	sfence.sel $0x180000  }
0xcc: {  	[bflag:$0x0] =	sbarrier.arrive $0xFFFF  }
0xcd: {  	_ =	strace $0x9000004D  }
0xce: {  	s0 =	stileid.u32;
	[bflag:$0x2] =	sbarrier.arrive $0xFFFF  }
0xcf: {  	p0 =	sne.s32 s0, $0x0;
	s0 =	rddreg [dreg:$0x3]  }
0xd0: {  	s0 =	sadd.s32 @!p0 $0x100000, s0  }
0xd1: {  	[sflag:s0] =	ssyncadd.tile.s32 @!p0 $0x1;
	_ =	shalt  }
.Lfunc_end2:
_tile_overlayer_lowered:
.L_overlay_start_2:
0xd2: {  	(tag) =	ssettag $0x2  }
0xd3: {  	s0 =	rddreg [dreg:$0x0];
	s2 =	stileid.u32  }
0xd4: {  	s1 =	rddreg [dreg:$0x1];
	p0 =	sne.s32 s2, $0x0  }
0xd5: {  	s3 =	rddreg [dreg:$0x2];
	[bflag:$0x3] =	sbarrier.arrive $0xFFFF;
	s2 =	simm.s32 @!p0 $0x1C03  }
0xd6: {  	[timem:s3], [sflag:s2] =	dma.local @!p0 [hbm:s0], s1  }
0xd7: {  	s0 =	simm.s32 @!p0 $0x3  }
0xd8: {  	_ =	swait.ge @!p0 [sflag:s0], s1  }
0xd9: {  	s1 =	ssub.s32 @!p0 $0x0, s1;
	[sflag:s0] =	ssyncset.done @!p0 $0x0  }
0xda: {  	[sflag:s0] =	ssyncadd.s32 @!p0 s1  }
0xdb: {  	[bflag:$0x3] =	sbarrier.arrive $0xFFFF  }
0xdc: {  	_ =	shalt  }

// kernel: kernel.8.cloned.1.call-start
scs
__scs_entry_jumppad:
0x0: {  	(pc) =	sbr.rel $0x88, $3  }
0x1: {  	(tag) =	ssettag $0x0;
	lr =	simm.s32 $0x1  }
0x2: {  	[smem:$0x3F96] =	sst lr;
	_ =	strace $0xD0000000  }
0x3: {  	_ = 	snop  }
0x4: {  	_ = 	snop  }
0x5: {  	_ = 	snop  }
0x6: {  	_ = 	snop  }
0x7: {  	_ = 	snop  }
__scs_overlays_trampoline_lowered:
0x8: {  	[smem:$0x3FA5] =	sst s0  }
0x9: {  	[smem:$0x3FA6] =	sst s1  }
0xa: {  	[smem:$0x3FA7] =	sst s2  }
0xb: {  	[smem:$0x3FA8] =	sst s3  }
0xc: {  	[smem:$0x3FA9] =	sst s4  }
0xd: {  	[smem:$0x3FAA] =	sst s5  }
0xe: {  	[smem:$0x3FAB] =	sst s6  }
0xf: {  	[smem:$0x3FAC] =	sst s7  }
0x10: {  	[smem:$0x3FAD] =	sst s8  }
0x11: {  	[smem:$0x3FAE] =	sst s9;
	s0 =	simm.s32 @!p0 $0x0  }
0x12: {  	s1 =	sld [smem:$0x3F94];
	s0 =	simm.s32 @p0 $0x1  }
0x13: {  	[smem:$0x3FAF] =	sst s0;
	s0 =	simm.s32 @!p1 $0x0  }
0x14: {  	s2 =	sld [smem:$0x3F93];
	s0 =	simm.s32 @p1 $0x1  }
0x15: {  	[smem:$0x3FB0] =	sst s0;
	s0 =	simm.s32 @!p2 $0x0  }
0x16: {  	s3 =	sld [smem:$0x3FDB];
	s0 =	simm.s32 @p2 $0x1  }
0x17: {  	s4 =	simm.s32 $0x1BF5;
	[smem:$0x3FB2] =	sst s0  }
0x18: {  	s0 =	sld [smem:$0x3F95];
	_ =	swait.ge [sflag:s4], $0x0  }
0x19: {  	s7 =	sld [smem:$0x3F96]  }
0x1a: {  	s8 =	sadd.s32 $0xFFFFE003, lr  }
0x1b: {  	s9 =	sadd.s32 $0xFFFFFEF7, lr;
	s5 =	simm.s32 $0xFFFFFFFF;
	p2 =	slt.u32 s8, $0xFFFFF086  }
0x1c: {  	p1 =	slt.u32 s9, $0xF7A;
	s5 =	simm.s32 @!p2 $0x0  }
0x1d: {  	s5 =	simm.s32 @p1 $0x1;
	p0 =	seq.s32 s7, s2  }
0x1e: {  	s7 =	smul.u32 @!p0 $0xF7A, s2;
	p2 =	seq.s32 @!p0 s5, $0x0  }
0x1f: {  	s9 =	smul.u32 $0xF7A, s1;
	s8 =	simm.s32 @!p0 $0x1BF5;
	p2 =	por !p2, p0  }
0x20: {  	[sflag:s8] =	ssyncset.s32 @!p0 $0xFFFFF086;
	s6 =	sadd.s32 @!p0 s3, s7;
	s7 =	simm.s32 @!p0 $0x108  }
0x21: {  	s3 =	sadd.s32 s3, s9;
	s6 =	sadd.s32 @!p0 $0x88, s6;
	s7 =	simm.s32 @p2 $0x1082  }
0x22: {  	[simem:s7], [sflag:s8] =	dma.local @!p0 [hbm:s6], $0xF7A  }
0x23: {  	s9 =	sor.u32 $0xD0000000, s2;
	s6 =	simm.s32 $0x108;
	_ =	swait.ge @!p0 [sflag:s8], $0x0  }
0x24: {  	s3 =	sadd.s32 $0x88, s3;
	s6 =	simm.s32 @!p1 $0x1082;
	[sflag:s4] =	ssyncset.s32 $0xFFFFF086  }
0x25: {  	[simem:s6], [sflag:s4] =	dma.local [hbm:s3], $0xF7A  }
0x26: {  	[smem:$0x3F96] =	sst s1;
	(tag) =	ssettag s2;
	_ =	strace s9  }
0x27: {  	s1 =	sld [smem:$0x3FA6]  }
0x28: {  	s2 =	sld [smem:$0x3FA7]  }
0x29: {  	s4 =	sld [smem:$0x3FA9]  }
0x2a: {  	p0 =	seq.s32 s5, $0x0;
	s5 =	sld [smem:$0x3FAA]  }
0x2b: {  	s6 =	sld [smem:$0x3FAB]  }
0x2c: {  	s7 =	sld [smem:$0x3FAC]  }
0x2d: {  	s3 =	simm.s32 $0x108;
	s8 =	sld [smem:$0x3FAD]  }
0x2e: {  	s3 =	simm.s32 @!p0 $0x1082;
	s9 =	sld [smem:$0x3FAE]  }
0x2f: {  	lr =	sadd.s32 s0, s3;
	s0 =	sld [smem:$0x3FA5]  }
0x30: {  	s3 =	sld [smem:$0x3FA8]  }
0x31: {  	[smem:$0x3FB1] =	sst s10  }
0x32: {  	s10 =	sld [smem:$0x3FAF];
	_ =	sdelay $0x3  }
0x33: {  	p0 =	seq.s32 s10, $0x1;
	s10 =	sld [smem:$0x3FB1];
	_ =	sdelay $0x3  }
0x34: {  	[smem:$0x3FB1] =	sst s10  }
0x35: {  	s10 =	sld [smem:$0x3FB0];
	_ =	sdelay $0x3  }
0x36: {  	p1 =	seq.s32 s10, $0x1;
	s10 =	sld [smem:$0x3FB1];
	_ =	sdelay $0x3  }
0x37: {  	[smem:$0x3FB1] =	sst s10  }
0x38: {  	s10 =	sld [smem:$0x3FB2]  }
0x39: {  	_ = 	snop;
	(pc) =	sbr.ind lr, $3  }
0x3a: {  	_ = 	snop  }
0x3b: {  	_ = 	snop  }
0x3c: {  	p2 =	seq.s32 s10, $0x1;
	s10 =	sld [smem:$0x3FB1]  }
0x3d: {  	_ =	shalt  }
0x3e: {  	_ =	shalt  }
0x3f: {  	_ =	shalt  }
0x40: {  	_ =	shalt  }
0x41: {  	_ =	shalt  }
0x42: {  	_ =	shalt  }
0x43: {  	_ =	shalt  }
0x44: {  	_ =	shalt  }
0x45: {  	_ =	shalt  }
0x46: {  	_ =	shalt  }
0x47: {  	_ =	shalt  }
0x48: {  	_ =	shalt  }
0x49: {  	_ =	shalt  }
0x4a: {  	_ =	shalt  }
0x4b: {  	_ =	shalt  }
0x4c: {  	_ =	shalt  }
0x4d: {  	_ =	shalt  }
0x4e: {  	_ =	shalt  }
0x4f: {  	_ =	shalt  }
0x50: {  	_ =	shalt  }
0x51: {  	_ =	shalt  }
0x52: {  	_ =	shalt  }
0x53: {  	_ =	shalt  }
0x54: {  	_ =	shalt  }
0x55: {  	_ =	shalt  }
0x56: {  	_ =	shalt  }
0x57: {  	_ =	shalt  }
0x58: {  	_ =	shalt  }
0x59: {  	_ =	shalt  }
0x5a: {  	_ =	shalt  }
0x5b: {  	_ =	shalt  }
0x5c: {  	_ =	shalt  }
0x5d: {  	_ =	shalt  }
0x5e: {  	_ =	shalt  }
0x5f: {  	_ =	shalt  }
0x60: {  	_ =	shalt  }
0x61: {  	_ =	shalt  }
0x62: {  	_ =	shalt  }
0x63: {  	_ =	shalt  }
0x64: {  	_ =	shalt  }
0x65: {  	_ =	shalt  }
0x66: {  	_ =	shalt  }
0x67: {  	_ =	shalt  }
0x68: {  	_ =	shalt  }
0x69: {  	_ =	shalt  }
0x6a: {  	_ =	shalt  }
0x6b: {  	_ =	shalt  }
0x6c: {  	_ =	shalt  }
0x6d: {  	_ =	shalt  }
0x6e: {  	_ =	shalt  }
0x6f: {  	_ =	shalt  }
0x70: {  	_ =	shalt  }
0x71: {  	_ =	shalt  }
0x72: {  	_ =	shalt  }
0x73: {  	_ =	shalt  }
0x74: {  	_ =	shalt  }
0x75: {  	_ =	shalt  }
0x76: {  	_ =	shalt  }
0x77: {  	_ =	shalt  }
0x78: {  	_ =	shalt  }
0x79: {  	_ =	shalt  }
0x7a: {  	_ =	shalt  }
0x7b: {  	_ =	shalt  }
0x7c: {  	_ =	shalt  }
0x7d: {  	_ =	shalt  }
0x7e: {  	_ =	shalt  }
0x7f: {  	_ =	shalt  }
0x80: {  	_ =	shalt  }
0x81: {  	_ =	shalt  }
0x82: {  	_ =	shalt  }
0x83: {  	_ =	shalt  }
0x84: {  	_ =	shalt  }
0x85: {  	_ =	shalt  }
0x86: {  	_ =	shalt  }
0x87: {  	_ =	shalt  }
.Lfunc_end0:
.L_simem_size_0:
called_computation_lowered:
.L_overlay_start_0:
0x88: {  	s2 =	sld [smem:$0x3FD9]  }
0x89: {  	s3 =	sld [smem:$0x3FFE];
	_ =	sdelay $0x1  }
0x8a: {  	s1 =	srdreg.scid  }
0x8b: {  	s0 =	sand.u32 $0x1, s1  }
0x8c: {  	s17 =	sshll.u32 s0, $0xA;
	s2 =	sadd.s32 s3, s2  }
0x8d: {  	s2 =	sadd.s32 s2, s17  }
0x8e: {  	[smem:$0x3FBD] =	sst s2  }
0x8f: {  	_ = 	snop  }
0x90: {  	s2 =	sld [smem:$0x3FD0];
	(tm) =	ssettm $0x1  }
0x91: {  	s18 =	sld [smem:$0x3FFB];
	_ =	sdelay $0x3  }
0x92: {  	_ =	strace s18  }
0x93: {  	s3 =	sld [smem:$0x3FFC];
	_ =	sdelay $0x3  }
0x94: {  	_ =	strace s3  }
0x95: {  	s3 =	sld [smem:$0x3FFD];
	_ =	sdelay $0x3  }
0x96: {  	_ =	strace s3  }
0x97: {  	_ =	strace $0x8FFFFFFF  }
0x98: {  	s19 =	sld [smem:$0x3FDB];
	_ =	sdelay $0x1  }
0x99: {  	s4 =	simm.s32 $_scs_section_size  }
0x9a: {  	s5 =	simm.s32 $_size__tile_overlayer_lowered;
	s6 =	simm.s32 $_tile_overlayer_lowered  }
0x9b: {  	s22 =	simm.s32 $0x1BFF;
	s21 =	sshll.u32 s6, $0x1;
	s3 =	sadd.s32 s4, s19  }
0x9c: {  	s7 =	simm.s32 $0x0;
	s20 =	sshll.u32 s5, $0x1;
	s5 =	sadd.s32 s21, s3  }
0x9d: {  	[timem:s7], [sflag:s22] =	dma.local [hbm:s5], s20  }
0x9e: {  	_ =	swait.ge [sflag:s22], s20  }
0x9f: {  	s4 =	ssub.s32 $0x0, s20;
	[sflag:s22] =	ssyncset.done $0x0  }
0xa0: {  	[sflag:s22] =	ssyncadd.s32 s4;
	_ =	sdelay $0x1  }
0xa1: {  	s23 =	simm.s32 $0x1B8B  }
0xa2: {  	_ =	swait.ge [sflag:s23], $0x1  }
0xa3: {  	[sflag:s23] =	ssyncset.done $0x0  }
0xa4: {  	s25 =	simm.s32 $0x1B8E;
	s24 =	sld [smem:$0x3FFE];
	[sflag:s23] =	ssyncadd.s32 $0xFFFFFFFF  }
0xa5: {  	s26 =	simm.s32 $execute0_lowered;
	[smem:$0x3FD2] =	sst s25  }
0xa6: {  	s5 =	sshll.u32 s26, $0x1;
	_ =	strace $0x80000046;
	[dreg:$0x1] =	wrdreg $0xFFFFFFFF  }
0xa7: {  	s28 =	simm.s32 $_size_execute0_lowered;
	s3 =	sadd.s32 s3, s5;
	[dreg:$0x0] =	wrdreg $0x0  }
0xa8: {  	s5 =	sshll.u32 s28, $0x1;
	[dreg:$0x2] =	wrdreg s3  }
0xa9: {  	[dreg:$0x3] =	wrdreg s5  }
0xaa: {  	[dreg:$0x4] =	wrdreg $0xC0  }
0xab: {  	_ =	task [dreg:s7], $0x5FFFF  }
0xac: {  	[dreg:$0x1] =	wrdreg $0xFFFFFFFF  }
0xad: {  	[dreg:$0x0] =	wrdreg $0x60  }
0xae: {  	[dreg:$0x2] =	wrdreg s24  }
0xaf: {  	[dreg:$0x3] =	wrdreg s2  }
0xb0: {  	[dreg:$0x4] =	wrdreg $0x50800  }
0xb1: {  	[dreg:$0x5] =	wrdreg $0x53000  }
0xb2: {  	[dreg:$0x6] =	wrdreg $0x9  }
0xb3: {  	_ =	task.clear_ibuf [dreg:s7], $0x7FFFF;
	_ =	strace $0x90000046  }
0xb4: {  	s29 =	simm.s32 $0x9;
	_ =	strace $0x80000048  }
0xb5: {  	_ =	swait.ge [sflag:s29], $0x1  }
0xb6: {  	[sflag:s29] =	ssyncadd.s32 $0xFFFFFFFF  }
0xb7: {  	_ =	strace $0x90000048  }
0xb8: {  	_ =	sfence  }
0xb9: {  	s30 =	sld [smem:$0x0];
	_ =	sdelay $0x2  }
0xba: {  	s31 =	sshll.u32 s1, $0xD;
	s1 =	sshrl.u32 s1, $0x2  }
0xbb: {  	s3 =	sand.u32 $0x4000, s31;
	s1 =	sadd.s32 s1, s30  }
0xbc: {  	s0 =	sor.u32 s3, s0;
	s1 =	sshll.u32 s1, $0x11  }
0xbd: {  	s0 =	sor.u32 s1, s0  }
0xbe: {  	s0 =	sadd.s32 $0x8F2B, s0  }
0xbf: {  	[sflag:s0] =	ssyncadd.remote.s32 $0x1  }
0xc0: {  	_ =	sfence.sel $0xFFFF  }
0xc1: {  	[dreg:$0x0] =	wrdreg $0xFFFFFFFF;
	(pc) =	sbr.abs _section_cstart, $3  }
0xc2: {  	[dreg:$0x1] =	wrdreg $0xFFFFFFFF  }
0xc3: {  	_ =	task.clear_ibuf [dreg:s7], $0x2FFFF;
	_ =	strace $0x9FFFFFFF  }
0xc4: {  	(tm) =	ssettm $0x7FFFFFFF  }
0xc5: {  	_ =	shalt  }
tec
execute0_lowered:
.L_overlay_start_1:
0x0: {  	(tag) =	ssettag $0x1  }
0x1: {  	s5 =	rddreg [dreg:$0x0]  }
0x2: {  	s12 =	rddreg [dreg:$0x1]  }
0x3: {  	s2 =	rddreg [dreg:$0x2]  }
0x4: {  	s0 =	srdreg.scid;
	s3 =	rddreg [dreg:$0x3]  }
0x5: {  	s4 =	simm.s32 $0x0;
	s8 =	sand.u32 $0x1, s0;
	s0 =	stileid.u32  }
0x6: {  	s21 =	simm.s32 $0x80;
	s22 =	simm.s32 $0x5000;
	s11 =	smul.u32 $0x280, s0  }
0x7: {  	s23 =	simm.s32 $0x20;
	s24 =	simm.s32 $0x10;
	s15 =	smul.u32 $0x5000, s8  }
0x8: {  	s25 =	simm.s32 $0x2;
	s26 =	simm.s32 $0x0;
	s29 =	smul.u32 $0x500, s0  }
0x9: {  	[smem:$0x7FF] =	sst s4;
	s1 =	sshll.u32 s8, $0x4;
	s17 =	smul.u32 $0x500, s8  }
0xa: {  	s10 =	ssub.s32 $0x2, s8;
	s18 =	smul.u32 $0x50, s0;
	s1 =	sor.u32 s0, s1  }
0xb: {  	s13 =	sshrl.u32 s10, $0x1;
	s6 =	smul.u32 $0x50, s1;
	s1 =	rddreg [dreg:$0x4]  }
0xc: {  	_ =	strace $0x80000047;
	s16 =	ssub.s32 s10, s13;
	s19 =	sadd.s32 s11, s2  }
0xd: {  	s20 =	sadd.s32 s11, s3;
	s30 =	sadd.s32 s18, s17;
	s17 =	simm.s32 $0x2800  }
0xe: {  	s18 =	sshrl.u32 s19, $0x3;
	s19 =	sshrl.u32 s20, $0x3;
	s7 =	smin.u32 s6, $0x978  }
0xf: {  	s20 =	simm.s32 $0x1;
	s14 =	ssub.s32 $0x9C4, s6;
	s9 =	sshll.u32 s7, $0x4  }
0x10: {  	s28 =	smin.u32 s14, $0x50;
	s6 =	ssub.s32 s6, s7;
	s14 =	sadd.s32 s29, s15  }
0x11: {  	s15 =	smax.u32 s30, $0x978;
	s9 =	sadd.s32 s9, s5;
	s5 =	sadd.s32 $0x16400, s5  }
0x12: {  	s14 =	sshrl.u32 s14, $0x3;
	s11 =	sadd.s32 s28, s6;
	s31 =	sshll.u32 s15, $0x7  }
0x13: {  	s7 =	sadd.s32 $0xC600, s9;
	s8 =	sadd.s32 $0x2800, s9;
	s9 =	sshll.u32 s0, $0x6  }
0x14: {  	s12 =	sadd.s32 s12, s14;
	s14 =	smax.u32 s16, $0x1;
	s15 =	sadd.s32 $0xFFFB4400, s31  }
0x15: {  	v0 =	vimm.f32 $1.000000000e+00;
	s16 =	sadd.s32 $0xFFFB6C00, s31;
	s10 =	sor.u32 $0x1C01, s9;
	s13 =	sadd.s32 $0x10, s12  }
.LBB2_1:
0x16: {  	[tilespmem:s4], [sflag:$0x1] =	stream.linear.gather [hbm4b:s7+s4], $0x2800, $0x38;
	[tilespmem:$0x5580] =	vst v63  }
0x17: {  	_ = 	snop  }
0x18: {  	[tilespmem:s17], [sflag:$0x1] =	stream.linear.gather [hbm4b:s8+s4], $0x2800, $0x38;
	[tilespmem:$0x5580] =	vst v63  }
0x19: {  	[spmem:s18], [sflag:s10] =	dma.local [hbm:s5], $0x50  }
0x1a: {  	[spmem:s19], [sflag:s10] =	dma.local [hbm:s5], $0x50;
	[tilespmem:$0x5000] =	vst v0  }
0x1b: {  	[tilespmem:$0x5010] =	vst v0  }
0x1c: {  	[tilespmem:$0x5020] =	vst v0  }
0x1d: {  	[tilespmem:$0x5030] =	vst v0  }
0x1e: {  	[tilespmem:$0x5040] =	vst v0  }
0x1f: {  	[tilespmem:$0x5050] =	vst v0  }
0x20: {  	[tilespmem:$0x5060] =	vst v0  }
0x21: {  	[tilespmem:$0x5070] =	vst v0  }
0x22: {  	_ =	swait.ge [sflag:s20], $0x2800  }
0x23: {  	[sflag:s20] =	ssyncset.done $0x0  }
0x24: {  	[sflag:s20] =	ssyncadd.s32 $0xFFFFD800  }
0x25: {  	_ =	swait.ge [sflag:s20], $0x2800  }
0x26: {  	[sflag:s20] =	ssyncset.done $0x0  }
0x27: {  	[sflag:s20] =	ssyncadd.s32 $0xFFFFD800  }
0x28: {  	_ =	swait.ge [sflag:s20], $0x50  }
0x29: {  	s28 =	sadd.s32 $0x1, s6;
	[sflag:s20] =	ssyncset.done $0x0  }
0x2a: {  	p0 =	slt.u32 s28, s11;
	[sflag:s20] =	ssyncadd.s32 $0xFFFFFFB0  }
.Ltmp0:
0x2b: {  	_ =	swait.ge [sflag:s20], $0x50;
	(pc) =	sbr.rel @!p0 .LBB2_3-.Ltmp0, $4  }
0x2c: {  	[sflag:s20] =	ssyncset.done $0x0  }
0x2d: {  	s29 =	sadd.s32 $0x80, s16;
	[sflag:s20] =	ssyncadd.s32 $0xFFFFFFB0  }
0x2e: {  	s30 =	sadd.s32 $0x80, s15;
	s31 =	smov.u32 s15;
	[bflag:$0x0] =	sbarrier.arrive $0xFFFF  }
0x2f: {  	[spmem:s2] =	stream.indirect.scatter.add.f32 [tilespmem:s22], [sflag:$0x1], $0x1, s16, s21, $0xb8;
	[tilespmem:$0x5580] =	vst v63  }
.LBB2_2:
0x30: {  	[spmem:s3] =	stream.indirect.scatter.add.f32 [tilespmem:s22], [sflag:$0x1], $0x1, s31, s21, $0xb8;
	[tilespmem:$0x5580] =	vst v63  }
0x31: {  	s28 =	sadd.s32 $0x1, s28  }
0x32: {  	p0 =	slt.u32 s28, s11  }
.Ltmp1:
0x33: {  	s31 =	smov.u32 s30;
	(pc) =	sbr.rel @p0 .LBB2_2-.Ltmp1, $3  }
0x34: {  	_ =	sdelay $0x1  }
0x35: {  	[spmem:s2] =	stream.indirect.scatter.add.f32 [tilespmem:s22], [sflag:$0x1], $0x1, s29, s21, $0xb8;
	[tilespmem:$0x5580] =	vst v63  }
0x36: {  	s30 =	sadd.s32 $0x80, s30;
	s29 =	sadd.s32 $0x80, s29  }
.LBB2_3:
0x37: {  	[spmem:s3] =	stream.indirect.scatter.add.f32 [tilespmem:s22], [sflag:$0x1], $0x1, s31, s21, $0xb8;
	[tilespmem:$0x5580] =	vst v63  }
0x38: {  	s28 =	sadd.s32 $0x1, s6  }
0x39: {  	p0 =	slt.u32 s28, s11  }
.Ltmp2:
0x3a: {  	_ =	swait.ge [sflag:s20], $0x80;
	(pc) =	sbr.rel @!p0 .LBB2_5-.Ltmp2, $4  }
0x3b: {  	[sflag:s20] =	ssyncset.done $0x0  }
0x3c: {  	[sflag:s20] =	ssyncadd.s32 $0xFFFFFF80  }
0x3d: {  	_ =	swait.ge [sflag:s20], $0x80  }
0x3e: {  	[sflag:s20] =	ssyncset.done $0x0  }
.LBB2_4:
0x3f: {  	s28 =	sadd.s32 $0x1, s28  }
0x40: {  	[sflag:s20] =	ssyncadd.s32 $0xFFFFFF80;
	p0 =	slt.u32 s28, s11  }
.Ltmp3:
0x41: {  	_ =	swait.ge [sflag:s20], $0x80;
	(pc) =	sbr.rel @p0 .LBB2_4-.Ltmp3, $4  }
0x42: {  	[sflag:s20] =	ssyncset.done $0x0  }
0x43: {  	[sflag:s20] =	ssyncadd.s32 $0xFFFFFF80  }
0x44: {  	_ =	swait.ge [sflag:s20], $0x80  }
0x45: {  	[sflag:s20] =	ssyncset.done $0x0  }
.LBB2_5:
0x46: {  	[sflag:s20] =	ssyncadd.s32 $0xFFFFFF80  }
0x47: {  	s28 =	sor.u32 $0x1C02, s9;
	[bflag:$0x0] =	sbarrier.arrive $0xFFFF  }
0x48: {  	[hbm:s12@s23], [sflag:s28] =	dma.strided [spmem:s18@s24], $0x50, s20, $0x10   }
0x49: {  	s26 =	sadd.s32 $0x1, s26;
	_ =	swait.ge [sflag:s25], $0x50  }
0x4a: {  	p0 =	sne.s32 s26, s14;
	[sflag:s25] =	ssyncset.done $0x0  }
.Ltmp4:
0x4b: {  	[sflag:s25] =	ssyncadd.s32 $0xFFFFFFB0;
	(pc) =	sbr.rel @p0 .LBB2_1-.Ltmp4, $4  }
0x4c: {  	[hbm:s13@s23], [sflag:s28] =	dma.strided [spmem:s19@s24], $0x50, s20, $0x10   }
0x4d: {  	_ =	swait.ge [sflag:s25], $0x50  }
0x4e: {  	[sflag:s25] =	ssyncset.done $0x0  }
0x4f: {  	[sflag:s25] =	ssyncadd.s32 $0xFFFFFFB0  }
0x50: {  	_ =	sfence.sel $0x180000  }
0x51: {  	[bflag:$0x0] =	sbarrier.arrive $0xFFFF  }
0x52: {  	p0 =	sne.s32 s0, $0x0;
	_ =	strace $0x90000047  }
0x53: {  	s0 =	sadd.s32 @!p0 $0x100000, s1;
	[bflag:$0x2] =	sbarrier.arrive $0xFFFF  }
0x54: {  	[sflag:s0] =	ssyncadd.tile.s32 @!p0 $0x1;
	_ =	shalt  }
.Lfunc_end2:
_tile_overlayer_lowered:
.L_overlay_start_2:
0x55: {  	(tag) =	ssettag $0x2  }
0x56: {  	s0 =	rddreg [dreg:$0x0];
	s2 =	stileid.u32  }
0x57: {  	s1 =	rddreg [dreg:$0x1];
	p0 =	sne.s32 s2, $0x0  }
0x58: {  	s3 =	rddreg [dreg:$0x2];
	[bflag:$0x3] =	sbarrier.arrive $0xFFFF;
	s2 =	simm.s32 @!p0 $0x1C02  }
0x59: {  	[timem:s3], [sflag:s2] =	dma.local @!p0 [hbm:s0], s1  }
0x5a: {  	s0 =	simm.s32 @!p0 $0x2  }
0x5b: {  	_ =	swait.ge @!p0 [sflag:s0], s1  }
0x5c: {  	s1 =	ssub.s32 @!p0 $0x0, s1;
	[sflag:s0] =	ssyncset.done @!p0 $0x0  }
0x5d: {  	[sflag:s0] =	ssyncadd.s32 @!p0 s1  }
0x5e: {  	[bflag:$0x3] =	sbarrier.arrive $0xFFFF  }
0x5f: {  	_ =	shalt  }

</sc_bundles>
